<compile_context>
chip_gen: v7x
topology: tpu7x:2x2x1
jax: 0.10.2.dev20260603
libtpu: 0.0.44.dev20260713+nightly
codegen_flags: <defaults>
</compile_context>

<pallas_src>
import functools

import jax
import jax.numpy as jnp
from jax import lax
from jax.experimental import pallas as pl
from jax.experimental.pallas import tpu as pltpu
from jax.experimental.pallas import tpu_sc as plsc

N = 10000
D = 128
E = 320000
NC = 2
NS = 16
NW = NC * NS
EPT = E // NW
KB = 125
NCH = EPT // KB
NPAD = 10240
STRIPE = NPAD // NS
BR = 2000

_mesh = plsc.VectorSubcoreMesh(
    core_axis_name="c", subcore_axis_name="s", num_cores=NC, num_subcores=NS
)


@functools.partial(
    pl.kernel,
    out_type=jax.ShapeDtypeStruct((4, NPAD), jnp.float32),
    mesh=_mesh,
    scratch_types=[
        pltpu.VMEM((NCH, KB), jnp.int32),
        pltpu.VMEM((NCH, KB), jnp.int32),
        pltpu.VMEM((128,), jnp.float32),
        pltpu.VMEM((STRIPE,), jnp.float32),
        pltpu.VMEM_SHARED((NPAD,), jnp.float32),
        pltpu.VMEM_SHARED((NPAD,), jnp.float32),
        pltpu.SemaphoreType.DMA,
        pltpu.SemaphoreType.DMA,
        pltpu.SemaphoreType.DMA,
    ],
)
def _deg_kernel(ei_hbm, deg_out, sidx, didx, ones_v, zb, od_sh, id_sh,
                semi, s1, s2):
    c = lax.axis_index("c")
    s = lax.axis_index("s")
    wid = s * NC + c

    cps = pltpu.async_copy(ei_hbm.at[0, wid], sidx, semi)
    cpd = pltpu.async_copy(ei_hbm.at[1, wid], didx, semi)

    for j in range(8):
        ones_v[pl.ds(j * 16, 16)] = jnp.ones((16,), jnp.float32)

    def zbody(i, _):
        zb[pl.ds(i * 16, 16)] = jnp.zeros((16,), jnp.float32)
        return 0

    lax.fori_loop(0, STRIPE // 16, zbody, 0)
    pltpu.sync_copy(zb, od_sh.at[pl.ds(s * STRIPE, STRIPE)])
    pltpu.sync_copy(zb, id_sh.at[pl.ds(s * STRIPE, STRIPE)])
    cps.wait()
    cpd.wait()
    plsc.subcore_barrier()

    onesk = ones_v.at[pl.ds(0, KB)]

    def body(i, _):
        pltpu.async_copy(onesk, od_sh.at[sidx.at[i]], s1, add=True)
        pltpu.async_copy(onesk, id_sh.at[didx.at[i]], s2, add=True)
        return 0

    lax.fori_loop(0, NCH, body, 0)

    def drain(i, _):
        pltpu.make_async_copy(onesk, od_sh.at[sidx.at[0]], s1).wait()
        pltpu.make_async_copy(onesk, id_sh.at[didx.at[0]], s2).wait()
        return 0

    lax.fori_loop(0, NCH, drain, 0)
    plsc.subcore_barrier()

    pltpu.sync_copy(
        od_sh.at[pl.ds(s * STRIPE, STRIPE)],
        deg_out.at[2 * c, pl.ds(s * STRIPE, STRIPE)],
    )
    pltpu.sync_copy(
        id_sh.at[pl.ds(s * STRIPE, STRIPE)],
        deg_out.at[2 * c + 1, pl.ds(s * STRIPE, STRIPE)],
    )


@functools.partial(
    pl.kernel,
    out_type=jax.ShapeDtypeStruct((NC, NPAD, D), jnp.float32),
    mesh=_mesh,
    scratch_types=[
        pltpu.VMEM((NCH, KB), jnp.int32),
        pltpu.VMEM((KB,), jnp.int32),
        pltpu.VMEM((KB,), jnp.int32),
        pltpu.VMEM((KB, D), jnp.float32),
        pltpu.VMEM((KB, D), jnp.float32),
        pltpu.VMEM_SHARED((NPAD, D), jnp.float32),
        pltpu.SemaphoreType.DMA,
        pltpu.SemaphoreType.DMA,
        pltpu.SemaphoreType.DMA,
        pltpu.SemaphoreType.DMA,
        pltpu.SemaphoreType.DMA,
        pltpu.SemaphoreType.DMA,
    ],
)
def _scatter_kernel(h_hbm, ei_hbm, agg_out, sidx, didxA, didxB,
                    rowsA, rowsB, agg_sh, semi, dA, dB, gA, gB, ssem):
    c = lax.axis_index("c")
    s = lax.axis_index("s")
    wid = s * NC + c

    cps = pltpu.async_copy(ei_hbm.at[0, wid], sidx, semi)

    def zbody(r, _):
        for j in range(D // 16):
            rowsA[r, pl.ds(j * 16, 16)] = jnp.zeros((16,), jnp.float32)
        return 0

    lax.fori_loop(0, KB, zbody, 0)
    rz = rowsA.at[pl.ds(0, 80)]
    for b in range(STRIPE // 80):
        pltpu.sync_copy(rz, agg_sh.at[pl.ds(s * STRIPE + b * 80, 80)])
    cps.wait()
    pltpu.async_copy(ei_hbm.at[1, wid, 0], didxA, dA)
    pltpu.async_copy(h_hbm.at[sidx.at[0]], rowsA, gA)
    pltpu.async_copy(ei_hbm.at[1, wid, 1], didxB, dB)
    pltpu.async_copy(h_hbm.at[sidx.at[1]], rowsB, gB)
    plsc.subcore_barrier()

    def body(j, _):
        i0 = 2 * j
        pltpu.make_async_copy(h_hbm.at[sidx.at[0]], rowsA, gA).wait()
        pltpu.make_async_copy(ei_hbm.at[1, wid, 0], didxA, dA).wait()
        pltpu.async_copy(rowsA, agg_sh.at[didxA], ssem, add=True)
        pltpu.make_async_copy(rowsA, agg_sh.at[didxA], ssem).wait()

        @pl.when(j < NCH // 2 - 1)
        def _():
            pltpu.async_copy(ei_hbm.at[1, wid, i0 + 2], didxA, dA)
            pltpu.async_copy(h_hbm.at[sidx.at[i0 + 2]], rowsA, gA)

        pltpu.make_async_copy(h_hbm.at[sidx.at[1]], rowsB, gB).wait()
        pltpu.make_async_copy(ei_hbm.at[1, wid, 1], didxB, dB).wait()
        pltpu.async_copy(rowsB, agg_sh.at[didxB], ssem, add=True)
        pltpu.make_async_copy(rowsB, agg_sh.at[didxB], ssem).wait()

        @pl.when(j < NCH // 2 - 1)
        def _():
            pltpu.async_copy(ei_hbm.at[1, wid, i0 + 3], didxB, dB)
            pltpu.async_copy(h_hbm.at[sidx.at[i0 + 3]], rowsB, gB)

        return 0

    lax.fori_loop(0, NCH // 2, body, 0)
    plsc.subcore_barrier()

    pltpu.sync_copy(
        agg_sh.at[pl.ds(s * STRIPE, STRIPE)],
        agg_out.at[c, pl.ds(s * STRIPE, STRIPE)],
    )


def _prep_body(x_ref, w_ref, deg_ref, h_ref):
    d = deg_ref[...]
    on = lax.rsqrt(jnp.maximum(d[:, 0] + d[:, 2], 1.0))
    h_ref[...] = jnp.dot(
        x_ref[...] * on[:, None], w_ref[...], preferred_element_type=jnp.float32
    )


_prep_call = pl.pallas_call(
    _prep_body,
    grid=(N // BR,),
    in_specs=[
        pl.BlockSpec((BR, D), lambda i: (i, 0)),
        pl.BlockSpec((D, D), lambda i: (0, 0)),
        pl.BlockSpec((BR, 4), lambda i: (i, 0)),
    ],
    out_specs=pl.BlockSpec((BR, D), lambda i: (i, 0)),
    out_shape=jax.ShapeDtypeStruct((N, D), jnp.float32),
)


def _mid_body(agg_ref, deg_ref, b1_ref, w2_ref, h_ref):
    d = deg_ref[...]
    on = lax.rsqrt(jnp.maximum(d[:, 0] + d[:, 2], 1.0))
    inn = lax.rsqrt(jnp.maximum(d[:, 1] + d[:, 3], 1.0))
    a = (agg_ref[0] + agg_ref[1]) * inn[:, None] + b1_ref[...]
    h = jnp.maximum(a, 0.0) * on[:, None]
    h_ref[...] = jnp.dot(h, w2_ref[...], preferred_element_type=jnp.float32)


_mid_call = pl.pallas_call(
    _mid_body,
    grid=(N // BR,),
    in_specs=[
        pl.BlockSpec((NC, BR, D), lambda i: (0, i, 0)),
        pl.BlockSpec((BR, 4), lambda i: (i, 0)),
        pl.BlockSpec((1, D), lambda i: (0, 0)),
        pl.BlockSpec((D, D), lambda i: (0, 0)),
    ],
    out_specs=pl.BlockSpec((BR, D), lambda i: (i, 0)),
    out_shape=jax.ShapeDtypeStruct((N, D), jnp.float32),
)


def _final_body(agg_ref, deg_ref, b2_ref, out_ref):
    d = deg_ref[...]
    inn = lax.rsqrt(jnp.maximum(d[:, 1] + d[:, 3], 1.0))
    out_ref[...] = (agg_ref[0] + agg_ref[1]) * inn[:, None] + b2_ref[...]


_final_call = pl.pallas_call(
    _final_body,
    grid=(N // BR,),
    in_specs=[
        pl.BlockSpec((NC, BR, D), lambda i: (0, i, 0)),
        pl.BlockSpec((BR, 4), lambda i: (i, 0)),
        pl.BlockSpec((1, D), lambda i: (0, 0)),
    ],
    out_specs=pl.BlockSpec((BR, D), lambda i: (i, 0)),
    out_shape=jax.ShapeDtypeStruct((N, D), jnp.float32),
)


def kernel(in_feat, edge_index, W1, b1, W2, b2):
    ei4 = edge_index.reshape(2, NW, NCH, KB)
    degT = _deg_kernel(ei4)
    deg = degT.T
    h1s = _prep_call(in_feat, W1, deg)
    agg1 = _scatter_kernel(h1s, ei4)
    h2s = _mid_call(agg1, deg, b1.reshape(1, D), W2)
    agg2 = _scatter_kernel(h2s, ei4)
    return _final_call(agg2, deg, b2.reshape(1, D))

# --- scband reference (transcript-rebuilt; emitter-appended) ---
"""Pipeline reference for scband-gcn-21414706938556 (READ-ONLY COPY).

The authoritative reference and input builder live on the scoring server;
editing this copy changes nothing except your own understanding.
"""

import jax, jax.numpy as jnp
import numpy as np

N = 10000
E = 320000
D = 128
H = 128


def setup_inputs(seed: int = 0) -> dict:
    key = jax.random.key(seed)
    k1, k2, k3, k4 = jax.random.split(key, 4)
    in_feat = jax.random.normal(k1, (N, D), dtype=jnp.float32)
    edge_index = jax.random.randint(k2, (2, E), 0, N, dtype=jnp.int32)
    # GraphConv weights (glorot-like init) and biases, per DGL GraphConv defaults
    W1 = jax.random.normal(k3, (D, H), dtype=jnp.float32) * (1.0 / np.sqrt(D))
    b1 = jnp.zeros((H,), dtype=jnp.float32)
    W2 = jax.random.normal(k4, (H, D), dtype=jnp.float32) * (1.0 / np.sqrt(H))
    b2 = jnp.zeros((D,), dtype=jnp.float32)
    return {"in_feat": in_feat, "edge_index": edge_index, "W1": W1, "b1": b1, "W2": W2, "b2": b2}


def _graph_conv(x, src, dst, W, b, n):
    # DGL GraphConv with norm='both': D_out^{-1/2} on source side,
    # copy-src message + sum aggregation, D_in^{-1/2} on dest side, then bias.
    ones = jnp.ones((src.shape[0],), dtype=x.dtype)
    out_deg = jax.ops.segment_sum(ones, src, num_segments=n)
    in_deg = jax.ops.segment_sum(ones, dst, num_segments=n)
    out_norm = jnp.power(jnp.clip(out_deg, 1.0, None), -0.5)
    in_norm = jnp.power(jnp.clip(in_deg, 1.0, None), -0.5)
    h = x * out_norm[:, None]
    h = h @ W  # in_feats == out_feats so matmul order is equivalent
    msg = jnp.take(h, src, axis=0)
    agg = jax.ops.segment_sum(msg, dst, num_segments=n)
    agg = agg * in_norm[:, None]
    return agg + b


def reference(in_feat, edge_index, W1, b1, W2, b2):
    src = edge_index[0]
    dst = edge_index[1]
    n = in_feat.shape[0]
    h = _graph_conv(in_feat, src, dst, W1, b1, n)
    h = jax.nn.relu(h)
    h = _graph_conv(h, src, dst, W2, b2, n)
    return h

if __name__ == "__main__":
    import jax
    _d = setup_inputs()
    print(jax.jit(kernel)(*tuple(_d.values())))

</pallas_src>

<mosaic_0001>
#map = affine_map<(d0, d1) -> (0, 0)>
#map1 = affine_map<(d0, d1) -> (0, 0, 0, 0)>
#map2 = affine_map<(d0, d1) -> (0, 0, 0)>
module attributes {stable_mosaic.version = 14 : i64} {
  func.func @_scatter_kernel(%arg0: i32, %arg1: i32, %arg2: memref<10000x128xf32, #tpu.memory_space<hbm>>, %arg3: memref<2x32x80x125xi32, #tpu.memory_space<hbm>>, %arg4: memref<2x10240x128xf32, #tpu.memory_space<hbm>>, %arg5: memref<80x125xi32, #tpu.memory_space<vmem>>, %arg6: memref<125xi32, #tpu.memory_space<vmem>>, %arg7: memref<125xi32, #tpu.memory_space<vmem>>, %arg8: memref<125x128xf32, #tpu.memory_space<vmem>>, %arg9: memref<125x128xf32, #tpu.memory_space<vmem>>, %arg10: memref<10240x128xf32, #tpu.memory_space<vmem_shared>>, %arg11: memref<!tpu.dma_semaphore, #tpu.memory_space<semaphore_mem>>, %arg12: memref<!tpu.dma_semaphore, #tpu.memory_space<semaphore_mem>>, %arg13: memref<!tpu.dma_semaphore, #tpu.memory_space<semaphore_mem>>, %arg14: memref<!tpu.dma_semaphore, #tpu.memory_space<semaphore_mem>>, %arg15: memref<!tpu.dma_semaphore, #tpu.memory_space<semaphore_mem>>, %arg16: memref<!tpu.dma_semaphore, #tpu.memory_space<semaphore_mem>>) attributes {dimension_semantics = [#tpu.dimension_semantics<core_parallel>, #tpu.dimension_semantics<subcore_parallel>], iteration_bounds = array<i64: 2, 16>, scalar_prefetch = 0 : i64, scratch_operands = 12 : i64, tpu.core_type = #tpu.core_type<sc_vector_subcore>, window_params = [{transform_indices = #map}, {transform_indices = #map1}, {transform_indices = #map2}]} {
    %mul3A = arith.constant 2 : i32
    %mul3A_0 = arith.muli %arg1, %mul3A : i32
    %add3A = arith.addi %mul3A_0, %arg0 : i32
    %dma_start3A = arith.constant 0 : i32
    %dma_start3A_1 = arith.constant 0 : i32
    %dma_start3A_2 = arith.constant 0 : i32
    %dma_start3A_3 = tpu.memref_slice %arg3[%dma_start3A, %add3A, %dma_start3A_1, %dma_start3A_2] : memref<2x32x80x125xi32, #tpu.memory_space<hbm>> -> memref<1x1x80x125xi32, #tpu.memory_space<hbm>>
    %dma_start3A_4 = tpu.memref_squeeze %dma_start3A_3 : memref<1x1x80x125xi32, #tpu.memory_space<hbm>> -> memref<80x125xi32, #tpu.memory_space<hbm>>
    %dma_start3A_5 = arith.constant 0 : i32
    %dma_start3A_6 = arith.constant 0 : i32
    %dma_start3A_7 = tpu.memref_slice %arg3[%dma_start3A, %add3A, %dma_start3A_5, %dma_start3A_6] : memref<2x32x80x125xi32, #tpu.memory_space<hbm>> -> memref<1x1x80x125xi32, #tpu.memory_space<hbm>>
    %dma_start3A_8 = tpu.memref_squeeze %dma_start3A_7 : memref<1x1x80x125xi32, #tpu.memory_space<hbm>> -> memref<80x125xi32, #tpu.memory_space<hbm>>
    tpu.enqueue_dma source(%dma_start3A_8 : memref<80x125xi32, #tpu.memory_space<hbm>>) target(%arg5 : memref<80x125xi32, #tpu.memory_space<vmem>>) target_semaphore(%arg11 : memref<!tpu.dma_semaphore, #tpu.memory_space<semaphore_mem>>)
    %scan3A = arith.constant 0 : i32
    %scan3A_9 = arith.constant 0 : i32
    %scan3A_10 = arith.constant 125 : i32
    %scan3A_11 = arith.addi %scan3A_9, %scan3A_10 : i32
    %scan3A_12 = arith.constant 1 : i32
    %scan3A_13 = scf.for %scan3A_97 = %scan3A_9 to %scan3A_11 step %scan3A_12 iter_args(%scan3A_98 = %scan3A) -> (i32)  : i32 {
      %broadcast_in_dim3A = arith.constant 0.000000e+00 : f32
      %broadcast_in_dim3A_99 = vector.broadcast %broadcast_in_dim3A : f32 to vector<16xf32>
      %swap3A = arith.index_cast %scan3A_97 : i32 to index
      %swap3A_100 = arith.constant 0 : index
      %swap3A_101 = tpu.vector_load %arg8[%swap3A, %swap3A_100] {strides = array<i32>} : memref<125x128xf32, #tpu.memory_space<vmem>>, vector<1x16xf32>,
      %swap3A_102 = vector.shape_cast %swap3A_101 : vector<1x16xf32> to vector<16xf32>
      %swap3A_103 = vector.shape_cast %broadcast_in_dim3A_99 : vector<16xf32> to vector<1x16xf32>
      tpu.vector_store %arg8[%swap3A, %swap3A_100], %swap3A_103 {strides = array<i32>} : memref<125x128xf32, #tpu.memory_space<vmem>>, vector<1x16xf32>,
      %broadcast_in_dim3A_104 = arith.constant 0.000000e+00 : f32
      %broadcast_in_dim3A_105 = vector.broadcast %broadcast_in_dim3A_104 : f32 to vector<16xf32>
      %swap3A_106 = arith.index_cast %scan3A_97 : i32 to index
      %swap3A_107 = arith.constant 16 : index
      %swap3A_108 = tpu.vector_load %arg8[%swap3A_106, %swap3A_107] {strides = array<i32>} : memref<125x128xf32, #tpu.memory_space<vmem>>, vector<1x16xf32>,
      %swap3A_109 = vector.shape_cast %swap3A_108 : vector<1x16xf32> to vector<16xf32>
      %swap3A_110 = vector.shape_cast %broadcast_in_dim3A_105 : vector<16xf32> to vector<1x16xf32>
      tpu.vector_store %arg8[%swap3A_106, %swap3A_107], %swap3A_110 {strides = array<i32>} : memref<125x128xf32, #tpu.memory_space<vmem>>, vector<1x16xf32>,
      %broadcast_in_dim3A_111 = arith.constant 0.000000e+00 : f32
      %broadcast_in_dim3A_112 = vector.broadcast %broadcast_in_dim3A_111 : f32 to vector<16xf32>
      %swap3A_113 = arith.index_cast %scan3A_97 : i32 to index
      %swap3A_114 = arith.constant 32 : index
      %swap3A_115 = tpu.vector_load %arg8[%swap3A_113, %swap3A_114] {strides = array<i32>} : memref<125x128xf32, #tpu.memory_space<vmem>>, vector<1x16xf32>,
      %swap3A_116 = vector.shape_cast %swap3A_115 : vector<1x16xf32> to vector<16xf32>
      %swap3A_117 = vector.shape_cast %broadcast_in_dim3A_112 : vector<16xf32> to vector<1x16xf32>
      tpu.vector_store %arg8[%swap3A_113, %swap3A_114], %swap3A_117 {strides = array<i32>} : memref<125x128xf32, #tpu.memory_space<vmem>>, vector<1x16xf32>,
      %broadcast_in_dim3A_118 = arith.constant 0.000000e+00 : f32
      %broadcast_in_dim3A_119 = vector.broadcast %broadcast_in_dim3A_118 : f32 to vector<16xf32>
      %swap3A_120 = arith.index_cast %scan3A_97 : i32 to index
      %swap3A_121 = arith.constant 48 : index
      %swap3A_122 = tpu.vector_load %arg8[%swap3A_120, %swap3A_121] {strides = array<i32>} : memref<125x128xf32, #tpu.memory_space<vmem>>, vector<1x16xf32>,
      %swap3A_123 = vector.shape_cast %swap3A_122 : vector<1x16xf32> to vector<16xf32>
      %swap3A_124 = vector.shape_cast %broadcast_in_dim3A_119 : vector<16xf32> to vector<1x16xf32>
      tpu.vector_store %arg8[%swap3A_120, %swap3A_121], %swap3A_124 {strides = array<i32>} : memref<125x128xf32, #tpu.memory_space<vmem>>, vector<1x16xf32>,
      %broadcast_in_dim3A_125 = arith.constant 0.000000e+00 : f32
      %broadcast_in_dim3A_126 = vector.broadcast %broadcast_in_dim3A_125 : f32 to vector<16xf32>
      %swap3A_127 = arith.index_cast %scan3A_97 : i32 to index
      %swap3A_128 = arith.constant 64 : index
      %swap3A_129 = tpu.vector_load %arg8[%swap3A_127, %swap3A_128] {strides = array<i32>} : memref<125x128xf32, #tpu.memory_space<vmem>>, vector<1x16xf32>,
      %swap3A_130 = vector.shape_cast %swap3A_129 : vector<1x16xf32> to vector<16xf32>
      %swap3A_131 = vector.shape_cast %broadcast_in_dim3A_126 : vector<16xf32> to vector<1x16xf32>
      tpu.vector_store %arg8[%swap3A_127, %swap3A_128], %swap3A_131 {strides = array<i32>} : memref<125x128xf32, #tpu.memory_space<vmem>>, vector<1x16xf32>,
      %broadcast_in_dim3A_132 = arith.constant 0.000000e+00 : f32
      %broadcast_in_dim3A_133 = vector.broadcast %broadcast_in_dim3A_132 : f32 to vector<16xf32>
      %swap3A_134 = arith.index_cast %scan3A_97 : i32 to index
      %swap3A_135 = arith.constant 80 : index
      %swap3A_136 = tpu.vector_load %arg8[%swap3A_134, %swap3A_135] {strides = array<i32>} : memref<125x128xf32, #tpu.memory_space<vmem>>, vector<1x16xf32>,
      %swap3A_137 = vector.shape_cast %swap3A_136 : vector<1x16xf32> to vector<16xf32>
      %swap3A_138 = vector.shape_cast %broadcast_in_dim3A_133 : vector<16xf32> to vector<1x16xf32>
      tpu.vector_store %arg8[%swap3A_134, %swap3A_135], %swap3A_138 {strides = array<i32>} : memref<125x128xf32, #tpu.memory_space<vmem>>, vector<1x16xf32>,
      %broadcast_in_dim3A_139 = arith.constant 0.000000e+00 : f32
      %broadcast_in_dim3A_140 = vector.broadcast %broadcast_in_dim3A_139 : f32 to vector<16xf32>
      %swap3A_141 = arith.index_cast %scan3A_97 : i32 to index
      %swap3A_142 = arith.constant 96 : index
      %swap3A_143 = tpu.vector_load %arg8[%swap3A_141, %swap3A_142] {strides = array<i32>} : memref<125x128xf32, #tpu.memory_space<vmem>>, vector<1x16xf32>,
      %swap3A_144 = vector.shape_cast %swap3A_143 : vector<1x16xf32> to vector<16xf32>
      %swap3A_145 = vector.shape_cast %broadcast_in_dim3A_140 : vector<16xf32> to vector<1x16xf32>
      tpu.vector_store %arg8[%swap3A_141, %swap3A_142], %swap3A_145 {strides = array<i32>} : memref<125x128xf32, #tpu.memory_space<vmem>>, vector<1x16xf32>,
      %broadcast_in_dim3A_146 = arith.constant 0.000000e+00 : f32
      %broadcast_in_dim3A_147 = vector.broadcast %broadcast_in_dim3A_146 : f32 to vector<16xf32>
      %swap3A_148 = arith.index_cast %scan3A_97 : i32 to index
      %swap3A_149 = arith.constant 112 : index
      %swap3A_150 = tpu.vector_load %arg8[%swap3A_148, %swap3A_149] {strides = array<i32>} : memref<125x128xf32, #tpu.memory_space<vmem>>, vector<1x16xf32>,
      %swap3A_151 = vector.shape_cast %swap3A_150 : vector<1x16xf32> to vector<16xf32>
      %swap3A_152 = vector.shape_cast %broadcast_in_dim3A_147 : vector<16xf32> to vector<1x16xf32>
      tpu.vector_store %arg8[%swap3A_148, %swap3A_149], %swap3A_152 {strides = array<i32>} : memref<125x128xf32, #tpu.memory_space<vmem>>, vector<1x16xf32>,
      %scan3A_153 = arith.constant 0 : i32
      scf.yield %scan3A_153 : i32
    }
    %scan3A_14 = arith.constant 125 : i32
    %mul3A_15 = arith.constant 640 : i32
    %mul3A_16 = arith.muli %arg1, %mul3A_15 : i32
    %add3A_17 = arith.constant 0 : i32
    %add3A_18 = arith.addi %mul3A_16, %add3A_17 : i32
    "tpu.region"() ({
      %run_scoped3A = tpu.sem_alloc : memref<!tpu.dma_semaphore, #tpu.memory_space<semaphore_mem>>
      %dma_start3A_97 = arith.constant 0 : i32
      %dma_start3A_98 = arith.constant 0 : i32
      %dma_start3A_99 = tpu.memref_slice %arg8[%dma_start3A_97, %dma_start3A_98] : memref<125x128xf32, #tpu.memory_space<vmem>> -> memref<80x128xf32, #tpu.memory_space<vmem>>
      %dma_start3A_100 = arith.constant 0 : i32
      %dma_start3A_101 = tpu.memref_slice %arg10[%add3A_18, %dma_start3A_100] : memref<10240x128xf32, #tpu.memory_space<vmem_shared>> -> memref<80x128xf32, #tpu.memory_space<vmem_shared>>
      %dma_start3A_102 = arith.constant 0 : i32
      %dma_start3A_103 = tpu.memref_slice %arg10[%add3A_18, %dma_start3A_102] : memref<10240x128xf32, #tpu.memory_space<vmem_shared>> -> memref<80x128xf32, #tpu.memory_space<vmem_shared>>
      %dma_start3A_104 = arith.constant 0 : i32
      %dma_start3A_105 = arith.constant 0 : i32
      %dma_start3A_106 = tpu.memref_slice %arg8[%dma_start3A_104, %dma_start3A_105] : memref<125x128xf32, #tpu.memory_space<vmem>> -> memref<80x128xf32, #tpu.memory_space<vmem>>
      tpu.enqueue_dma source(%dma_start3A_106 : memref<80x128xf32, #tpu.memory_space<vmem>>) target(%dma_start3A_103 : memref<80x128xf32, #tpu.memory_space<vmem_shared>>) target_semaphore(%run_scoped3A : memref<!tpu.dma_semaphore, #tpu.memory_space<semaphore_mem>>)
      %dma_wait3A_107 = arith.constant 0 : i32
      %dma_wait3A_108 = arith.constant 0 : i32
      %dma_wait3A_109 = tpu.memref_slice %arg8[%dma_wait3A_107, %dma_wait3A_108] : memref<125x128xf32, #tpu.memory_space<vmem>> -> memref<80x128xf32, #tpu.memory_space<vmem>>
      %dma_wait3A_110 = arith.constant 0 : i32
      %dma_wait3A_111 = tpu.memref_slice %arg10[%add3A_18, %dma_wait3A_110] : memref<10240x128xf32, #tpu.memory_space<vmem_shared>> -> memref<80x128xf32, #tpu.memory_space<vmem_shared>>
      %dma_wait3A_112 = arith.constant 0 : i32
      %dma_wait3A_113 = tpu.memref_slice %arg10[%add3A_18, %dma_wait3A_112] : memref<10240x128xf32, #tpu.memory_space<vmem_shared>> -> memref<80x128xf32, #tpu.memory_space<vmem_shared>>
      %dma_wait3A_114 = arith.constant 0 : i32
      %dma_wait3A_115 = arith.constant 0 : i32
      %dma_wait3A_116 = tpu.memref_slice %arg8[%dma_wait3A_114, %dma_wait3A_115] : memref<125x128xf32, #tpu.memory_space<vmem>> -> memref<80x128xf32, #tpu.memory_space<vmem>>
      tpu.wait_dma2 semaphore(%run_scoped3A : memref<!tpu.dma_semaphore, #tpu.memory_space<semaphore_mem>>) src(%dma_wait3A_116 : memref<80x128xf32, #tpu.memory_space<vmem>>) dst(%dma_wait3A_113 : memref<80x128xf32, #tpu.memory_space<vmem_shared>>)
      tpu.yield
    }) : () -> ()
    %mul3A_19 = arith.constant 640 : i32
    %mul3A_20 = arith.muli %arg1, %mul3A_19 : i32
    %add3A_21 = arith.constant 80 : i32
    %add3A_22 = arith.addi %mul3A_20, %add3A_21 : i32
    "tpu.region"() ({
      %run_scoped3A = tpu.sem_alloc : memref<!tpu.dma_semaphore, #tpu.memory_space<semaphore_mem>>
      %dma_start3A_97 = arith.constant 0 : i32
      %dma_start3A_98 = arith.constant 0 : i32
      %dma_start3A_99 = tpu.memref_slice %arg8[%dma_start3A_97, %dma_start3A_98] : memref<125x128xf32, #tpu.memory_space<vmem>> -> memref<80x128xf32, #tpu.memory_space<vmem>>
      %dma_start3A_100 = arith.constant 0 : i32
      %dma_start3A_101 = tpu.memref_slice %arg10[%add3A_22, %dma_start3A_100] : memref<10240x128xf32, #tpu.memory_space<vmem_shared>> -> memref<80x128xf32, #tpu.memory_space<vmem_shared>>
      %dma_start3A_102 = arith.constant 0 : i32
      %dma_start3A_103 = tpu.memref_slice %arg10[%add3A_22, %dma_start3A_102] : memref<10240x128xf32, #tpu.memory_space<vmem_shared>> -> memref<80x128xf32, #tpu.memory_space<vmem_shared>>
      %dma_start3A_104 = arith.constant 0 : i32
      %dma_start3A_105 = arith.constant 0 : i32
      %dma_start3A_106 = tpu.memref_slice %arg8[%dma_start3A_104, %dma_start3A_105] : memref<125x128xf32, #tpu.memory_space<vmem>> -> memref<80x128xf32, #tpu.memory_space<vmem>>
      tpu.enqueue_dma source(%dma_start3A_106 : memref<80x128xf32, #tpu.memory_space<vmem>>) target(%dma_start3A_103 : memref<80x128xf32, #tpu.memory_space<vmem_shared>>) target_semaphore(%run_scoped3A : memref<!tpu.dma_semaphore, #tpu.memory_space<semaphore_mem>>)
      %dma_wait3A_107 = arith.constant 0 : i32
      %dma_wait3A_108 = arith.constant 0 : i32
      %dma_wait3A_109 = tpu.memref_slice %arg8[%dma_wait3A_107, %dma_wait3A_108] : memref<125x128xf32, #tpu.memory_space<vmem>> -> memref<80x128xf32, #tpu.memory_space<vmem>>
      %dma_wait3A_110 = arith.constant 0 : i32
      %dma_wait3A_111 = tpu.memref_slice %arg10[%add3A_22, %dma_wait3A_110] : memref<10240x128xf32, #tpu.memory_space<vmem_shared>> -> memref<80x128xf32, #tpu.memory_space<vmem_shared>>
      %dma_wait3A_112 = arith.constant 0 : i32
      %dma_wait3A_113 = tpu.memref_slice %arg10[%add3A_22, %dma_wait3A_112] : memref<10240x128xf32, #tpu.memory_space<vmem_shared>> -> memref<80x128xf32, #tpu.memory_space<vmem_shared>>
      %dma_wait3A_114 = arith.constant 0 : i32
      %dma_wait3A_115 = arith.constant 0 : i32
      %dma_wait3A_116 = tpu.memref_slice %arg8[%dma_wait3A_114, %dma_wait3A_115] : memref<125x128xf32, #tpu.memory_space<vmem>> -> memref<80x128xf32, #tpu.memory_space<vmem>>
      tpu.wait_dma2 semaphore(%run_scoped3A : memref<!tpu.dma_semaphore, #tpu.memory_space<semaphore_mem>>) src(%dma_wait3A_116 : memref<80x128xf32, #tpu.memory_space<vmem>>) dst(%dma_wait3A_113 : memref<80x128xf32, #tpu.memory_space<vmem_shared>>)
      tpu.yield
    }) : () -> ()
    %mul3A_23 = arith.constant 640 : i32
    %mul3A_24 = arith.muli %arg1, %mul3A_23 : i32
    %add3A_25 = arith.constant 160 : i32
    %add3A_26 = arith.addi %mul3A_24, %add3A_25 : i32
    "tpu.region"() ({
      %run_scoped3A = tpu.sem_alloc : memref<!tpu.dma_semaphore, #tpu.memory_space<semaphore_mem>>
      %dma_start3A_97 = arith.constant 0 : i32
      %dma_start3A_98 = arith.constant 0 : i32
      %dma_start3A_99 = tpu.memref_slice %arg8[%dma_start3A_97, %dma_start3A_98] : memref<125x128xf32, #tpu.memory_space<vmem>> -> memref<80x128xf32, #tpu.memory_space<vmem>>
      %dma_start3A_100 = arith.constant 0 : i32
      %dma_start3A_101 = tpu.memref_slice %arg10[%add3A_26, %dma_start3A_100] : memref<10240x128xf32, #tpu.memory_space<vmem_shared>> -> memref<80x128xf32, #tpu.memory_space<vmem_shared>>
      %dma_start3A_102 = arith.constant 0 : i32
      %dma_start3A_103 = tpu.memref_slice %arg10[%add3A_26, %dma_start3A_102] : memref<10240x128xf32, #tpu.memory_space<vmem_shared>> -> memref<80x128xf32, #tpu.memory_space<vmem_shared>>
      %dma_start3A_104 = arith.constant 0 : i32
      %dma_start3A_105 = arith.constant 0 : i32
      %dma_start3A_106 = tpu.memref_slice %arg8[%dma_start3A_104, %dma_start3A_105] : memref<125x128xf32, #tpu.memory_space<vmem>> -> memref<80x128xf32, #tpu.memory_space<vmem>>
      tpu.enqueue_dma source(%dma_start3A_106 : memref<80x128xf32, #tpu.memory_space<vmem>>) target(%dma_start3A_103 : memref<80x128xf32, #tpu.memory_space<vmem_shared>>) target_semaphore(%run_scoped3A : memref<!tpu.dma_semaphore, #tpu.memory_space<semaphore_mem>>)
      %dma_wait3A_107 = arith.constant 0 : i32
      %dma_wait3A_108 = arith.constant 0 : i32
      %dma_wait3A_109 = tpu.memref_slice %arg8[%dma_wait3A_107, %dma_wait3A_108] : memref<125x128xf32, #tpu.memory_space<vmem>> -> memref<80x128xf32, #tpu.memory_space<vmem>>
      %dma_wait3A_110 = arith.constant 0 : i32
      %dma_wait3A_111 = tpu.memref_slice %arg10[%add3A_26, %dma_wait3A_110] : memref<10240x128xf32, #tpu.memory_space<vmem_shared>> -> memref<80x128xf32, #tpu.memory_space<vmem_shared>>
      %dma_wait3A_112 = arith.constant 0 : i32
      %dma_wait3A_113 = tpu.memref_slice %arg10[%add3A_26, %dma_wait3A_112] : memref<10240x128xf32, #tpu.memory_space<vmem_shared>> -> memref<80x128xf32, #tpu.memory_space<vmem_shared>>
      %dma_wait3A_114 = arith.constant 0 : i32
      %dma_wait3A_115 = arith.constant 0 : i32
      %dma_wait3A_116 = tpu.memref_slice %arg8[%dma_wait3A_114, %dma_wait3A_115] : memref<125x128xf32, #tpu.memory_space<vmem>> -> memref<80x128xf32, #tpu.memory_space<vmem>>
      tpu.wait_dma2 semaphore(%run_scoped3A : memref<!tpu.dma_semaphore, #tpu.memory_space<semaphore_mem>>) src(%dma_wait3A_116 : memref<80x128xf32, #tpu.memory_space<vmem>>) dst(%dma_wait3A_113 : memref<80x128xf32, #tpu.memory_space<vmem_shared>>)
      tpu.yield
    }) : () -> ()
    %mul3A_27 = arith.constant 640 : i32
    %mul3A_28 = arith.muli %arg1, %mul3A_27 : i32
    %add3A_29 = arith.constant 240 : i32
    %add3A_30 = arith.addi %mul3A_28, %add3A_29 : i32
    "tpu.region"() ({
      %run_scoped3A = tpu.sem_alloc : memref<!tpu.dma_semaphore, #tpu.memory_space<semaphore_mem>>
      %dma_start3A_97 = arith.constant 0 : i32
      %dma_start3A_98 = arith.constant 0 : i32
      %dma_start3A_99 = tpu.memref_slice %arg8[%dma_start3A_97, %dma_start3A_98] : memref<125x128xf32, #tpu.memory_space<vmem>> -> memref<80x128xf32, #tpu.memory_space<vmem>>
      %dma_start3A_100 = arith.constant 0 : i32
      %dma_start3A_101 = tpu.memref_slice %arg10[%add3A_30, %dma_start3A_100] : memref<10240x128xf32, #tpu.memory_space<vmem_shared>> -> memref<80x128xf32, #tpu.memory_space<vmem_shared>>
      %dma_start3A_102 = arith.constant 0 : i32
      %dma_start3A_103 = tpu.memref_slice %arg10[%add3A_30, %dma_start3A_102] : memref<10240x128xf32, #tpu.memory_space<vmem_shared>> -> memref<80x128xf32, #tpu.memory_space<vmem_shared>>
      %dma_start3A_104 = arith.constant 0 : i32
      %dma_start3A_105 = arith.constant 0 : i32
      %dma_start3A_106 = tpu.memref_slice %arg8[%dma_start3A_104, %dma_start3A_105] : memref<125x128xf32, #tpu.memory_space<vmem>> -> memref<80x128xf32, #tpu.memory_space<vmem>>
      tpu.enqueue_dma source(%dma_start3A_106 : memref<80x128xf32, #tpu.memory_space<vmem>>) target(%dma_start3A_103 : memref<80x128xf32, #tpu.memory_space<vmem_shared>>) target_semaphore(%run_scoped3A : memref<!tpu.dma_semaphore, #tpu.memory_space<semaphore_mem>>)
      %dma_wait3A_107 = arith.constant 0 : i32
      %dma_wait3A_108 = arith.constant 0 : i32
      %dma_wait3A_109 = tpu.memref_slice %arg8[%dma_wait3A_107, %dma_wait3A_108] : memref<125x128xf32, #tpu.memory_space<vmem>> -> memref<80x128xf32, #tpu.memory_space<vmem>>
      %dma_wait3A_110 = arith.constant 0 : i32
      %dma_wait3A_111 = tpu.memref_slice %arg10[%add3A_30, %dma_wait3A_110] : memref<10240x128xf32, #tpu.memory_space<vmem_shared>> -> memref<80x128xf32, #tpu.memory_space<vmem_shared>>
      %dma_wait3A_112 = arith.constant 0 : i32
      %dma_wait3A_113 = tpu.memref_slice %arg10[%add3A_30, %dma_wait3A_112] : memref<10240x128xf32, #tpu.memory_space<vmem_shared>> -> memref<80x128xf32, #tpu.memory_space<vmem_shared>>
      %dma_wait3A_114 = arith.constant 0 : i32
      %dma_wait3A_115 = arith.constant 0 : i32
      %dma_wait3A_116 = tpu.memref_slice %arg8[%dma_wait3A_114, %dma_wait3A_115] : memref<125x128xf32, #tpu.memory_space<vmem>> -> memref<80x128xf32, #tpu.memory_space<vmem>>
      tpu.wait_dma2 semaphore(%run_scoped3A : memref<!tpu.dma_semaphore, #tpu.memory_space<semaphore_mem>>) src(%dma_wait3A_116 : memref<80x128xf32, #tpu.memory_space<vmem>>) dst(%dma_wait3A_113 : memref<80x128xf32, #tpu.memory_space<vmem_shared>>)
      tpu.yield
    }) : () -> ()
    %mul3A_31 = arith.constant 640 : i32
    %mul3A_32 = arith.muli %arg1, %mul3A_31 : i32
    %add3A_33 = arith.constant 320 : i32
    %add3A_34 = arith.addi %mul3A_32, %add3A_33 : i32
    "tpu.region"() ({
      %run_scoped3A = tpu.sem_alloc : memref<!tpu.dma_semaphore, #tpu.memory_space<semaphore_mem>>
      %dma_start3A_97 = arith.constant 0 : i32
      %dma_start3A_98 = arith.constant 0 : i32
      %dma_start3A_99 = tpu.memref_slice %arg8[%dma_start3A_97, %dma_start3A_98] : memref<125x128xf32, #tpu.memory_space<vmem>> -> memref<80x128xf32, #tpu.memory_space<vmem>>
      %dma_start3A_100 = arith.constant 0 : i32
      %dma_start3A_101 = tpu.memref_slice %arg10[%add3A_34, %dma_start3A_100] : memref<10240x128xf32, #tpu.memory_space<vmem_shared>> -> memref<80x128xf32, #tpu.memory_space<vmem_shared>>
      %dma_start3A_102 = arith.constant 0 : i32
      %dma_start3A_103 = tpu.memref_slice %arg10[%add3A_34, %dma_start3A_102] : memref<10240x128xf32, #tpu.memory_space<vmem_shared>> -> memref<80x128xf32, #tpu.memory_space<vmem_shared>>
      %dma_start3A_104 = arith.constant 0 : i32
      %dma_start3A_105 = arith.constant 0 : i32
      %dma_start3A_106 = tpu.memref_slice %arg8[%dma_start3A_104, %dma_start3A_105] : memref<125x128xf32, #tpu.memory_space<vmem>> -> memref<80x128xf32, #tpu.memory_space<vmem>>
      tpu.enqueue_dma source(%dma_start3A_106 : memref<80x128xf32, #tpu.memory_space<vmem>>) target(%dma_start3A_103 : memref<80x128xf32, #tpu.memory_space<vmem_shared>>) target_semaphore(%run_scoped3A : memref<!tpu.dma_semaphore, #tpu.memory_space<semaphore_mem>>)
      %dma_wait3A_107 = arith.constant 0 : i32
      %dma_wait3A_108 = arith.constant 0 : i32
      %dma_wait3A_109 = tpu.memref_slice %arg8[%dma_wait3A_107, %dma_wait3A_108] : memref<125x128xf32, #tpu.memory_space<vmem>> -> memref<80x128xf32, #tpu.memory_space<vmem>>
      %dma_wait3A_110 = arith.constant 0 : i32
      %dma_wait3A_111 = tpu.memref_slice %arg10[%add3A_34, %dma_wait3A_110] : memref<10240x128xf32, #tpu.memory_space<vmem_shared>> -> memref<80x128xf32, #tpu.memory_space<vmem_shared>>
      %dma_wait3A_112 = arith.constant 0 : i32
      %dma_wait3A_113 = tpu.memref_slice %arg10[%add3A_34, %dma_wait3A_112] : memref<10240x128xf32, #tpu.memory_space<vmem_shared>> -> memref<80x128xf32, #tpu.memory_space<vmem_shared>>
      %dma_wait3A_114 = arith.constant 0 : i32
      %dma_wait3A_115 = arith.constant 0 : i32
      %dma_wait3A_116 = tpu.memref_slice %arg8[%dma_wait3A_114, %dma_wait3A_115] : memref<125x128xf32, #tpu.memory_space<vmem>> -> memref<80x128xf32, #tpu.memory_space<vmem>>
      tpu.wait_dma2 semaphore(%run_scoped3A : memref<!tpu.dma_semaphore, #tpu.memory_space<semaphore_mem>>) src(%dma_wait3A_116 : memref<80x128xf32, #tpu.memory_space<vmem>>) dst(%dma_wait3A_113 : memref<80x128xf32, #tpu.memory_space<vmem_shared>>)
      tpu.yield
    }) : () -> ()
    %mul3A_35 = arith.constant 640 : i32
    %mul3A_36 = arith.muli %arg1, %mul3A_35 : i32
    %add3A_37 = arith.constant 400 : i32
    %add3A_38 = arith.addi %mul3A_36, %add3A_37 : i32
    "tpu.region"() ({
      %run_scoped3A = tpu.sem_alloc : memref<!tpu.dma_semaphore, #tpu.memory_space<semaphore_mem>>
      %dma_start3A_97 = arith.constant 0 : i32
      %dma_start3A_98 = arith.constant 0 : i32
      %dma_start3A_99 = tpu.memref_slice %arg8[%dma_start3A_97, %dma_start3A_98] : memref<125x128xf32, #tpu.memory_space<vmem>> -> memref<80x128xf32, #tpu.memory_space<vmem>>
      %dma_start3A_100 = arith.constant 0 : i32
      %dma_start3A_101 = tpu.memref_slice %arg10[%add3A_38, %dma_start3A_100] : memref<10240x128xf32, #tpu.memory_space<vmem_shared>> -> memref<80x128xf32, #tpu.memory_space<vmem_shared>>
      %dma_start3A_102 = arith.constant 0 : i32
      %dma_start3A_103 = tpu.memref_slice %arg10[%add3A_38, %dma_start3A_102] : memref<10240x128xf32, #tpu.memory_space<vmem_shared>> -> memref<80x128xf32, #tpu.memory_space<vmem_shared>>
      %dma_start3A_104 = arith.constant 0 : i32
      %dma_start3A_105 = arith.constant 0 : i32
      %dma_start3A_106 = tpu.memref_slice %arg8[%dma_start3A_104, %dma_start3A_105] : memref<125x128xf32, #tpu.memory_space<vmem>> -> memref<80x128xf32, #tpu.memory_space<vmem>>
      tpu.enqueue_dma source(%dma_start3A_106 : memref<80x128xf32, #tpu.memory_space<vmem>>) target(%dma_start3A_103 : memref<80x128xf32, #tpu.memory_space<vmem_shared>>) target_semaphore(%run_scoped3A : memref<!tpu.dma_semaphore, #tpu.memory_space<semaphore_mem>>)
      %dma_wait3A_107 = arith.constant 0 : i32
      %dma_wait3A_108 = arith.constant 0 : i32
      %dma_wait3A_109 = tpu.memref_slice %arg8[%dma_wait3A_107, %dma_wait3A_108] : memref<125x128xf32, #tpu.memory_space<vmem>> -> memref<80x128xf32, #tpu.memory_space<vmem>>
      %dma_wait3A_110 = arith.constant 0 : i32
      %dma_wait3A_111 = tpu.memref_slice %arg10[%add3A_38, %dma_wait3A_110] : memref<10240x128xf32, #tpu.memory_space<vmem_shared>> -> memref<80x128xf32, #tpu.memory_space<vmem_shared>>
      %dma_wait3A_112 = arith.constant 0 : i32
      %dma_wait3A_113 = tpu.memref_slice %arg10[%add3A_38, %dma_wait3A_112] : memref<10240x128xf32, #tpu.memory_space<vmem_shared>> -> memref<80x128xf32, #tpu.memory_space<vmem_shared>>
      %dma_wait3A_114 = arith.constant 0 : i32
      %dma_wait3A_115 = arith.constant 0 : i32
      %dma_wait3A_116 = tpu.memref_slice %arg8[%dma_wait3A_114, %dma_wait3A_115] : memref<125x128xf32, #tpu.memory_space<vmem>> -> memref<80x128xf32, #tpu.memory_space<vmem>>
      tpu.wait_dma2 semaphore(%run_scoped3A : memref<!tpu.dma_semaphore, #tpu.memory_space<semaphore_mem>>) src(%dma_wait3A_116 : memref<80x128xf32, #tpu.memory_space<vmem>>) dst(%dma_wait3A_113 : memref<80x128xf32, #tpu.memory_space<vmem_shared>>)
      tpu.yield
    }) : () -> ()
    %mul3A_39 = arith.constant 640 : i32
    %mul3A_40 = arith.muli %arg1, %mul3A_39 : i32
    %add3A_41 = arith.constant 480 : i32
    %add3A_42 = arith.addi %mul3A_40, %add3A_41 : i32
    "tpu.region"() ({
      %run_scoped3A = tpu.sem_alloc : memref<!tpu.dma_semaphore, #tpu.memory_space<semaphore_mem>>
      %dma_start3A_97 = arith.constant 0 : i32
      %dma_start3A_98 = arith.constant 0 : i32
      %dma_start3A_99 = tpu.memref_slice %arg8[%dma_start3A_97, %dma_start3A_98] : memref<125x128xf32, #tpu.memory_space<vmem>> -> memref<80x128xf32, #tpu.memory_space<vmem>>
      %dma_start3A_100 = arith.constant 0 : i32
      %dma_start3A_101 = tpu.memref_slice %arg10[%add3A_42, %dma_start3A_100] : memref<10240x128xf32, #tpu.memory_space<vmem_shared>> -> memref<80x128xf32, #tpu.memory_space<vmem_shared>>
      %dma_start3A_102 = arith.constant 0 : i32
      %dma_start3A_103 = tpu.memref_slice %arg10[%add3A_42, %dma_start3A_102] : memref<10240x128xf32, #tpu.memory_space<vmem_shared>> -> memref<80x128xf32, #tpu.memory_space<vmem_shared>>
      %dma_start3A_104 = arith.constant 0 : i32
      %dma_start3A_105 = arith.constant 0 : i32
      %dma_start3A_106 = tpu.memref_slice %arg8[%dma_start3A_104, %dma_start3A_105] : memref<125x128xf32, #tpu.memory_space<vmem>> -> memref<80x128xf32, #tpu.memory_space<vmem>>
      tpu.enqueue_dma source(%dma_start3A_106 : memref<80x128xf32, #tpu.memory_space<vmem>>) target(%dma_start3A_103 : memref<80x128xf32, #tpu.memory_space<vmem_shared>>) target_semaphore(%run_scoped3A : memref<!tpu.dma_semaphore, #tpu.memory_space<semaphore_mem>>)
      %dma_wait3A_107 = arith.constant 0 : i32
      %dma_wait3A_108 = arith.constant 0 : i32
      %dma_wait3A_109 = tpu.memref_slice %arg8[%dma_wait3A_107, %dma_wait3A_108] : memref<125x128xf32, #tpu.memory_space<vmem>> -> memref<80x128xf32, #tpu.memory_space<vmem>>
      %dma_wait3A_110 = arith.constant 0 : i32
      %dma_wait3A_111 = tpu.memref_slice %arg10[%add3A_42, %dma_wait3A_110] : memref<10240x128xf32, #tpu.memory_space<vmem_shared>> -> memref<80x128xf32, #tpu.memory_space<vmem_shared>>
      %dma_wait3A_112 = arith.constant 0 : i32
      %dma_wait3A_113 = tpu.memref_slice %arg10[%add3A_42, %dma_wait3A_112] : memref<10240x128xf32, #tpu.memory_space<vmem_shared>> -> memref<80x128xf32, #tpu.memory_space<vmem_shared>>
      %dma_wait3A_114 = arith.constant 0 : i32
      %dma_wait3A_115 = arith.constant 0 : i32
      %dma_wait3A_116 = tpu.memref_slice %arg8[%dma_wait3A_114, %dma_wait3A_115] : memref<125x128xf32, #tpu.memory_space<vmem>> -> memref<80x128xf32, #tpu.memory_space<vmem>>
      tpu.wait_dma2 semaphore(%run_scoped3A : memref<!tpu.dma_semaphore, #tpu.memory_space<semaphore_mem>>) src(%dma_wait3A_116 : memref<80x128xf32, #tpu.memory_space<vmem>>) dst(%dma_wait3A_113 : memref<80x128xf32, #tpu.memory_space<vmem_shared>>)
      tpu.yield
    }) : () -> ()
    %mul3A_43 = arith.constant 640 : i32
    %mul3A_44 = arith.muli %arg1, %mul3A_43 : i32
    %add3A_45 = arith.constant 560 : i32
    %add3A_46 = arith.addi %mul3A_44, %add3A_45 : i32
    "tpu.region"() ({
      %run_scoped3A = tpu.sem_alloc : memref<!tpu.dma_semaphore, #tpu.memory_space<semaphore_mem>>
      %dma_start3A_97 = arith.constant 0 : i32
      %dma_start3A_98 = arith.constant 0 : i32
      %dma_start3A_99 = tpu.memref_slice %arg8[%dma_start3A_97, %dma_start3A_98] : memref<125x128xf32, #tpu.memory_space<vmem>> -> memref<80x128xf32, #tpu.memory_space<vmem>>
      %dma_start3A_100 = arith.constant 0 : i32
      %dma_start3A_101 = tpu.memref_slice %arg10[%add3A_46, %dma_start3A_100] : memref<10240x128xf32, #tpu.memory_space<vmem_shared>> -> memref<80x128xf32, #tpu.memory_space<vmem_shared>>
      %dma_start3A_102 = arith.constant 0 : i32
      %dma_start3A_103 = tpu.memref_slice %arg10[%add3A_46, %dma_start3A_102] : memref<10240x128xf32, #tpu.memory_space<vmem_shared>> -> memref<80x128xf32, #tpu.memory_space<vmem_shared>>
      %dma_start3A_104 = arith.constant 0 : i32
      %dma_start3A_105 = arith.constant 0 : i32
      %dma_start3A_106 = tpu.memref_slice %arg8[%dma_start3A_104, %dma_start3A_105] : memref<125x128xf32, #tpu.memory_space<vmem>> -> memref<80x128xf32, #tpu.memory_space<vmem>>
      tpu.enqueue_dma source(%dma_start3A_106 : memref<80x128xf32, #tpu.memory_space<vmem>>) target(%dma_start3A_103 : memref<80x128xf32, #tpu.memory_space<vmem_shared>>) target_semaphore(%run_scoped3A : memref<!tpu.dma_semaphore, #tpu.memory_space<semaphore_mem>>)
      %dma_wait3A_107 = arith.constant 0 : i32
      %dma_wait3A_108 = arith.constant 0 : i32
      %dma_wait3A_109 = tpu.memref_slice %arg8[%dma_wait3A_107, %dma_wait3A_108] : memref<125x128xf32, #tpu.memory_space<vmem>> -> memref<80x128xf32, #tpu.memory_space<vmem>>
      %dma_wait3A_110 = arith.constant 0 : i32
      %dma_wait3A_111 = tpu.memref_slice %arg10[%add3A_46, %dma_wait3A_110] : memref<10240x128xf32, #tpu.memory_space<vmem_shared>> -> memref<80x128xf32, #tpu.memory_space<vmem_shared>>
      %dma_wait3A_112 = arith.constant 0 : i32
      %dma_wait3A_113 = tpu.memref_slice %arg10[%add3A_46, %dma_wait3A_112] : memref<10240x128xf32, #tpu.memory_space<vmem_shared>> -> memref<80x128xf32, #tpu.memory_space<vmem_shared>>
      %dma_wait3A_114 = arith.constant 0 : i32
      %dma_wait3A_115 = arith.constant 0 : i32
      %dma_wait3A_116 = tpu.memref_slice %arg8[%dma_wait3A_114, %dma_wait3A_115] : memref<125x128xf32, #tpu.memory_space<vmem>> -> memref<80x128xf32, #tpu.memory_space<vmem>>
      tpu.wait_dma2 semaphore(%run_scoped3A : memref<!tpu.dma_semaphore, #tpu.memory_space<semaphore_mem>>) src(%dma_wait3A_116 : memref<80x128xf32, #tpu.memory_space<vmem>>) dst(%dma_wait3A_113 : memref<80x128xf32, #tpu.memory_space<vmem_shared>>)
      tpu.yield
    }) : () -> ()
    %dma_wait3A = arith.constant 0 : i32
    %dma_wait3A_47 = arith.constant 0 : i32
    %dma_wait3A_48 = arith.constant 0 : i32
    %dma_wait3A_49 = tpu.memref_slice %arg3[%dma_wait3A, %add3A, %dma_wait3A_47, %dma_wait3A_48] : memref<2x32x80x125xi32, #tpu.memory_space<hbm>> -> memref<1x1x80x125xi32, #tpu.memory_space<hbm>>
    %dma_wait3A_50 = tpu.memref_squeeze %dma_wait3A_49 : memref<1x1x80x125xi32, #tpu.memory_space<hbm>> -> memref<80x125xi32, #tpu.memory_space<hbm>>
    %dma_wait3A_51 = arith.constant 0 : i32
    %dma_wait3A_52 = arith.constant 0 : i32
    %dma_wait3A_53 = tpu.memref_slice %arg3[%dma_wait3A, %add3A, %dma_wait3A_51, %dma_wait3A_52] : memref<2x32x80x125xi32, #tpu.memory_space<hbm>> -> memref<1x1x80x125xi32, #tpu.memory_space<hbm>>
    %dma_wait3A_54 = tpu.memref_squeeze %dma_wait3A_53 : memref<1x1x80x125xi32, #tpu.memory_space<hbm>> -> memref<80x125xi32, #tpu.memory_space<hbm>>
    tpu.wait_dma2 semaphore(%arg11 : memref<!tpu.dma_semaphore, #tpu.memory_space<semaphore_mem>>) src(%dma_wait3A_54 : memref<80x125xi32, #tpu.memory_space<hbm>>) dst(%arg5 : memref<80x125xi32, #tpu.memory_space<vmem>>)
    %dma_start3A_55 = arith.constant 1 : i32
    %dma_start3A_56 = arith.constant 0 : i32
    %dma_start3A_57 = arith.constant 0 : i32
    %dma_start3A_58 = tpu.memref_slice %arg3[%dma_start3A_55, %add3A, %dma_start3A_56, %dma_start3A_57] : memref<2x32x80x125xi32, #tpu.memory_space<hbm>> -> memref<1x1x1x125xi32, #tpu.memory_space<hbm>>
    %dma_start3A_59 = tpu.memref_squeeze %dma_start3A_58 : memref<1x1x1x125xi32, #tpu.memory_space<hbm>> -> memref<125xi32, #tpu.memory_space<hbm>>
    %dma_start3A_60 = arith.constant 0 : i32
    %dma_start3A_61 = tpu.memref_slice %arg3[%dma_start3A_55, %add3A, %dma_start3A_56, %dma_start3A_60] : memref<2x32x80x125xi32, #tpu.memory_space<hbm>> -> memref<1x1x1x125xi32, #tpu.memory_space<hbm>>
    %dma_start3A_62 = tpu.memref_squeeze %dma_start3A_61 : memref<1x1x1x125xi32, #tpu.memory_space<hbm>> -> memref<125xi32, #tpu.memory_space<hbm>>
    tpu.enqueue_dma source(%dma_start3A_62 : memref<125xi32, #tpu.memory_space<hbm>>) target(%arg6 : memref<125xi32, #tpu.memory_space<vmem>>) target_semaphore(%arg12 : memref<!tpu.dma_semaphore, #tpu.memory_space<semaphore_mem>>)
    %dma_start3A_63 = arith.constant 0 : i32
    %dma_start3A_64 = arith.constant 0 : i32
    %dma_start3A_65 = tpu.memref_slice %arg5[%dma_start3A_63, %dma_start3A_64] : memref<80x125xi32, #tpu.memory_space<vmem>> -> memref<1x125xi32, #tpu.memory_space<vmem>>
    %dma_start3A_66 = tpu.memref_squeeze %dma_start3A_65 : memref<1x125xi32, #tpu.memory_space<vmem>> -> memref<125xi32, #tpu.memory_space<vmem>>
    %dma_start3A_67 = arith.constant 0 : i32
    %dma_start3A_68 = arith.constant 0 : i32
    %dma_start3A_69 = tpu.memref_slice %arg2[%dma_start3A_67, %dma_start3A_68] : memref<10000x128xf32, #tpu.memory_space<hbm>> -> memref<10000x128xf32, #tpu.memory_space<hbm>>
    tpu.enqueue_indirect_dma source(%dma_start3A_69 : memref<10000x128xf32, #tpu.memory_space<hbm>>) target(%arg8 : memref<125x128xf32, #tpu.memory_space<vmem>>) offsets(%dma_start3A_66 : memref<125xi32, #tpu.memory_space<vmem>>) semaphore(%arg14 : memref<!tpu.dma_semaphore, #tpu.memory_space<semaphore_mem>>)
    %dma_start3A_70 = arith.constant 1 : i32
    %dma_start3A_71 = arith.constant 1 : i32
    %dma_start3A_72 = arith.constant 0 : i32
    %dma_start3A_73 = tpu.memref_slice %arg3[%dma_start3A_70, %add3A, %dma_start3A_71, %dma_start3A_72] : memref<2x32x80x125xi32, #tpu.memory_space<hbm>> -> memref<1x1x1x125xi32, #tpu.memory_space<hbm>>
    %dma_start3A_74 = tpu.memref_squeeze %dma_start3A_73 : memref<1x1x1x125xi32, #tpu.memory_space<hbm>> -> memref<125xi32, #tpu.memory_space<hbm>>
    %dma_start3A_75 = arith.constant 0 : i32
    %dma_start3A_76 = tpu.memref_slice %arg3[%dma_start3A_70, %add3A, %dma_start3A_71, %dma_start3A_75] : memref<2x32x80x125xi32, #tpu.memory_space<hbm>> -> memref<1x1x1x125xi32, #tpu.memory_space<hbm>>
    %dma_start3A_77 = tpu.memref_squeeze %dma_start3A_76 : memref<1x1x1x125xi32, #tpu.memory_space<hbm>> -> memref<125xi32, #tpu.memory_space<hbm>>
    tpu.enqueue_dma source(%dma_start3A_77 : memref<125xi32, #tpu.memory_space<hbm>>) target(%arg7 : memref<125xi32, #tpu.memory_space<vmem>>) target_semaphore(%arg13 : memref<!tpu.dma_semaphore, #tpu.memory_space<semaphore_mem>>)
    %dma_start3A_78 = arith.constant 1 : i32
    %dma_start3A_79 = arith.constant 0 : i32
    %dma_start3A_80 = tpu.memref_slice %arg5[%dma_start3A_78, %dma_start3A_79] : memref<80x125xi32, #tpu.memory_space<vmem>> -> memref<1x125xi32, #tpu.memory_space<vmem>>
    %dma_start3A_81 = tpu.memref_squeeze %dma_start3A_80 : memref<1x125xi32, #tpu.memory_space<vmem>> -> memref<125xi32, #tpu.memory_space<vmem>>
    %dma_start3A_82 = arith.constant 0 : i32
    %dma_start3A_83 = arith.constant 0 : i32
    %dma_start3A_84 = tpu.memref_slice %arg2[%dma_start3A_82, %dma_start3A_83] : memref<10000x128xf32, #tpu.memory_space<hbm>> -> memref<10000x128xf32, #tpu.memory_space<hbm>>
    tpu.enqueue_indirect_dma source(%dma_start3A_84 : memref<10000x128xf32, #tpu.memory_space<hbm>>) target(%arg9 : memref<125x128xf32, #tpu.memory_space<vmem>>) offsets(%dma_start3A_81 : memref<125xi32, #tpu.memory_space<vmem>>) semaphore(%arg15 : memref<!tpu.dma_semaphore, #tpu.memory_space<semaphore_mem>>)
    %barrier3A = arith.constant 0 : index
    tpu.barrier barrier_id(%barrier3A)
    %scan3A_85 = arith.constant 0 : i32
    %scan3A_86 = arith.constant 0 : i32
    %scan3A_87 = arith.constant 40 : i32
    %scan3A_88 = arith.addi %scan3A_86, %scan3A_87 : i32
    %scan3A_89 = arith.constant 1 : i32
    %scan3A_90 = scf.for %scan3A_97 = %scan3A_86 to %scan3A_88 step %scan3A_89 iter_args(%scan3A_98 = %scan3A_85) -> (i32)  : i32 {
      %mul3A_99 = arith.constant 2 : i32
      %mul3A_100 = arith.muli %mul3A_99, %scan3A_97 : i32
      %dma_wait3A_101 = arith.constant 0 : i32
      %dma_wait3A_102 = arith.constant 0 : i32
      %dma_wait3A_103 = tpu.memref_slice %arg5[%dma_wait3A_101, %dma_wait3A_102] : memref<80x125xi32, #tpu.memory_space<vmem>> -> memref<1x125xi32, #tpu.memory_space<vmem>>
      %dma_wait3A_104 = tpu.memref_squeeze %dma_wait3A_103 : memref<1x125xi32, #tpu.memory_space<vmem>> -> memref<125xi32, #tpu.memory_space<vmem>>
      %dma_wait3A_105 = arith.constant 0 : i32
      %dma_wait3A_106 = arith.constant 0 : i32
      %dma_wait3A_107 = tpu.memref_slice %arg2[%dma_wait3A_105, %dma_wait3A_106] : memref<10000x128xf32, #tpu.memory_space<hbm>> -> memref<10000x128xf32, #tpu.memory_space<hbm>>
      tpu.wait_indirect_dma semaphore(%arg14 : memref<!tpu.dma_semaphore, #tpu.memory_space<semaphore_mem>>) src(%dma_wait3A_107 : memref<10000x128xf32, #tpu.memory_space<hbm>>) dst(%arg8 : memref<125x128xf32, #tpu.memory_space<vmem>>)
      %dma_wait3A_108 = arith.constant 1 : i32
      %dma_wait3A_109 = arith.constant 0 : i32
      %dma_wait3A_110 = arith.constant 0 : i32
      %dma_wait3A_111 = tpu.memref_slice %arg3[%dma_wait3A_108, %add3A, %dma_wait3A_109, %dma_wait3A_110] : memref<2x32x80x125xi32, #tpu.memory_space<hbm>> -> memref<1x1x1x125xi32, #tpu.memory_space<hbm>>
      %dma_wait3A_112 = tpu.memref_squeeze %dma_wait3A_111 : memref<1x1x1x125xi32, #tpu.memory_space<hbm>> -> memref<125xi32, #tpu.memory_space<hbm>>
      %dma_wait3A_113 = arith.constant 0 : i32
      %dma_wait3A_114 = tpu.memref_slice %arg3[%dma_wait3A_108, %add3A, %dma_wait3A_109, %dma_wait3A_113] : memref<2x32x80x125xi32, #tpu.memory_space<hbm>> -> memref<1x1x1x125xi32, #tpu.memory_space<hbm>>
      %dma_wait3A_115 = tpu.memref_squeeze %dma_wait3A_114 : memref<1x1x1x125xi32, #tpu.memory_space<hbm>> -> memref<125xi32, #tpu.memory_space<hbm>>
      tpu.wait_dma2 semaphore(%arg12 : memref<!tpu.dma_semaphore, #tpu.memory_space<semaphore_mem>>) src(%dma_wait3A_115 : memref<125xi32, #tpu.memory_space<hbm>>) dst(%arg6 : memref<125xi32, #tpu.memory_space<vmem>>)
      %dma_start3A_116 = arith.constant 0 : i32
      %dma_start3A_117 = arith.constant 0 : i32
      %dma_start3A_118 = tpu.memref_slice %arg10[%dma_start3A_116, %dma_start3A_117] : memref<10240x128xf32, #tpu.memory_space<vmem_shared>> -> memref<10240x128xf32, #tpu.memory_space<vmem_shared>>
      tpu.enqueue_indirect_dma source(%arg8 : memref<125x128xf32, #tpu.memory_space<vmem>>) target(%dma_start3A_118 : memref<10240x128xf32, #tpu.memory_space<vmem_shared>>) offsets(%arg6 : memref<125xi32, #tpu.memory_space<vmem>>) semaphore(%arg16 : memref<!tpu.dma_semaphore, #tpu.memory_space<semaphore_mem>>) {add = true}
      %dma_wait3A_119 = arith.constant 0 : i32
      %dma_wait3A_120 = arith.constant 0 : i32
      %dma_wait3A_121 = tpu.memref_slice %arg10[%dma_wait3A_119, %dma_wait3A_120] : memref<10240x128xf32, #tpu.memory_space<vmem_shared>> -> memref<10240x128xf32, #tpu.memory_space<vmem_shared>>
      tpu.wait_indirect_dma semaphore(%arg16 : memref<!tpu.dma_semaphore, #tpu.memory_space<semaphore_mem>>) src(%arg8 : memref<125x128xf32, #tpu.memory_space<vmem>>) dst(%dma_wait3A_121 : memref<10240x128xf32, #tpu.memory_space<vmem_shared>>)
      %lt3A = arith.constant 39 : i32
      %lt3A_122 = arith.cmpi slt, %scan3A_97, %lt3A : i32
      %convert_element_type3A = arith.extui %lt3A_122 : i1 to i32
      %cond3A = arith.constant 0 : i32
      %cond3A_123 = arith.cmpi ne, %convert_element_type3A, %cond3A : i32
      scf.if %cond3A_123 {
        %add3A_151 = arith.constant 2 : i32
        %add3A_152 = arith.addi %mul3A_100, %add3A_151 : i32
        %dma_start3A_153 = arith.constant 1 : i32
        %dma_start3A_154 = arith.constant 0 : i32
        %dma_start3A_155 = tpu.memref_slice %arg3[%dma_start3A_153, %add3A, %add3A_152, %dma_start3A_154] : memref<2x32x80x125xi32, #tpu.memory_space<hbm>> -> memref<1x1x1x125xi32, #tpu.memory_space<hbm>>
        %dma_start3A_156 = tpu.memref_squeeze %dma_start3A_155 : memref<1x1x1x125xi32, #tpu.memory_space<hbm>> -> memref<125xi32, #tpu.memory_space<hbm>>
        %dma_start3A_157 = arith.constant 0 : i32
        %dma_start3A_158 = tpu.memref_slice %arg3[%dma_start3A_153, %add3A, %add3A_152, %dma_start3A_157] : memref<2x32x80x125xi32, #tpu.memory_space<hbm>> -> memref<1x1x1x125xi32, #tpu.memory_space<hbm>>
        %dma_start3A_159 = tpu.memref_squeeze %dma_start3A_158 : memref<1x1x1x125xi32, #tpu.memory_space<hbm>> -> memref<125xi32, #tpu.memory_space<hbm>>
        tpu.enqueue_dma source(%dma_start3A_159 : memref<125xi32, #tpu.memory_space<hbm>>) target(%arg6 : memref<125xi32, #tpu.memory_space<vmem>>) target_semaphore(%arg12 : memref<!tpu.dma_semaphore, #tpu.memory_space<semaphore_mem>>)
        %add3A_160 = arith.constant 2 : i32
        %add3A_161 = arith.addi %mul3A_100, %add3A_160 : i32
        %dma_start3A_162 = arith.constant 0 : i32
        %dma_start3A_163 = tpu.memref_slice %arg5[%add3A_161, %dma_start3A_162] : memref<80x125xi32, #tpu.memory_space<vmem>> -> memref<1x125xi32, #tpu.memory_space<vmem>>
        %dma_start3A_164 = tpu.memref_squeeze %dma_start3A_163 : memref<1x125xi32, #tpu.memory_space<vmem>> -> memref<125xi32, #tpu.memory_space<vmem>>
        %dma_start3A_165 = arith.constant 0 : i32
        %dma_start3A_166 = arith.constant 0 : i32
        %dma_start3A_167 = tpu.memref_slice %arg2[%dma_start3A_165, %dma_start3A_166] : memref<10000x128xf32, #tpu.memory_space<hbm>> -> memref<10000x128xf32, #tpu.memory_space<hbm>>
        tpu.enqueue_indirect_dma source(%dma_start3A_167 : memref<10000x128xf32, #tpu.memory_space<hbm>>) target(%arg8 : memref<125x128xf32, #tpu.memory_space<vmem>>) offsets(%dma_start3A_164 : memref<125xi32, #tpu.memory_space<vmem>>) semaphore(%arg14 : memref<!tpu.dma_semaphore, #tpu.memory_space<semaphore_mem>>)
      } else {
      }
      %dma_wait3A_124 = arith.constant 1 : i32
      %dma_wait3A_125 = arith.constant 0 : i32
      %dma_wait3A_126 = tpu.memref_slice %arg5[%dma_wait3A_124, %dma_wait3A_125] : memref<80x125xi32, #tpu.memory_space<vmem>> -> memref<1x125xi32, #tpu.memory_space<vmem>>
      %dma_wait3A_127 = tpu.memref_squeeze %dma_wait3A_126 : memref<1x125xi32, #tpu.memory_space<vmem>> -> memref<125xi32, #tpu.memory_space<vmem>>
      %dma_wait3A_128 = arith.constant 0 : i32
      %dma_wait3A_129 = arith.constant 0 : i32
      %dma_wait3A_130 = tpu.memref_slice %arg2[%dma_wait3A_128, %dma_wait3A_129] : memref<10000x128xf32, #tpu.memory_space<hbm>> -> memref<10000x128xf32, #tpu.memory_space<hbm>>
      tpu.wait_indirect_dma semaphore(%arg15 : memref<!tpu.dma_semaphore, #tpu.memory_space<semaphore_mem>>) src(%dma_wait3A_130 : memref<10000x128xf32, #tpu.memory_space<hbm>>) dst(%arg9 : memref<125x128xf32, #tpu.memory_space<vmem>>)
      %dma_wait3A_131 = arith.constant 1 : i32
      %dma_wait3A_132 = arith.constant 1 : i32
      %dma_wait3A_133 = arith.constant 0 : i32
      %dma_wait3A_134 = tpu.memref_slice %arg3[%dma_wait3A_131, %add3A, %dma_wait3A_132, %dma_wait3A_133] : memref<2x32x80x125xi32, #tpu.memory_space<hbm>> -> memref<1x1x1x125xi32, #tpu.memory_space<hbm>>
      %dma_wait3A_135 = tpu.memref_squeeze %dma_wait3A_134 : memref<1x1x1x125xi32, #tpu.memory_space<hbm>> -> memref<125xi32, #tpu.memory_space<hbm>>
      %dma_wait3A_136 = arith.constant 0 : i32
      %dma_wait3A_137 = tpu.memref_slice %arg3[%dma_wait3A_131, %add3A, %dma_wait3A_132, %dma_wait3A_136] : memref<2x32x80x125xi32, #tpu.memory_space<hbm>> -> memref<1x1x1x125xi32, #tpu.memory_space<hbm>>
      %dma_wait3A_138 = tpu.memref_squeeze %dma_wait3A_137 : memref<1x1x1x125xi32, #tpu.memory_space<hbm>> -> memref<125xi32, #tpu.memory_space<hbm>>
      tpu.wait_dma2 semaphore(%arg13 : memref<!tpu.dma_semaphore, #tpu.memory_space<semaphore_mem>>) src(%dma_wait3A_138 : memref<125xi32, #tpu.memory_space<hbm>>) dst(%arg7 : memref<125xi32, #tpu.memory_space<vmem>>)
      %dma_start3A_139 = arith.constant 0 : i32
      %dma_start3A_140 = arith.constant 0 : i32
      %dma_start3A_141 = tpu.memref_slice %arg10[%dma_start3A_139, %dma_start3A_140] : memref<10240x128xf32, #tpu.memory_space<vmem_shared>> -> memref<10240x128xf32, #tpu.memory_space<vmem_shared>>
      tpu.enqueue_indirect_dma source(%arg9 : memref<125x128xf32, #tpu.memory_space<vmem>>) target(%dma_start3A_141 : memref<10240x128xf32, #tpu.memory_space<vmem_shared>>) offsets(%arg7 : memref<125xi32, #tpu.memory_space<vmem>>) semaphore(%arg16 : memref<!tpu.dma_semaphore, #tpu.memory_space<semaphore_mem>>) {add = true}
      %dma_wait3A_142 = arith.constant 0 : i32
      %dma_wait3A_143 = arith.constant 0 : i32
      %dma_wait3A_144 = tpu.memref_slice %arg10[%dma_wait3A_142, %dma_wait3A_143] : memref<10240x128xf32, #tpu.memory_space<vmem_shared>> -> memref<10240x128xf32, #tpu.memory_space<vmem_shared>>
      tpu.wait_indirect_dma semaphore(%arg16 : memref<!tpu.dma_semaphore, #tpu.memory_space<semaphore_mem>>) src(%arg9 : memref<125x128xf32, #tpu.memory_space<vmem>>) dst(%dma_wait3A_144 : memref<10240x128xf32, #tpu.memory_space<vmem_shared>>)
      %lt3A_145 = arith.constant 39 : i32
      %lt3A_146 = arith.cmpi slt, %scan3A_97, %lt3A_145 : i32
      %convert_element_type3A_147 = arith.extui %lt3A_146 : i1 to i32
      %cond3A_148 = arith.constant 0 : i32
      %cond3A_149 = arith.cmpi ne, %convert_element_type3A_147, %cond3A_148 : i32
      scf.if %cond3A_149 {
        %add3A_151 = arith.constant 3 : i32
        %add3A_152 = arith.addi %mul3A_100, %add3A_151 : i32
        %dma_start3A_153 = arith.constant 1 : i32
        %dma_start3A_154 = arith.constant 0 : i32
        %dma_start3A_155 = tpu.memref_slice %arg3[%dma_start3A_153, %add3A, %add3A_152, %dma_start3A_154] : memref<2x32x80x125xi32, #tpu.memory_space<hbm>> -> memref<1x1x1x125xi32, #tpu.memory_space<hbm>>
        %dma_start3A_156 = tpu.memref_squeeze %dma_start3A_155 : memref<1x1x1x125xi32, #tpu.memory_space<hbm>> -> memref<125xi32, #tpu.memory_space<hbm>>
        %dma_start3A_157 = arith.constant 0 : i32
        %dma_start3A_158 = tpu.memref_slice %arg3[%dma_start3A_153, %add3A, %add3A_152, %dma_start3A_157] : memref<2x32x80x125xi32, #tpu.memory_space<hbm>> -> memref<1x1x1x125xi32, #tpu.memory_space<hbm>>
        %dma_start3A_159 = tpu.memref_squeeze %dma_start3A_158 : memref<1x1x1x125xi32, #tpu.memory_space<hbm>> -> memref<125xi32, #tpu.memory_space<hbm>>
        tpu.enqueue_dma source(%dma_start3A_159 : memref<125xi32, #tpu.memory_space<hbm>>) target(%arg7 : memref<125xi32, #tpu.memory_space<vmem>>) target_semaphore(%arg13 : memref<!tpu.dma_semaphore, #tpu.memory_space<semaphore_mem>>)
        %add3A_160 = arith.constant 3 : i32
        %add3A_161 = arith.addi %mul3A_100, %add3A_160 : i32
        %dma_start3A_162 = arith.constant 0 : i32
        %dma_start3A_163 = tpu.memref_slice %arg5[%add3A_161, %dma_start3A_162] : memref<80x125xi32, #tpu.memory_space<vmem>> -> memref<1x125xi32, #tpu.memory_space<vmem>>
        %dma_start3A_164 = tpu.memref_squeeze %dma_start3A_163 : memref<1x125xi32, #tpu.memory_space<vmem>> -> memref<125xi32, #tpu.memory_space<vmem>>
        %dma_start3A_165 = arith.constant 0 : i32
        %dma_start3A_166 = arith.constant 0 : i32
        %dma_start3A_167 = tpu.memref_slice %arg2[%dma_start3A_165, %dma_start3A_166] : memref<10000x128xf32, #tpu.memory_space<hbm>> -> memref<10000x128xf32, #tpu.memory_space<hbm>>
        tpu.enqueue_indirect_dma source(%dma_start3A_167 : memref<10000x128xf32, #tpu.memory_space<hbm>>) target(%arg9 : memref<125x128xf32, #tpu.memory_space<vmem>>) offsets(%dma_start3A_164 : memref<125xi32, #tpu.memory_space<vmem>>) semaphore(%arg15 : memref<!tpu.dma_semaphore, #tpu.memory_space<semaphore_mem>>)
      } else {
      }
      %scan3A_150 = arith.constant 0 : i32
      scf.yield %scan3A_150 : i32
    }
    %scan3A_91 = arith.constant 40 : i32
    %barrier3A_92 = arith.constant 0 : index
    tpu.barrier barrier_id(%barrier3A_92)
    %mul3A_93 = arith.constant 640 : i32
    %mul3A_94 = arith.muli %arg1, %mul3A_93 : i32
    %mul3A_95 = arith.constant 640 : i32
    %mul3A_96 = arith.muli %arg1, %mul3A_95 : i32
    "tpu.region"() ({
      %run_scoped3A = tpu.sem_alloc : memref<!tpu.dma_semaphore, #tpu.memory_space<semaphore_mem>>
      %dma_start3A_97 = arith.constant 0 : i32
      %dma_start3A_98 = tpu.memref_slice %arg4[%arg0, %mul3A_96, %dma_start3A_97] : memref<2x10240x128xf32, #tpu.memory_space<hbm>> -> memref<1x640x128xf32, #tpu.memory_space<hbm>>
      %dma_start3A_99 = tpu.memref_squeeze %dma_start3A_98 : memref<1x640x128xf32, #tpu.memory_space<hbm>> -> memref<640x128xf32, #tpu.memory_space<hbm>>
      %dma_start3A_100 = arith.constant 0 : i32
      %dma_start3A_101 = tpu.memref_slice %arg10[%mul3A_94, %dma_start3A_100] : memref<10240x128xf32, #tpu.memory_space<vmem_shared>> -> memref<640x128xf32, #tpu.memory_space<vmem_shared>>
      tpu.enqueue_dma source(%dma_start3A_101 : memref<640x128xf32, #tpu.memory_space<vmem_shared>>) target(%dma_start3A_99 : memref<640x128xf32, #tpu.memory_space<hbm>>) target_semaphore(%run_scoped3A : memref<!tpu.dma_semaphore, #tpu.memory_space<semaphore_mem>>)
      %dma_wait3A_102 = arith.constant 0 : i32
      %dma_wait3A_103 = tpu.memref_slice %arg4[%arg0, %mul3A_96, %dma_wait3A_102] : memref<2x10240x128xf32, #tpu.memory_space<hbm>> -> memref<1x640x128xf32, #tpu.memory_space<hbm>>
      %dma_wait3A_104 = tpu.memref_squeeze %dma_wait3A_103 : memref<1x640x128xf32, #tpu.memory_space<hbm>> -> memref<640x128xf32, #tpu.memory_space<hbm>>
      %dma_wait3A_105 = arith.constant 0 : i32
      %dma_wait3A_106 = tpu.memref_slice %arg10[%mul3A_94, %dma_wait3A_105] : memref<10240x128xf32, #tpu.memory_space<vmem_shared>> -> memref<640x128xf32, #tpu.memory_space<vmem_shared>>
      tpu.wait_dma2 semaphore(%run_scoped3A : memref<!tpu.dma_semaphore, #tpu.memory_space<semaphore_mem>>) src(%dma_wait3A_106 : memref<640x128xf32, #tpu.memory_space<vmem_shared>>) dst(%dma_wait3A_104 : memref<640x128xf32, #tpu.memory_space<hbm>>)
      tpu.yield
    }) : () -> ()
    return
  }
}

#map = affine_map<(d0, d1) -> (0, 0, 0, 0)>
#map1 = affine_map<(d0, d1) -> (0, 0)>
module attributes {stable_mosaic.version = 14 : i64} {
  func.func @_deg_kernel(%arg0: i32, %arg1: i32, %arg2: memref<2x32x80x125xi32, #tpu.memory_space<hbm>>, %arg3: memref<4x10240xf32, #tpu.memory_space<hbm>>, %arg4: memref<80x125xi32, #tpu.memory_space<vmem>>, %arg5: memref<80x125xi32, #tpu.memory_space<vmem>>, %arg6: memref<128xf32, #tpu.memory_space<vmem>>, %arg7: memref<640xf32, #tpu.memory_space<vmem>>, %arg8: memref<10240xf32, #tpu.memory_space<vmem_shared>>, %arg9: memref<10240xf32, #tpu.memory_space<vmem_shared>>, %arg10: memref<!tpu.dma_semaphore, #tpu.memory_space<semaphore_mem>>, %arg11: memref<!tpu.dma_semaphore, #tpu.memory_space<semaphore_mem>>, %arg12: memref<!tpu.dma_semaphore, #tpu.memory_space<semaphore_mem>>) attributes {dimension_semantics = [#tpu.dimension_semantics<core_parallel>, #tpu.dimension_semantics<subcore_parallel>], iteration_bounds = array<i64: 2, 16>, scalar_prefetch = 0 : i64, scratch_operands = 9 : i64, tpu.core_type = #tpu.core_type<sc_vector_subcore>, window_params = [{transform_indices = #map}, {transform_indices = #map1}]} {
    %mul3A = arith.constant 2 : i32
    %mul3A_0 = arith.muli %arg1, %mul3A : i32
    %add3A = arith.addi %mul3A_0, %arg0 : i32
    %dma_start3A = arith.constant 0 : i32
    %dma_start3A_1 = arith.constant 0 : i32
    %dma_start3A_2 = arith.constant 0 : i32
    %dma_start3A_3 = tpu.memref_slice %arg2[%dma_start3A, %add3A, %dma_start3A_1, %dma_start3A_2] : memref<2x32x80x125xi32, #tpu.memory_space<hbm>> -> memref<1x1x80x125xi32, #tpu.memory_space<hbm>>
    %dma_start3A_4 = tpu.memref_squeeze %dma_start3A_3 : memref<1x1x80x125xi32, #tpu.memory_space<hbm>> -> memref<80x125xi32, #tpu.memory_space<hbm>>
    %dma_start3A_5 = arith.constant 0 : i32
    %dma_start3A_6 = arith.constant 0 : i32
    %dma_start3A_7 = tpu.memref_slice %arg2[%dma_start3A, %add3A, %dma_start3A_5, %dma_start3A_6] : memref<2x32x80x125xi32, #tpu.memory_space<hbm>> -> memref<1x1x80x125xi32, #tpu.memory_space<hbm>>
    %dma_start3A_8 = tpu.memref_squeeze %dma_start3A_7 : memref<1x1x80x125xi32, #tpu.memory_space<hbm>> -> memref<80x125xi32, #tpu.memory_space<hbm>>
    tpu.enqueue_dma source(%dma_start3A_8 : memref<80x125xi32, #tpu.memory_space<hbm>>) target(%arg4 : memref<80x125xi32, #tpu.memory_space<vmem>>) target_semaphore(%arg10 : memref<!tpu.dma_semaphore, #tpu.memory_space<semaphore_mem>>)
    %dma_start3A_9 = arith.constant 1 : i32
    %dma_start3A_10 = arith.constant 0 : i32
    %dma_start3A_11 = arith.constant 0 : i32
    %dma_start3A_12 = tpu.memref_slice %arg2[%dma_start3A_9, %add3A, %dma_start3A_10, %dma_start3A_11] : memref<2x32x80x125xi32, #tpu.memory_space<hbm>> -> memref<1x1x80x125xi32, #tpu.memory_space<hbm>>
    %dma_start3A_13 = tpu.memref_squeeze %dma_start3A_12 : memref<1x1x80x125xi32, #tpu.memory_space<hbm>> -> memref<80x125xi32, #tpu.memory_space<hbm>>
    %dma_start3A_14 = arith.constant 0 : i32
    %dma_start3A_15 = arith.constant 0 : i32
    %dma_start3A_16 = tpu.memref_slice %arg2[%dma_start3A_9, %add3A, %dma_start3A_14, %dma_start3A_15] : memref<2x32x80x125xi32, #tpu.memory_space<hbm>> -> memref<1x1x80x125xi32, #tpu.memory_space<hbm>>
    %dma_start3A_17 = tpu.memref_squeeze %dma_start3A_16 : memref<1x1x80x125xi32, #tpu.memory_space<hbm>> -> memref<80x125xi32, #tpu.memory_space<hbm>>
    tpu.enqueue_dma source(%dma_start3A_17 : memref<80x125xi32, #tpu.memory_space<hbm>>) target(%arg5 : memref<80x125xi32, #tpu.memory_space<vmem>>) target_semaphore(%arg10 : memref<!tpu.dma_semaphore, #tpu.memory_space<semaphore_mem>>)
    %broadcast_in_dim3A = arith.constant 1.000000e+00 : f32
    %broadcast_in_dim3A_18 = vector.broadcast %broadcast_in_dim3A : f32 to vector<16xf32>
    %swap3A = arith.constant 0 : index
    %swap3A_19 = tpu.vector_load %arg6[%swap3A] {strides = array<i32>} : memref<128xf32, #tpu.memory_space<vmem>>, vector<16xf32>,
    %swap3A_20 = vector.shape_cast %swap3A_19 : vector<16xf32> to vector<16xf32>
    %swap3A_21 = vector.shape_cast %broadcast_in_dim3A_18 : vector<16xf32> to vector<16xf32>
    tpu.vector_store %arg6[%swap3A], %swap3A_21 {strides = array<i32>} : memref<128xf32, #tpu.memory_space<vmem>>, vector<16xf32>,
    %broadcast_in_dim3A_22 = arith.constant 1.000000e+00 : f32
    %broadcast_in_dim3A_23 = vector.broadcast %broadcast_in_dim3A_22 : f32 to vector<16xf32>
    %swap3A_24 = arith.constant 16 : index
    %swap3A_25 = tpu.vector_load %arg6[%swap3A_24] {strides = array<i32>} : memref<128xf32, #tpu.memory_space<vmem>>, vector<16xf32>,
    %swap3A_26 = vector.shape_cast %swap3A_25 : vector<16xf32> to vector<16xf32>
    %swap3A_27 = vector.shape_cast %broadcast_in_dim3A_23 : vector<16xf32> to vector<16xf32>
    tpu.vector_store %arg6[%swap3A_24], %swap3A_27 {strides = array<i32>} : memref<128xf32, #tpu.memory_space<vmem>>, vector<16xf32>,
    %broadcast_in_dim3A_28 = arith.constant 1.000000e+00 : f32
    %broadcast_in_dim3A_29 = vector.broadcast %broadcast_in_dim3A_28 : f32 to vector<16xf32>
    %swap3A_30 = arith.constant 32 : index
    %swap3A_31 = tpu.vector_load %arg6[%swap3A_30] {strides = array<i32>} : memref<128xf32, #tpu.memory_space<vmem>>, vector<16xf32>,
    %swap3A_32 = vector.shape_cast %swap3A_31 : vector<16xf32> to vector<16xf32>
    %swap3A_33 = vector.shape_cast %broadcast_in_dim3A_29 : vector<16xf32> to vector<16xf32>
    tpu.vector_store %arg6[%swap3A_30], %swap3A_33 {strides = array<i32>} : memref<128xf32, #tpu.memory_space<vmem>>, vector<16xf32>,
    %broadcast_in_dim3A_34 = arith.constant 1.000000e+00 : f32
    %broadcast_in_dim3A_35 = vector.broadcast %broadcast_in_dim3A_34 : f32 to vector<16xf32>
    %swap3A_36 = arith.constant 48 : index
    %swap3A_37 = tpu.vector_load %arg6[%swap3A_36] {strides = array<i32>} : memref<128xf32, #tpu.memory_space<vmem>>, vector<16xf32>,
    %swap3A_38 = vector.shape_cast %swap3A_37 : vector<16xf32> to vector<16xf32>
    %swap3A_39 = vector.shape_cast %broadcast_in_dim3A_35 : vector<16xf32> to vector<16xf32>
    tpu.vector_store %arg6[%swap3A_36], %swap3A_39 {strides = array<i32>} : memref<128xf32, #tpu.memory_space<vmem>>, vector<16xf32>,
    %broadcast_in_dim3A_40 = arith.constant 1.000000e+00 : f32
    %broadcast_in_dim3A_41 = vector.broadcast %broadcast_in_dim3A_40 : f32 to vector<16xf32>
    %swap3A_42 = arith.constant 64 : index
    %swap3A_43 = tpu.vector_load %arg6[%swap3A_42] {strides = array<i32>} : memref<128xf32, #tpu.memory_space<vmem>>, vector<16xf32>,
    %swap3A_44 = vector.shape_cast %swap3A_43 : vector<16xf32> to vector<16xf32>
    %swap3A_45 = vector.shape_cast %broadcast_in_dim3A_41 : vector<16xf32> to vector<16xf32>
    tpu.vector_store %arg6[%swap3A_42], %swap3A_45 {strides = array<i32>} : memref<128xf32, #tpu.memory_space<vmem>>, vector<16xf32>,
    %broadcast_in_dim3A_46 = arith.constant 1.000000e+00 : f32
    %broadcast_in_dim3A_47 = vector.broadcast %broadcast_in_dim3A_46 : f32 to vector<16xf32>
    %swap3A_48 = arith.constant 80 : index
    %swap3A_49 = tpu.vector_load %arg6[%swap3A_48] {strides = array<i32>} : memref<128xf32, #tpu.memory_space<vmem>>, vector<16xf32>,
    %swap3A_50 = vector.shape_cast %swap3A_49 : vector<16xf32> to vector<16xf32>
    %swap3A_51 = vector.shape_cast %broadcast_in_dim3A_47 : vector<16xf32> to vector<16xf32>
    tpu.vector_store %arg6[%swap3A_48], %swap3A_51 {strides = array<i32>} : memref<128xf32, #tpu.memory_space<vmem>>, vector<16xf32>,
    %broadcast_in_dim3A_52 = arith.constant 1.000000e+00 : f32
    %broadcast_in_dim3A_53 = vector.broadcast %broadcast_in_dim3A_52 : f32 to vector<16xf32>
    %swap3A_54 = arith.constant 96 : index
    %swap3A_55 = tpu.vector_load %arg6[%swap3A_54] {strides = array<i32>} : memref<128xf32, #tpu.memory_space<vmem>>, vector<16xf32>,
    %swap3A_56 = vector.shape_cast %swap3A_55 : vector<16xf32> to vector<16xf32>
    %swap3A_57 = vector.shape_cast %broadcast_in_dim3A_53 : vector<16xf32> to vector<16xf32>
    tpu.vector_store %arg6[%swap3A_54], %swap3A_57 {strides = array<i32>} : memref<128xf32, #tpu.memory_space<vmem>>, vector<16xf32>,
    %broadcast_in_dim3A_58 = arith.constant 1.000000e+00 : f32
    %broadcast_in_dim3A_59 = vector.broadcast %broadcast_in_dim3A_58 : f32 to vector<16xf32>
    %swap3A_60 = arith.constant 112 : index
    %swap3A_61 = tpu.vector_load %arg6[%swap3A_60] {strides = array<i32>} : memref<128xf32, #tpu.memory_space<vmem>>, vector<16xf32>,
    %swap3A_62 = vector.shape_cast %swap3A_61 : vector<16xf32> to vector<16xf32>
    %swap3A_63 = vector.shape_cast %broadcast_in_dim3A_59 : vector<16xf32> to vector<16xf32>
    tpu.vector_store %arg6[%swap3A_60], %swap3A_63 {strides = array<i32>} : memref<128xf32, #tpu.memory_space<vmem>>, vector<16xf32>,
    %scan3A = arith.constant 0 : i32
    %scan3A_64 = arith.constant 0 : i32
    %scan3A_65 = arith.constant 40 : i32
    %scan3A_66 = arith.addi %scan3A_64, %scan3A_65 : i32
    %scan3A_67 = arith.constant 1 : i32
    %scan3A_68 = scf.for %scan3A_120 = %scan3A_64 to %scan3A_66 step %scan3A_67 iter_args(%scan3A_121 = %scan3A) -> (i32)  : i32 {
      %broadcast_in_dim3A_122 = arith.constant 0.000000e+00 : f32
      %broadcast_in_dim3A_123 = vector.broadcast %broadcast_in_dim3A_122 : f32 to vector<16xf32>
      %mul3A_124 = arith.constant 16 : i32
      %mul3A_125 = arith.muli %scan3A_120, %mul3A_124 : i32
      %swap3A_126 = arith.index_cast %mul3A_125 : i32 to index
      %swap3A_127 = tpu.vector_load %arg7[%swap3A_126] {strides = array<i32>} : memref<640xf32, #tpu.memory_space<vmem>>, vector<16xf32>,
      %swap3A_128 = vector.shape_cast %swap3A_127 : vector<16xf32> to vector<16xf32>
      %swap3A_129 = vector.shape_cast %broadcast_in_dim3A_123 : vector<16xf32> to vector<16xf32>
      tpu.vector_store %arg7[%swap3A_126], %swap3A_129 {strides = array<i32>} : memref<640xf32, #tpu.memory_space<vmem>>, vector<16xf32>,
      %scan3A_130 = arith.constant 0 : i32
      scf.yield %scan3A_130 : i32
    }
    %scan3A_69 = arith.constant 40 : i32
    %mul3A_70 = arith.constant 640 : i32
    %mul3A_71 = arith.muli %arg1, %mul3A_70 : i32
    "tpu.region"() ({
      %run_scoped3A = tpu.sem_alloc : memref<!tpu.dma_semaphore, #tpu.memory_space<semaphore_mem>>
      %dma_start3A_120 = tpu.memref_slice %arg8[%mul3A_71] : memref<10240xf32, #tpu.memory_space<vmem_shared>> -> memref<640xf32, #tpu.memory_space<vmem_shared>>
      %dma_start3A_121 = tpu.memref_slice %arg8[%mul3A_71] : memref<10240xf32, #tpu.memory_space<vmem_shared>> -> memref<640xf32, #tpu.memory_space<vmem_shared>>
      tpu.enqueue_dma source(%arg7 : memref<640xf32, #tpu.memory_space<vmem>>) target(%dma_start3A_121 : memref<640xf32, #tpu.memory_space<vmem_shared>>) target_semaphore(%run_scoped3A : memref<!tpu.dma_semaphore, #tpu.memory_space<semaphore_mem>>)
      %dma_wait3A_122 = tpu.memref_slice %arg8[%mul3A_71] : memref<10240xf32, #tpu.memory_space<vmem_shared>> -> memref<640xf32, #tpu.memory_space<vmem_shared>>
      %dma_wait3A_123 = tpu.memref_slice %arg8[%mul3A_71] : memref<10240xf32, #tpu.memory_space<vmem_shared>> -> memref<640xf32, #tpu.memory_space<vmem_shared>>
      tpu.wait_dma2 semaphore(%run_scoped3A : memref<!tpu.dma_semaphore, #tpu.memory_space<semaphore_mem>>) src(%arg7 : memref<640xf32, #tpu.memory_space<vmem>>) dst(%dma_wait3A_123 : memref<640xf32, #tpu.memory_space<vmem_shared>>)
      tpu.yield
    }) : () -> ()
    %mul3A_72 = arith.constant 640 : i32
    %mul3A_73 = arith.muli %arg1, %mul3A_72 : i32
    "tpu.region"() ({
      %run_scoped3A = tpu.sem_alloc : memref<!tpu.dma_semaphore, #tpu.memory_space<semaphore_mem>>
      %dma_start3A_120 = tpu.memref_slice %arg9[%mul3A_73] : memref<10240xf32, #tpu.memory_space<vmem_shared>> -> memref<640xf32, #tpu.memory_space<vmem_shared>>
      %dma_start3A_121 = tpu.memref_slice %arg9[%mul3A_73] : memref<10240xf32, #tpu.memory_space<vmem_shared>> -> memref<640xf32, #tpu.memory_space<vmem_shared>>
      tpu.enqueue_dma source(%arg7 : memref<640xf32, #tpu.memory_space<vmem>>) target(%dma_start3A_121 : memref<640xf32, #tpu.memory_space<vmem_shared>>) target_semaphore(%run_scoped3A : memref<!tpu.dma_semaphore, #tpu.memory_space<semaphore_mem>>)
      %dma_wait3A_122 = tpu.memref_slice %arg9[%mul3A_73] : memref<10240xf32, #tpu.memory_space<vmem_shared>> -> memref<640xf32, #tpu.memory_space<vmem_shared>>
      %dma_wait3A_123 = tpu.memref_slice %arg9[%mul3A_73] : memref<10240xf32, #tpu.memory_space<vmem_shared>> -> memref<640xf32, #tpu.memory_space<vmem_shared>>
      tpu.wait_dma2 semaphore(%run_scoped3A : memref<!tpu.dma_semaphore, #tpu.memory_space<semaphore_mem>>) src(%arg7 : memref<640xf32, #tpu.memory_space<vmem>>) dst(%dma_wait3A_123 : memref<640xf32, #tpu.memory_space<vmem_shared>>)
      tpu.yield
    }) : () -> ()
    %dma_wait3A = arith.constant 0 : i32
    %dma_wait3A_74 = arith.constant 0 : i32
    %dma_wait3A_75 = arith.constant 0 : i32
    %dma_wait3A_76 = tpu.memref_slice %arg2[%dma_wait3A, %add3A, %dma_wait3A_74, %dma_wait3A_75] : memref<2x32x80x125xi32, #tpu.memory_space<hbm>> -> memref<1x1x80x125xi32, #tpu.memory_space<hbm>>
    %dma_wait3A_77 = tpu.memref_squeeze %dma_wait3A_76 : memref<1x1x80x125xi32, #tpu.memory_space<hbm>> -> memref<80x125xi32, #tpu.memory_space<hbm>>
    %dma_wait3A_78 = arith.constant 0 : i32
    %dma_wait3A_79 = arith.constant 0 : i32
    %dma_wait3A_80 = tpu.memref_slice %arg2[%dma_wait3A, %add3A, %dma_wait3A_78, %dma_wait3A_79] : memref<2x32x80x125xi32, #tpu.memory_space<hbm>> -> memref<1x1x80x125xi32, #tpu.memory_space<hbm>>
    %dma_wait3A_81 = tpu.memref_squeeze %dma_wait3A_80 : memref<1x1x80x125xi32, #tpu.memory_space<hbm>> -> memref<80x125xi32, #tpu.memory_space<hbm>>
    tpu.wait_dma2 semaphore(%arg10 : memref<!tpu.dma_semaphore, #tpu.memory_space<semaphore_mem>>) src(%dma_wait3A_81 : memref<80x125xi32, #tpu.memory_space<hbm>>) dst(%arg4 : memref<80x125xi32, #tpu.memory_space<vmem>>)
    %dma_wait3A_82 = arith.constant 1 : i32
    %dma_wait3A_83 = arith.constant 0 : i32
    %dma_wait3A_84 = arith.constant 0 : i32
    %dma_wait3A_85 = tpu.memref_slice %arg2[%dma_wait3A_82, %add3A, %dma_wait3A_83, %dma_wait3A_84] : memref<2x32x80x125xi32, #tpu.memory_space<hbm>> -> memref<1x1x80x125xi32, #tpu.memory_space<hbm>>
    %dma_wait3A_86 = tpu.memref_squeeze %dma_wait3A_85 : memref<1x1x80x125xi32, #tpu.memory_space<hbm>> -> memref<80x125xi32, #tpu.memory_space<hbm>>
    %dma_wait3A_87 = arith.constant 0 : i32
    %dma_wait3A_88 = arith.constant 0 : i32
    %dma_wait3A_89 = tpu.memref_slice %arg2[%dma_wait3A_82, %add3A, %dma_wait3A_87, %dma_wait3A_88] : memref<2x32x80x125xi32, #tpu.memory_space<hbm>> -> memref<1x1x80x125xi32, #tpu.memory_space<hbm>>
    %dma_wait3A_90 = tpu.memref_squeeze %dma_wait3A_89 : memref<1x1x80x125xi32, #tpu.memory_space<hbm>> -> memref<80x125xi32, #tpu.memory_space<hbm>>
    tpu.wait_dma2 semaphore(%arg10 : memref<!tpu.dma_semaphore, #tpu.memory_space<semaphore_mem>>) src(%dma_wait3A_90 : memref<80x125xi32, #tpu.memory_space<hbm>>) dst(%arg5 : memref<80x125xi32, #tpu.memory_space<vmem>>)
    %barrier3A = arith.constant 0 : index
    tpu.barrier barrier_id(%barrier3A)
    %scan3A_91 = arith.constant 0 : i32
    %scan3A_92 = arith.constant 0 : i32
    %scan3A_93 = arith.constant 80 : i32
    %scan3A_94 = arith.addi %scan3A_92, %scan3A_93 : i32
    %scan3A_95 = arith.constant 1 : i32
    %scan3A_96 = scf.for %scan3A_120 = %scan3A_92 to %scan3A_94 step %scan3A_95 iter_args(%scan3A_121 = %scan3A_91) -> (i32)  : i32 {
      %dma_start3A_122 = arith.constant 0 : i32
      %dma_start3A_123 = tpu.memref_slice %arg6[%dma_start3A_122] : memref<128xf32, #tpu.memory_space<vmem>> -> memref<125xf32, #tpu.memory_space<vmem>>
      %dma_start3A_124 = arith.constant 0 : i32
      %dma_start3A_125 = tpu.memref_slice %arg4[%scan3A_120, %dma_start3A_124] : memref<80x125xi32, #tpu.memory_space<vmem>> -> memref<1x125xi32, #tpu.memory_space<vmem>>
      %dma_start3A_126 = tpu.memref_squeeze %dma_start3A_125 : memref<1x125xi32, #tpu.memory_space<vmem>> -> memref<125xi32, #tpu.memory_space<vmem>>
      %dma_start3A_127 = arith.constant 0 : i32
      %dma_start3A_128 = tpu.memref_slice %arg8[%dma_start3A_127] : memref<10240xf32, #tpu.memory_space<vmem_shared>> -> memref<10240xf32, #tpu.memory_space<vmem_shared>>
      tpu.enqueue_indirect_dma source(%dma_start3A_123 : memref<125xf32, #tpu.memory_space<vmem>>) target(%dma_start3A_128 : memref<10240xf32, #tpu.memory_space<vmem_shared>>) offsets(%dma_start3A_126 : memref<125xi32, #tpu.memory_space<vmem>>) semaphore(%arg11 : memref<!tpu.dma_semaphore, #tpu.memory_space<semaphore_mem>>) {add = true}
      %dma_start3A_129 = arith.constant 0 : i32
      %dma_start3A_130 = tpu.memref_slice %arg6[%dma_start3A_129] : memref<128xf32, #tpu.memory_space<vmem>> -> memref<125xf32, #tpu.memory_space<vmem>>
      %dma_start3A_131 = arith.constant 0 : i32
      %dma_start3A_132 = tpu.memref_slice %arg5[%scan3A_120, %dma_start3A_131] : memref<80x125xi32, #tpu.memory_space<vmem>> -> memref<1x125xi32, #tpu.memory_space<vmem>>
      %dma_start3A_133 = tpu.memref_squeeze %dma_start3A_132 : memref<1x125xi32, #tpu.memory_space<vmem>> -> memref<125xi32, #tpu.memory_space<vmem>>
      %dma_start3A_134 = arith.constant 0 : i32
      %dma_start3A_135 = tpu.memref_slice %arg9[%dma_start3A_134] : memref<10240xf32, #tpu.memory_space<vmem_shared>> -> memref<10240xf32, #tpu.memory_space<vmem_shared>>
      tpu.enqueue_indirect_dma source(%dma_start3A_130 : memref<125xf32, #tpu.memory_space<vmem>>) target(%dma_start3A_135 : memref<10240xf32, #tpu.memory_space<vmem_shared>>) offsets(%dma_start3A_133 : memref<125xi32, #tpu.memory_space<vmem>>) semaphore(%arg12 : memref<!tpu.dma_semaphore, #tpu.memory_space<semaphore_mem>>) {add = true}
      %scan3A_136 = arith.constant 0 : i32
      scf.yield %scan3A_136 : i32
    }
    %scan3A_97 = arith.constant 80 : i32
    %scan3A_98 = arith.constant 0 : i32
    %scan3A_99 = arith.constant 0 : i32
    %scan3A_100 = arith.constant 80 : i32
    %scan3A_101 = arith.addi %scan3A_99, %scan3A_100 : i32
    %scan3A_102 = arith.constant 1 : i32
    %scan3A_103 = scf.for %scan3A_120 = %scan3A_99 to %scan3A_101 step %scan3A_102 iter_args(%scan3A_121 = %scan3A_98) -> (i32)  : i32 {
      %dma_wait3A_122 = arith.constant 0 : i32
      %dma_wait3A_123 = arith.constant 0 : i32
      %dma_wait3A_124 = tpu.memref_slice %arg6[%dma_wait3A_123] : memref<128xf32, #tpu.memory_space<vmem>> -> memref<125xf32, #tpu.memory_space<vmem>>
      %dma_wait3A_125 = arith.constant 0 : i32
      %dma_wait3A_126 = tpu.memref_slice %arg4[%dma_wait3A_122, %dma_wait3A_125] : memref<80x125xi32, #tpu.memory_space<vmem>> -> memref<1x125xi32, #tpu.memory_space<vmem>>
      %dma_wait3A_127 = tpu.memref_squeeze %dma_wait3A_126 : memref<1x125xi32, #tpu.memory_space<vmem>> -> memref<125xi32, #tpu.memory_space<vmem>>
      %dma_wait3A_128 = arith.constant 0 : i32
      %dma_wait3A_129 = tpu.memref_slice %arg8[%dma_wait3A_128] : memref<10240xf32, #tpu.memory_space<vmem_shared>> -> memref<10240xf32, #tpu.memory_space<vmem_shared>>
      tpu.wait_indirect_dma semaphore(%arg11 : memref<!tpu.dma_semaphore, #tpu.memory_space<semaphore_mem>>) src(%dma_wait3A_124 : memref<125xf32, #tpu.memory_space<vmem>>) dst(%dma_wait3A_129 : memref<10240xf32, #tpu.memory_space<vmem_shared>>)
      %dma_wait3A_130 = arith.constant 0 : i32
      %dma_wait3A_131 = arith.constant 0 : i32
      %dma_wait3A_132 = tpu.memref_slice %arg6[%dma_wait3A_131] : memref<128xf32, #tpu.memory_space<vmem>> -> memref<125xf32, #tpu.memory_space<vmem>>
      %dma_wait3A_133 = arith.constant 0 : i32
      %dma_wait3A_134 = tpu.memref_slice %arg5[%dma_wait3A_130, %dma_wait3A_133] : memref<80x125xi32, #tpu.memory_space<vmem>> -> memref<1x125xi32, #tpu.memory_space<vmem>>
      %dma_wait3A_135 = tpu.memref_squeeze %dma_wait3A_134 : memref<1x125xi32, #tpu.memory_space<vmem>> -> memref<125xi32, #tpu.memory_space<vmem>>
      %dma_wait3A_136 = arith.constant 0 : i32
      %dma_wait3A_137 = tpu.memref_slice %arg9[%dma_wait3A_136] : memref<10240xf32, #tpu.memory_space<vmem_shared>> -> memref<10240xf32, #tpu.memory_space<vmem_shared>>
      tpu.wait_indirect_dma semaphore(%arg12 : memref<!tpu.dma_semaphore, #tpu.memory_space<semaphore_mem>>) src(%dma_wait3A_132 : memref<125xf32, #tpu.memory_space<vmem>>) dst(%dma_wait3A_137 : memref<10240xf32, #tpu.memory_space<vmem_shared>>)
      %scan3A_138 = arith.constant 0 : i32
      scf.yield %scan3A_138 : i32
    }
    %scan3A_104 = arith.constant 80 : i32
    %barrier3A_105 = arith.constant 0 : index
    tpu.barrier barrier_id(%barrier3A_105)
    %mul3A_106 = arith.constant 640 : i32
    %mul3A_107 = arith.muli %arg1, %mul3A_106 : i32
    %mul3A_108 = arith.constant 2 : i32
    %mul3A_109 = arith.muli %mul3A_108, %arg0 : i32
    %mul3A_110 = arith.constant 640 : i32
    %mul3A_111 = arith.muli %arg1, %mul3A_110 : i32
    "tpu.region"() ({
      %run_scoped3A = tpu.sem_alloc : memref<!tpu.dma_semaphore, #tpu.memory_space<semaphore_mem>>
      %dma_start3A_120 = tpu.memref_slice %arg3[%mul3A_109, %mul3A_111] : memref<4x10240xf32, #tpu.memory_space<hbm>> -> memref<1x640xf32, #tpu.memory_space<hbm>>
      %dma_start3A_121 = tpu.memref_squeeze %dma_start3A_120 : memref<1x640xf32, #tpu.memory_space<hbm>> -> memref<640xf32, #tpu.memory_space<hbm>>
      %dma_start3A_122 = tpu.memref_slice %arg8[%mul3A_107] : memref<10240xf32, #tpu.memory_space<vmem_shared>> -> memref<640xf32, #tpu.memory_space<vmem_shared>>
      tpu.enqueue_dma source(%dma_start3A_122 : memref<640xf32, #tpu.memory_space<vmem_shared>>) target(%dma_start3A_121 : memref<640xf32, #tpu.memory_space<hbm>>) target_semaphore(%run_scoped3A : memref<!tpu.dma_semaphore, #tpu.memory_space<semaphore_mem>>)
      %dma_wait3A_123 = tpu.memref_slice %arg3[%mul3A_109, %mul3A_111] : memref<4x10240xf32, #tpu.memory_space<hbm>> -> memref<1x640xf32, #tpu.memory_space<hbm>>
      %dma_wait3A_124 = tpu.memref_squeeze %dma_wait3A_123 : memref<1x640xf32, #tpu.memory_space<hbm>> -> memref<640xf32, #tpu.memory_space<hbm>>
      %dma_wait3A_125 = tpu.memref_slice %arg8[%mul3A_107] : memref<10240xf32, #tpu.memory_space<vmem_shared>> -> memref<640xf32, #tpu.memory_space<vmem_shared>>
      tpu.wait_dma2 semaphore(%run_scoped3A : memref<!tpu.dma_semaphore, #tpu.memory_space<semaphore_mem>>) src(%dma_wait3A_125 : memref<640xf32, #tpu.memory_space<vmem_shared>>) dst(%dma_wait3A_124 : memref<640xf32, #tpu.memory_space<hbm>>)
      tpu.yield
    }) : () -> ()
    %mul3A_112 = arith.constant 640 : i32
    %mul3A_113 = arith.muli %arg1, %mul3A_112 : i32
    %mul3A_114 = arith.constant 2 : i32
    %mul3A_115 = arith.muli %mul3A_114, %arg0 : i32
    %add3A_116 = arith.constant 1 : i32
    %add3A_117 = arith.addi %mul3A_115, %add3A_116 : i32
    %mul3A_118 = arith.constant 640 : i32
    %mul3A_119 = arith.muli %arg1, %mul3A_118 : i32
    "tpu.region"() ({
      %run_scoped3A = tpu.sem_alloc : memref<!tpu.dma_semaphore, #tpu.memory_space<semaphore_mem>>
      %dma_start3A_120 = tpu.memref_slice %arg3[%add3A_117, %mul3A_119] : memref<4x10240xf32, #tpu.memory_space<hbm>> -> memref<1x640xf32, #tpu.memory_space<hbm>>
      %dma_start3A_121 = tpu.memref_squeeze %dma_start3A_120 : memref<1x640xf32, #tpu.memory_space<hbm>> -> memref<640xf32, #tpu.memory_space<hbm>>
      %dma_start3A_122 = tpu.memref_slice %arg9[%mul3A_113] : memref<10240xf32, #tpu.memory_space<vmem_shared>> -> memref<640xf32, #tpu.memory_space<vmem_shared>>
      tpu.enqueue_dma source(%dma_start3A_122 : memref<640xf32, #tpu.memory_space<vmem_shared>>) target(%dma_start3A_121 : memref<640xf32, #tpu.memory_space<hbm>>) target_semaphore(%run_scoped3A : memref<!tpu.dma_semaphore, #tpu.memory_space<semaphore_mem>>)
      %dma_wait3A_123 = tpu.memref_slice %arg3[%add3A_117, %mul3A_119] : memref<4x10240xf32, #tpu.memory_space<hbm>> -> memref<1x640xf32, #tpu.memory_space<hbm>>
      %dma_wait3A_124 = tpu.memref_squeeze %dma_wait3A_123 : memref<1x640xf32, #tpu.memory_space<hbm>> -> memref<640xf32, #tpu.memory_space<hbm>>
      %dma_wait3A_125 = tpu.memref_slice %arg9[%mul3A_113] : memref<10240xf32, #tpu.memory_space<vmem_shared>> -> memref<640xf32, #tpu.memory_space<vmem_shared>>
      tpu.wait_dma2 semaphore(%run_scoped3A : memref<!tpu.dma_semaphore, #tpu.memory_space<semaphore_mem>>) src(%dma_wait3A_125 : memref<640xf32, #tpu.memory_space<vmem_shared>>) dst(%dma_wait3A_124 : memref<640xf32, #tpu.memory_space<hbm>>)
      tpu.yield
    }) : () -> ()
    return
  }
}

#map = affine_map<(d0, d1) -> (0, 0)>
#map1 = affine_map<(d0, d1) -> (0, 0, 0, 0)>
#map2 = affine_map<(d0, d1) -> (0, 0, 0)>
module attributes {stable_mosaic.version = 14 : i64} {
  func.func @_scatter_kernel(%arg0: i32, %arg1: i32, %arg2: memref<10000x128xf32, #tpu.memory_space<hbm>>, %arg3: memref<2x32x80x125xi32, #tpu.memory_space<hbm>>, %arg4: memref<2x10240x128xf32, #tpu.memory_space<hbm>>, %arg5: memref<80x125xi32, #tpu.memory_space<vmem>>, %arg6: memref<125xi32, #tpu.memory_space<vmem>>, %arg7: memref<125xi32, #tpu.memory_space<vmem>>, %arg8: memref<125x128xf32, #tpu.memory_space<vmem>>, %arg9: memref<125x128xf32, #tpu.memory_space<vmem>>, %arg10: memref<10240x128xf32, #tpu.memory_space<vmem_shared>>, %arg11: memref<!tpu.dma_semaphore, #tpu.memory_space<semaphore_mem>>, %arg12: memref<!tpu.dma_semaphore, #tpu.memory_space<semaphore_mem>>, %arg13: memref<!tpu.dma_semaphore, #tpu.memory_space<semaphore_mem>>, %arg14: memref<!tpu.dma_semaphore, #tpu.memory_space<semaphore_mem>>, %arg15: memref<!tpu.dma_semaphore, #tpu.memory_space<semaphore_mem>>, %arg16: memref<!tpu.dma_semaphore, #tpu.memory_space<semaphore_mem>>) attributes {dimension_semantics = [#tpu.dimension_semantics<core_parallel>, #tpu.dimension_semantics<subcore_parallel>], iteration_bounds = array<i64: 2, 16>, scalar_prefetch = 0 : i64, scratch_operands = 12 : i64, tpu.core_type = #tpu.core_type<sc_vector_subcore>, window_params = [{transform_indices = #map}, {transform_indices = #map1}, {transform_indices = #map2}]} {
    %mul3A = arith.constant 2 : i32
    %mul3A_0 = arith.muli %arg1, %mul3A : i32
    %add3A = arith.addi %mul3A_0, %arg0 : i32
    %dma_start3A = arith.constant 0 : i32
    %dma_start3A_1 = arith.constant 0 : i32
    %dma_start3A_2 = arith.constant 0 : i32
    %dma_start3A_3 = tpu.memref_slice %arg3[%dma_start3A, %add3A, %dma_start3A_1, %dma_start3A_2] : memref<2x32x80x125xi32, #tpu.memory_space<hbm>> -> memref<1x1x80x125xi32, #tpu.memory_space<hbm>>
    %dma_start3A_4 = tpu.memref_squeeze %dma_start3A_3 : memref<1x1x80x125xi32, #tpu.memory_space<hbm>> -> memref<80x125xi32, #tpu.memory_space<hbm>>
    %dma_start3A_5 = arith.constant 0 : i32
    %dma_start3A_6 = arith.constant 0 : i32
    %dma_start3A_7 = tpu.memref_slice %arg3[%dma_start3A, %add3A, %dma_start3A_5, %dma_start3A_6] : memref<2x32x80x125xi32, #tpu.memory_space<hbm>> -> memref<1x1x80x125xi32, #tpu.memory_space<hbm>>
    %dma_start3A_8 = tpu.memref_squeeze %dma_start3A_7 : memref<1x1x80x125xi32, #tpu.memory_space<hbm>> -> memref<80x125xi32, #tpu.memory_space<hbm>>
    tpu.enqueue_dma source(%dma_start3A_8 : memref<80x125xi32, #tpu.memory_space<hbm>>) target(%arg5 : memref<80x125xi32, #tpu.memory_space<vmem>>) target_semaphore(%arg11 : memref<!tpu.dma_semaphore, #tpu.memory_space<semaphore_mem>>)
    %scan3A = arith.constant 0 : i32
    %scan3A_9 = arith.constant 0 : i32
    %scan3A_10 = arith.constant 125 : i32
    %scan3A_11 = arith.addi %scan3A_9, %scan3A_10 : i32
    %scan3A_12 = arith.constant 1 : i32
    %scan3A_13 = scf.for %scan3A_97 = %scan3A_9 to %scan3A_11 step %scan3A_12 iter_args(%scan3A_98 = %scan3A) -> (i32)  : i32 {
      %broadcast_in_dim3A = arith.constant 0.000000e+00 : f32
      %broadcast_in_dim3A_99 = vector.broadcast %broadcast_in_dim3A : f32 to vector<16xf32>
      %swap3A = arith.index_cast %scan3A_97 : i32 to index
      %swap3A_100 = arith.constant 0 : index
      %swap3A_101 = tpu.vector_load %arg8[%swap3A, %swap3A_100] {strides = array<i32>} : memref<125x128xf32, #tpu.memory_space<vmem>>, vector<1x16xf32>,
      %swap3A_102 = vector.shape_cast %swap3A_101 : vector<1x16xf32> to vector<16xf32>
      %swap3A_103 = vector.shape_cast %broadcast_in_dim3A_99 : vector<16xf32> to vector<1x16xf32>
      tpu.vector_store %arg8[%swap3A, %swap3A_100], %swap3A_103 {strides = array<i32>} : memref<125x128xf32, #tpu.memory_space<vmem>>, vector<1x16xf32>,
      %broadcast_in_dim3A_104 = arith.constant 0.000000e+00 : f32
      %broadcast_in_dim3A_105 = vector.broadcast %broadcast_in_dim3A_104 : f32 to vector<16xf32>
      %swap3A_106 = arith.index_cast %scan3A_97 : i32 to index
      %swap3A_107 = arith.constant 16 : index
      %swap3A_108 = tpu.vector_load %arg8[%swap3A_106, %swap3A_107] {strides = array<i32>} : memref<125x128xf32, #tpu.memory_space<vmem>>, vector<1x16xf32>,
      %swap3A_109 = vector.shape_cast %swap3A_108 : vector<1x16xf32> to vector<16xf32>
      %swap3A_110 = vector.shape_cast %broadcast_in_dim3A_105 : vector<16xf32> to vector<1x16xf32>
      tpu.vector_store %arg8[%swap3A_106, %swap3A_107], %swap3A_110 {strides = array<i32>} : memref<125x128xf32, #tpu.memory_space<vmem>>, vector<1x16xf32>,
      %broadcast_in_dim3A_111 = arith.constant 0.000000e+00 : f32
      %broadcast_in_dim3A_112 = vector.broadcast %broadcast_in_dim3A_111 : f32 to vector<16xf32>
      %swap3A_113 = arith.index_cast %scan3A_97 : i32 to index
      %swap3A_114 = arith.constant 32 : index
      %swap3A_115 = tpu.vector_load %arg8[%swap3A_113, %swap3A_114] {strides = array<i32>} : memref<125x128xf32, #tpu.memory_space<vmem>>, vector<1x16xf32>,
      %swap3A_116 = vector.shape_cast %swap3A_115 : vector<1x16xf32> to vector<16xf32>
      %swap3A_117 = vector.shape_cast %broadcast_in_dim3A_112 : vector<16xf32> to vector<1x16xf32>
      tpu.vector_store %arg8[%swap3A_113, %swap3A_114], %swap3A_117 {strides = array<i32>} : memref<125x128xf32, #tpu.memory_space<vmem>>, vector<1x16xf32>,
      %broadcast_in_dim3A_118 = arith.constant 0.000000e+00 : f32
      %broadcast_in_dim3A_119 = vector.broadcast %broadcast_in_dim3A_118 : f32 to vector<16xf32>
      %swap3A_120 = arith.index_cast %scan3A_97 : i32 to index
      %swap3A_121 = arith.constant 48 : index
      %swap3A_122 = tpu.vector_load %arg8[%swap3A_120, %swap3A_121] {strides = array<i32>} : memref<125x128xf32, #tpu.memory_space<vmem>>, vector<1x16xf32>,
      %swap3A_123 = vector.shape_cast %swap3A_122 : vector<1x16xf32> to vector<16xf32>
      %swap3A_124 = vector.shape_cast %broadcast_in_dim3A_119 : vector<16xf32> to vector<1x16xf32>
      tpu.vector_store %arg8[%swap3A_120, %swap3A_121], %swap3A_124 {strides = array<i32>} : memref<125x128xf32, #tpu.memory_space<vmem>>, vector<1x16xf32>,
      %broadcast_in_dim3A_125 = arith.constant 0.000000e+00 : f32
      %broadcast_in_dim3A_126 = vector.broadcast %broadcast_in_dim3A_125 : f32 to vector<16xf32>
      %swap3A_127 = arith.index_cast %scan3A_97 : i32 to index
      %swap3A_128 = arith.constant 64 : index
      %swap3A_129 = tpu.vector_load %arg8[%swap3A_127, %swap3A_128] {strides = array<i32>} : memref<125x128xf32, #tpu.memory_space<vmem>>, vector<1x16xf32>,
      %swap3A_130 = vector.shape_cast %swap3A_129 : vector<1x16xf32> to vector<16xf32>
      %swap3A_131 = vector.shape_cast %broadcast_in_dim3A_126 : vector<16xf32> to vector<1x16xf32>
      tpu.vector_store %arg8[%swap3A_127, %swap3A_128], %swap3A_131 {strides = array<i32>} : memref<125x128xf32, #tpu.memory_space<vmem>>, vector<1x16xf32>,
      %broadcast_in_dim3A_132 = arith.constant 0.000000e+00 : f32
      %broadcast_in_dim3A_133 = vector.broadcast %broadcast_in_dim3A_132 : f32 to vector<16xf32>
      %swap3A_134 = arith.index_cast %scan3A_97 : i32 to index
      %swap3A_135 = arith.constant 80 : index
      %swap3A_136 = tpu.vector_load %arg8[%swap3A_134, %swap3A_135] {strides = array<i32>} : memref<125x128xf32, #tpu.memory_space<vmem>>, vector<1x16xf32>,
      %swap3A_137 = vector.shape_cast %swap3A_136 : vector<1x16xf32> to vector<16xf32>
      %swap3A_138 = vector.shape_cast %broadcast_in_dim3A_133 : vector<16xf32> to vector<1x16xf32>
      tpu.vector_store %arg8[%swap3A_134, %swap3A_135], %swap3A_138 {strides = array<i32>} : memref<125x128xf32, #tpu.memory_space<vmem>>, vector<1x16xf32>,
      %broadcast_in_dim3A_139 = arith.constant 0.000000e+00 : f32
      %broadcast_in_dim3A_140 = vector.broadcast %broadcast_in_dim3A_139 : f32 to vector<16xf32>
      %swap3A_141 = arith.index_cast %scan3A_97 : i32 to index
      %swap3A_142 = arith.constant 96 : index
      %swap3A_143 = tpu.vector_load %arg8[%swap3A_141, %swap3A_142] {strides = array<i32>} : memref<125x128xf32, #tpu.memory_space<vmem>>, vector<1x16xf32>,
      %swap3A_144 = vector.shape_cast %swap3A_143 : vector<1x16xf32> to vector<16xf32>
      %swap3A_145 = vector.shape_cast %broadcast_in_dim3A_140 : vector<16xf32> to vector<1x16xf32>
      tpu.vector_store %arg8[%swap3A_141, %swap3A_142], %swap3A_145 {strides = array<i32>} : memref<125x128xf32, #tpu.memory_space<vmem>>, vector<1x16xf32>,
      %broadcast_in_dim3A_146 = arith.constant 0.000000e+00 : f32
      %broadcast_in_dim3A_147 = vector.broadcast %broadcast_in_dim3A_146 : f32 to vector<16xf32>
      %swap3A_148 = arith.index_cast %scan3A_97 : i32 to index
      %swap3A_149 = arith.constant 112 : index
      %swap3A_150 = tpu.vector_load %arg8[%swap3A_148, %swap3A_149] {strides = array<i32>} : memref<125x128xf32, #tpu.memory_space<vmem>>, vector<1x16xf32>,
      %swap3A_151 = vector.shape_cast %swap3A_150 : vector<1x16xf32> to vector<16xf32>
      %swap3A_152 = vector.shape_cast %broadcast_in_dim3A_147 : vector<16xf32> to vector<1x16xf32>
      tpu.vector_store %arg8[%swap3A_148, %swap3A_149], %swap3A_152 {strides = array<i32>} : memref<125x128xf32, #tpu.memory_space<vmem>>, vector<1x16xf32>,
      %scan3A_153 = arith.constant 0 : i32
      scf.yield %scan3A_153 : i32
    }
    %scan3A_14 = arith.constant 125 : i32
    %mul3A_15 = arith.constant 640 : i32
    %mul3A_16 = arith.muli %arg1, %mul3A_15 : i32
    %add3A_17 = arith.constant 0 : i32
    %add3A_18 = arith.addi %mul3A_16, %add3A_17 : i32
    "tpu.region"() ({
      %run_scoped3A = tpu.sem_alloc : memref<!tpu.dma_semaphore, #tpu.memory_space<semaphore_mem>>
      %dma_start3A_97 = arith.constant 0 : i32
      %dma_start3A_98 = arith.constant 0 : i32
      %dma_start3A_99 = tpu.memref_slice %arg8[%dma_start3A_97, %dma_start3A_98] : memref<125x128xf32, #tpu.memory_space<vmem>> -> memref<80x128xf32, #tpu.memory_space<vmem>>
      %dma_start3A_100 = arith.constant 0 : i32
      %dma_start3A_101 = tpu.memref_slice %arg10[%add3A_18, %dma_start3A_100] : memref<10240x128xf32, #tpu.memory_space<vmem_shared>> -> memref<80x128xf32, #tpu.memory_space<vmem_shared>>
      %dma_start3A_102 = arith.constant 0 : i32
      %dma_start3A_103 = tpu.memref_slice %arg10[%add3A_18, %dma_start3A_102] : memref<10240x128xf32, #tpu.memory_space<vmem_shared>> -> memref<80x128xf32, #tpu.memory_space<vmem_shared>>
      %dma_start3A_104 = arith.constant 0 : i32
      %dma_start3A_105 = arith.constant 0 : i32
      %dma_start3A_106 = tpu.memref_slice %arg8[%dma_start3A_104, %dma_start3A_105] : memref<125x128xf32, #tpu.memory_space<vmem>> -> memref<80x128xf32, #tpu.memory_space<vmem>>
      tpu.enqueue_dma source(%dma_start3A_106 : memref<80x128xf32, #tpu.memory_space<vmem>>) target(%dma_start3A_103 : memref<80x128xf32, #tpu.memory_space<vmem_shared>>) target_semaphore(%run_scoped3A : memref<!tpu.dma_semaphore, #tpu.memory_space<semaphore_mem>>)
      %dma_wait3A_107 = arith.constant 0 : i32
      %dma_wait3A_108 = arith.constant 0 : i32
      %dma_wait3A_109 = tpu.memref_slice %arg8[%dma_wait3A_107, %dma_wait3A_108] : memref<125x128xf32, #tpu.memory_space<vmem>> -> memref<80x128xf32, #tpu.memory_space<vmem>>
      %dma_wait3A_110 = arith.constant 0 : i32
      %dma_wait3A_111 = tpu.memref_slice %arg10[%add3A_18, %dma_wait3A_110] : memref<10240x128xf32, #tpu.memory_space<vmem_shared>> -> memref<80x128xf32, #tpu.memory_space<vmem_shared>>
      %dma_wait3A_112 = arith.constant 0 : i32
      %dma_wait3A_113 = tpu.memref_slice %arg10[%add3A_18, %dma_wait3A_112] : memref<10240x128xf32, #tpu.memory_space<vmem_shared>> -> memref<80x128xf32, #tpu.memory_space<vmem_shared>>
      %dma_wait3A_114 = arith.constant 0 : i32
      %dma_wait3A_115 = arith.constant 0 : i32
      %dma_wait3A_116 = tpu.memref_slice %arg8[%dma_wait3A_114, %dma_wait3A_115] : memref<125x128xf32, #tpu.memory_space<vmem>> -> memref<80x128xf32, #tpu.memory_space<vmem>>
      tpu.wait_dma2 semaphore(%run_scoped3A : memref<!tpu.dma_semaphore, #tpu.memory_space<semaphore_mem>>) src(%dma_wait3A_116 : memref<80x128xf32, #tpu.memory_space<vmem>>) dst(%dma_wait3A_113 : memref<80x128xf32, #tpu.memory_space<vmem_shared>>)
      tpu.yield
    }) : () -> ()
    %mul3A_19 = arith.constant 640 : i32
    %mul3A_20 = arith.muli %arg1, %mul3A_19 : i32
    %add3A_21 = arith.constant 80 : i32
    %add3A_22 = arith.addi %mul3A_20, %add3A_21 : i32
    "tpu.region"() ({
      %run_scoped3A = tpu.sem_alloc : memref<!tpu.dma_semaphore, #tpu.memory_space<semaphore_mem>>
      %dma_start3A_97 = arith.constant 0 : i32
      %dma_start3A_98 = arith.constant 0 : i32
      %dma_start3A_99 = tpu.memref_slice %arg8[%dma_start3A_97, %dma_start3A_98] : memref<125x128xf32, #tpu.memory_space<vmem>> -> memref<80x128xf32, #tpu.memory_space<vmem>>
      %dma_start3A_100 = arith.constant 0 : i32
      %dma_start3A_101 = tpu.memref_slice %arg10[%add3A_22, %dma_start3A_100] : memref<10240x128xf32, #tpu.memory_space<vmem_shared>> -> memref<80x128xf32, #tpu.memory_space<vmem_shared>>
      %dma_start3A_102 = arith.constant 0 : i32
      %dma_start3A_103 = tpu.memref_slice %arg10[%add3A_22, %dma_start3A_102] : memref<10240x128xf32, #tpu.memory_space<vmem_shared>> -> memref<80x128xf32, #tpu.memory_space<vmem_shared>>
      %dma_start3A_104 = arith.constant 0 : i32
      %dma_start3A_105 = arith.constant 0 : i32
      %dma_start3A_106 = tpu.memref_slice %arg8[%dma_start3A_104, %dma_start3A_105] : memref<125x128xf32, #tpu.memory_space<vmem>> -> memref<80x128xf32, #tpu.memory_space<vmem>>
      tpu.enqueue_dma source(%dma_start3A_106 : memref<80x128xf32, #tpu.memory_space<vmem>>) target(%dma_start3A_103 : memref<80x128xf32, #tpu.memory_space<vmem_shared>>) target_semaphore(%run_scoped3A : memref<!tpu.dma_semaphore, #tpu.memory_space<semaphore_mem>>)
      %dma_wait3A_107 = arith.constant 0 : i32
      %dma_wait3A_108 = arith.constant 0 : i32
      %dma_wait3A_109 = tpu.memref_slice %arg8[%dma_wait3A_107, %dma_wait3A_108] : memref<125x128xf32, #tpu.memory_space<vmem>> -> memref<80x128xf32, #tpu.memory_space<vmem>>
      %dma_wait3A_110 = arith.constant 0 : i32
      %dma_wait3A_111 = tpu.memref_slice %arg10[%add3A_22, %dma_wait3A_110] : memref<10240x128xf32, #tpu.memory_space<vmem_shared>> -> memref<80x128xf32, #tpu.memory_space<vmem_shared>>
      %dma_wait3A_112 = arith.constant 0 : i32
      %dma_wait3A_113 = tpu.memref_slice %arg10[%add3A_22, %dma_wait3A_112] : memref<10240x128xf32, #tpu.memory_space<vmem_shared>> -> memref<80x128xf32, #tpu.memory_space<vmem_shared>>
      %dma_wait3A_114 = arith.constant 0 : i32
      %dma_wait3A_115 = arith.constant 0 : i32
      %dma_wait3A_116 = tpu.memref_slice %arg8[%dma_wait3A_114, %dma_wait3A_115] : memref<125x128xf32, #tpu.memory_space<vmem>> -> memref<80x128xf32, #tpu.memory_space<vmem>>
      tpu.wait_dma2 semaphore(%run_scoped3A : memref<!tpu.dma_semaphore, #tpu.memory_space<semaphore_mem>>) src(%dma_wait3A_116 : memref<80x128xf32, #tpu.memory_space<vmem>>) dst(%dma_wait3A_113 : memref<80x128xf32, #tpu.memory_space<vmem_shared>>)
      tpu.yield
    }) : () -> ()
    %mul3A_23 = arith.constant 640 : i32
    %mul3A_24 = arith.muli %arg1, %mul3A_23 : i32
    %add3A_25 = arith.constant 160 : i32
    %add3A_26 = arith.addi %mul3A_24, %add3A_25 : i32
    "tpu.region"() ({
      %run_scoped3A = tpu.sem_alloc : memref<!tpu.dma_semaphore, #tpu.memory_space<semaphore_mem>>
      %dma_start3A_97 = arith.constant 0 : i32
      %dma_start3A_98 = arith.constant 0 : i32
      %dma_start3A_99 = tpu.memref_slice %arg8[%dma_start3A_97, %dma_start3A_98] : memref<125x128xf32, #tpu.memory_space<vmem>> -> memref<80x128xf32, #tpu.memory_space<vmem>>
      %dma_start3A_100 = arith.constant 0 : i32
      %dma_start3A_101 = tpu.memref_slice %arg10[%add3A_26, %dma_start3A_100] : memref<10240x128xf32, #tpu.memory_space<vmem_shared>> -> memref<80x128xf32, #tpu.memory_space<vmem_shared>>
      %dma_start3A_102 = arith.constant 0 : i32
      %dma_start3A_103 = tpu.memref_slice %arg10[%add3A_26, %dma_start3A_102] : memref<10240x128xf32, #tpu.memory_space<vmem_shared>> -> memref<80x128xf32, #tpu.memory_space<vmem_shared>>
      %dma_start3A_104 = arith.constant 0 : i32
      %dma_start3A_105 = arith.constant 0 : i32
      %dma_start3A_106 = tpu.memref_slice %arg8[%dma_start3A_104, %dma_start3A_105] : memref<125x128xf32, #tpu.memory_space<vmem>> -> memref<80x128xf32, #tpu.memory_space<vmem>>
      tpu.enqueue_dma source(%dma_start3A_106 : memref<80x128xf32, #tpu.memory_space<vmem>>) target(%dma_start3A_103 : memref<80x128xf32, #tpu.memory_space<vmem_shared>>) target_semaphore(%run_scoped3A : memref<!tpu.dma_semaphore, #tpu.memory_space<semaphore_mem>>)
      %dma_wait3A_107 = arith.constant 0 : i32
      %dma_wait3A_108 = arith.constant 0 : i32
      %dma_wait3A_109 = tpu.memref_slice %arg8[%dma_wait3A_107, %dma_wait3A_108] : memref<125x128xf32, #tpu.memory_space<vmem>> -> memref<80x128xf32, #tpu.memory_space<vmem>>
      %dma_wait3A_110 = arith.constant 0 : i32
      %dma_wait3A_111 = tpu.memref_slice %arg10[%add3A_26, %dma_wait3A_110] : memref<10240x128xf32, #tpu.memory_space<vmem_shared>> -> memref<80x128xf32, #tpu.memory_space<vmem_shared>>
      %dma_wait3A_112 = arith.constant 0 : i32
      %dma_wait3A_113 = tpu.memref_slice %arg10[%add3A_26, %dma_wait3A_112] : memref<10240x128xf32, #tpu.memory_space<vmem_shared>> -> memref<80x128xf32, #tpu.memory_space<vmem_shared>>
      %dma_wait3A_114 = arith.constant 0 : i32
      %dma_wait3A_115 = arith.constant 0 : i32
      %dma_wait3A_116 = tpu.memref_slice %arg8[%dma_wait3A_114, %dma_wait3A_115] : memref<125x128xf32, #tpu.memory_space<vmem>> -> memref<80x128xf32, #tpu.memory_space<vmem>>
      tpu.wait_dma2 semaphore(%run_scoped3A : memref<!tpu.dma_semaphore, #tpu.memory_space<semaphore_mem>>) src(%dma_wait3A_116 : memref<80x128xf32, #tpu.memory_space<vmem>>) dst(%dma_wait3A_113 : memref<80x128xf32, #tpu.memory_space<vmem_shared>>)
      tpu.yield
    }) : () -> ()
    %mul3A_27 = arith.constant 640 : i32
    %mul3A_28 = arith.muli %arg1, %mul3A_27 : i32
    %add3A_29 = arith.constant 240 : i32
    %add3A_30 = arith.addi %mul3A_28, %add3A_29 : i32
    "tpu.region"() ({
      %run_scoped3A = tpu.sem_alloc : memref<!tpu.dma_semaphore, #tpu.memory_space<semaphore_mem>>
      %dma_start3A_97 = arith.constant 0 : i32
      %dma_start3A_98 = arith.constant 0 : i32
      %dma_start3A_99 = tpu.memref_slice %arg8[%dma_start3A_97, %dma_start3A_98] : memref<125x128xf32, #tpu.memory_space<vmem>> -> memref<80x128xf32, #tpu.memory_space<vmem>>
      %dma_start3A_100 = arith.constant 0 : i32
      %dma_start3A_101 = tpu.memref_slice %arg10[%add3A_30, %dma_start3A_100] : memref<10240x128xf32, #tpu.memory_space<vmem_shared>> -> memref<80x128xf32, #tpu.memory_space<vmem_shared>>
      %dma_start3A_102 = arith.constant 0 : i32
      %dma_start3A_103 = tpu.memref_slice %arg10[%add3A_30, %dma_start3A_102] : memref<10240x128xf32, #tpu.memory_space<vmem_shared>> -> memref<80x128xf32, #tpu.memory_space<vmem_shared>>
      %dma_start3A_104 = arith.constant 0 : i32
      %dma_start3A_105 = arith.constant 0 : i32
      %dma_start3A_106 = tpu.memref_slice %arg8[%dma_start3A_104, %dma_start3A_105] : memref<125x128xf32, #tpu.memory_space<vmem>> -> memref<80x128xf32, #tpu.memory_space<vmem>>
      tpu.enqueue_dma source(%dma_start3A_106 : memref<80x128xf32, #tpu.memory_space<vmem>>) target(%dma_start3A_103 : memref<80x128xf32, #tpu.memory_space<vmem_shared>>) target_semaphore(%run_scoped3A : memref<!tpu.dma_semaphore, #tpu.memory_space<semaphore_mem>>)
      %dma_wait3A_107 = arith.constant 0 : i32
      %dma_wait3A_108 = arith.constant 0 : i32
      %dma_wait3A_109 = tpu.memref_slice %arg8[%dma_wait3A_107, %dma_wait3A_108] : memref<125x128xf32, #tpu.memory_space<vmem>> -> memref<80x128xf32, #tpu.memory_space<vmem>>
      %dma_wait3A_110 = arith.constant 0 : i32
      %dma_wait3A_111 = tpu.memref_slice %arg10[%add3A_30, %dma_wait3A_110] : memref<10240x128xf32, #tpu.memory_space<vmem_shared>> -> memref<80x128xf32, #tpu.memory_space<vmem_shared>>
      %dma_wait3A_112 = arith.constant 0 : i32
      %dma_wait3A_113 = tpu.memref_slice %arg10[%add3A_30, %dma_wait3A_112] : memref<10240x128xf32, #tpu.memory_space<vmem_shared>> -> memref<80x128xf32, #tpu.memory_space<vmem_shared>>
      %dma_wait3A_114 = arith.constant 0 : i32
      %dma_wait3A_115 = arith.constant 0 : i32
      %dma_wait3A_116 = tpu.memref_slice %arg8[%dma_wait3A_114, %dma_wait3A_115] : memref<125x128xf32, #tpu.memory_space<vmem>> -> memref<80x128xf32, #tpu.memory_space<vmem>>
      tpu.wait_dma2 semaphore(%run_scoped3A : memref<!tpu.dma_semaphore, #tpu.memory_space<semaphore_mem>>) src(%dma_wait3A_116 : memref<80x128xf32, #tpu.memory_space<vmem>>) dst(%dma_wait3A_113 : memref<80x128xf32, #tpu.memory_space<vmem_shared>>)
      tpu.yield
    }) : () -> ()
    %mul3A_31 = arith.constant 640 : i32
    %mul3A_32 = arith.muli %arg1, %mul3A_31 : i32
    %add3A_33 = arith.constant 320 : i32
    %add3A_34 = arith.addi %mul3A_32, %add3A_33 : i32
    "tpu.region"() ({
      %run_scoped3A = tpu.sem_alloc : memref<!tpu.dma_semaphore, #tpu.memory_space<semaphore_mem>>
      %dma_start3A_97 = arith.constant 0 : i32
      %dma_start3A_98 = arith.constant 0 : i32
      %dma_start3A_99 = tpu.memref_slice %arg8[%dma_start3A_97, %dma_start3A_98] : memref<125x128xf32, #tpu.memory_space<vmem>> -> memref<80x128xf32, #tpu.memory_space<vmem>>
      %dma_start3A_100 = arith.constant 0 : i32
      %dma_start3A_101 = tpu.memref_slice %arg10[%add3A_34, %dma_start3A_100] : memref<10240x128xf32, #tpu.memory_space<vmem_shared>> -> memref<80x128xf32, #tpu.memory_space<vmem_shared>>
      %dma_start3A_102 = arith.constant 0 : i32
      %dma_start3A_103 = tpu.memref_slice %arg10[%add3A_34, %dma_start3A_102] : memref<10240x128xf32, #tpu.memory_space<vmem_shared>> -> memref<80x128xf32, #tpu.memory_space<vmem_shared>>
      %dma_start3A_104 = arith.constant 0 : i32
      %dma_start3A_105 = arith.constant 0 : i32
      %dma_start3A_106 = tpu.memref_slice %arg8[%dma_start3A_104, %dma_start3A_105] : memref<125x128xf32, #tpu.memory_space<vmem>> -> memref<80x128xf32, #tpu.memory_space<vmem>>
      tpu.enqueue_dma source(%dma_start3A_106 : memref<80x128xf32, #tpu.memory_space<vmem>>) target(%dma_start3A_103 : memref<80x128xf32, #tpu.memory_space<vmem_shared>>) target_semaphore(%run_scoped3A : memref<!tpu.dma_semaphore, #tpu.memory_space<semaphore_mem>>)
      %dma_wait3A_107 = arith.constant 0 : i32
      %dma_wait3A_108 = arith.constant 0 : i32
      %dma_wait3A_109 = tpu.memref_slice %arg8[%dma_wait3A_107, %dma_wait3A_108] : memref<125x128xf32, #tpu.memory_space<vmem>> -> memref<80x128xf32, #tpu.memory_space<vmem>>
      %dma_wait3A_110 = arith.constant 0 : i32
      %dma_wait3A_111 = tpu.memref_slice %arg10[%add3A_34, %dma_wait3A_110] : memref<10240x128xf32, #tpu.memory_space<vmem_shared>> -> memref<80x128xf32, #tpu.memory_space<vmem_shared>>
      %dma_wait3A_112 = arith.constant 0 : i32
      %dma_wait3A_113 = tpu.memref_slice %arg10[%add3A_34, %dma_wait3A_112] : memref<10240x128xf32, #tpu.memory_space<vmem_shared>> -> memref<80x128xf32, #tpu.memory_space<vmem_shared>>
      %dma_wait3A_114 = arith.constant 0 : i32
      %dma_wait3A_115 = arith.constant 0 : i32
      %dma_wait3A_116 = tpu.memref_slice %arg8[%dma_wait3A_114, %dma_wait3A_115] : memref<125x128xf32, #tpu.memory_space<vmem>> -> memref<80x128xf32, #tpu.memory_space<vmem>>
      tpu.wait_dma2 semaphore(%run_scoped3A : memref<!tpu.dma_semaphore, #tpu.memory_space<semaphore_mem>>) src(%dma_wait3A_116 : memref<80x128xf32, #tpu.memory_space<vmem>>) dst(%dma_wait3A_113 : memref<80x128xf32, #tpu.memory_space<vmem_shared>>)
      tpu.yield
    }) : () -> ()
    %mul3A_35 = arith.constant 640 : i32
    %mul3A_36 = arith.muli %arg1, %mul3A_35 : i32
    %add3A_37 = arith.constant 400 : i32
    %add3A_38 = arith.addi %mul3A_36, %add3A_37 : i32
    "tpu.region"() ({
      %run_scoped3A = tpu.sem_alloc : memref<!tpu.dma_semaphore, #tpu.memory_space<semaphore_mem>>
      %dma_start3A_97 = arith.constant 0 : i32
      %dma_start3A_98 = arith.constant 0 : i32
      %dma_start3A_99 = tpu.memref_slice %arg8[%dma_start3A_97, %dma_start3A_98] : memref<125x128xf32, #tpu.memory_space<vmem>> -> memref<80x128xf32, #tpu.memory_space<vmem>>
      %dma_start3A_100 = arith.constant 0 : i32
      %dma_start3A_101 = tpu.memref_slice %arg10[%add3A_38, %dma_start3A_100] : memref<10240x128xf32, #tpu.memory_space<vmem_shared>> -> memref<80x128xf32, #tpu.memory_space<vmem_shared>>
      %dma_start3A_102 = arith.constant 0 : i32
      %dma_start3A_103 = tpu.memref_slice %arg10[%add3A_38, %dma_start3A_102] : memref<10240x128xf32, #tpu.memory_space<vmem_shared>> -> memref<80x128xf32, #tpu.memory_space<vmem_shared>>
      %dma_start3A_104 = arith.constant 0 : i32
      %dma_start3A_105 = arith.constant 0 : i32
      %dma_start3A_106 = tpu.memref_slice %arg8[%dma_start3A_104, %dma_start3A_105] : memref<125x128xf32, #tpu.memory_space<vmem>> -> memref<80x128xf32, #tpu.memory_space<vmem>>
      tpu.enqueue_dma source(%dma_start3A_106 : memref<80x128xf32, #tpu.memory_space<vmem>>) target(%dma_start3A_103 : memref<80x128xf32, #tpu.memory_space<vmem_shared>>) target_semaphore(%run_scoped3A : memref<!tpu.dma_semaphore, #tpu.memory_space<semaphore_mem>>)
      %dma_wait3A_107 = arith.constant 0 : i32
      %dma_wait3A_108 = arith.constant 0 : i32
      %dma_wait3A_109 = tpu.memref_slice %arg8[%dma_wait3A_107, %dma_wait3A_108] : memref<125x128xf32, #tpu.memory_space<vmem>> -> memref<80x128xf32, #tpu.memory_space<vmem>>
      %dma_wait3A_110 = arith.constant 0 : i32
      %dma_wait3A_111 = tpu.memref_slice %arg10[%add3A_38, %dma_wait3A_110] : memref<10240x128xf32, #tpu.memory_space<vmem_shared>> -> memref<80x128xf32, #tpu.memory_space<vmem_shared>>
      %dma_wait3A_112 = arith.constant 0 : i32
      %dma_wait3A_113 = tpu.memref_slice %arg10[%add3A_38, %dma_wait3A_112] : memref<10240x128xf32, #tpu.memory_space<vmem_shared>> -> memref<80x128xf32, #tpu.memory_space<vmem_shared>>
      %dma_wait3A_114 = arith.constant 0 : i32
      %dma_wait3A_115 = arith.constant 0 : i32
      %dma_wait3A_116 = tpu.memref_slice %arg8[%dma_wait3A_114, %dma_wait3A_115] : memref<125x128xf32, #tpu.memory_space<vmem>> -> memref<80x128xf32, #tpu.memory_space<vmem>>
      tpu.wait_dma2 semaphore(%run_scoped3A : memref<!tpu.dma_semaphore, #tpu.memory_space<semaphore_mem>>) src(%dma_wait3A_116 : memref<80x128xf32, #tpu.memory_space<vmem>>) dst(%dma_wait3A_113 : memref<80x128xf32, #tpu.memory_space<vmem_shared>>)
      tpu.yield
    }) : () -> ()
    %mul3A_39 = arith.constant 640 : i32
    %mul3A_40 = arith.muli %arg1, %mul3A_39 : i32
    %add3A_41 = arith.constant 480 : i32
    %add3A_42 = arith.addi %mul3A_40, %add3A_41 : i32
    "tpu.region"() ({
      %run_scoped3A = tpu.sem_alloc : memref<!tpu.dma_semaphore, #tpu.memory_space<semaphore_mem>>
      %dma_start3A_97 = arith.constant 0 : i32
      %dma_start3A_98 = arith.constant 0 : i32
      %dma_start3A_99 = tpu.memref_slice %arg8[%dma_start3A_97, %dma_start3A_98] : memref<125x128xf32, #tpu.memory_space<vmem>> -> memref<80x128xf32, #tpu.memory_space<vmem>>
      %dma_start3A_100 = arith.constant 0 : i32
      %dma_start3A_101 = tpu.memref_slice %arg10[%add3A_42, %dma_start3A_100] : memref<10240x128xf32, #tpu.memory_space<vmem_shared>> -> memref<80x128xf32, #tpu.memory_space<vmem_shared>>
      %dma_start3A_102 = arith.constant 0 : i32
      %dma_start3A_103 = tpu.memref_slice %arg10[%add3A_42, %dma_start3A_102] : memref<10240x128xf32, #tpu.memory_space<vmem_shared>> -> memref<80x128xf32, #tpu.memory_space<vmem_shared>>
      %dma_start3A_104 = arith.constant 0 : i32
      %dma_start3A_105 = arith.constant 0 : i32
      %dma_start3A_106 = tpu.memref_slice %arg8[%dma_start3A_104, %dma_start3A_105] : memref<125x128xf32, #tpu.memory_space<vmem>> -> memref<80x128xf32, #tpu.memory_space<vmem>>
      tpu.enqueue_dma source(%dma_start3A_106 : memref<80x128xf32, #tpu.memory_space<vmem>>) target(%dma_start3A_103 : memref<80x128xf32, #tpu.memory_space<vmem_shared>>) target_semaphore(%run_scoped3A : memref<!tpu.dma_semaphore, #tpu.memory_space<semaphore_mem>>)
      %dma_wait3A_107 = arith.constant 0 : i32
      %dma_wait3A_108 = arith.constant 0 : i32
      %dma_wait3A_109 = tpu.memref_slice %arg8[%dma_wait3A_107, %dma_wait3A_108] : memref<125x128xf32, #tpu.memory_space<vmem>> -> memref<80x128xf32, #tpu.memory_space<vmem>>
      %dma_wait3A_110 = arith.constant 0 : i32
      %dma_wait3A_111 = tpu.memref_slice %arg10[%add3A_42, %dma_wait3A_110] : memref<10240x128xf32, #tpu.memory_space<vmem_shared>> -> memref<80x128xf32, #tpu.memory_space<vmem_shared>>
      %dma_wait3A_112 = arith.constant 0 : i32
      %dma_wait3A_113 = tpu.memref_slice %arg10[%add3A_42, %dma_wait3A_112] : memref<10240x128xf32, #tpu.memory_space<vmem_shared>> -> memref<80x128xf32, #tpu.memory_space<vmem_shared>>
      %dma_wait3A_114 = arith.constant 0 : i32
      %dma_wait3A_115 = arith.constant 0 : i32
      %dma_wait3A_116 = tpu.memref_slice %arg8[%dma_wait3A_114, %dma_wait3A_115] : memref<125x128xf32, #tpu.memory_space<vmem>> -> memref<80x128xf32, #tpu.memory_space<vmem>>
      tpu.wait_dma2 semaphore(%run_scoped3A : memref<!tpu.dma_semaphore, #tpu.memory_space<semaphore_mem>>) src(%dma_wait3A_116 : memref<80x128xf32, #tpu.memory_space<vmem>>) dst(%dma_wait3A_113 : memref<80x128xf32, #tpu.memory_space<vmem_shared>>)
      tpu.yield
    }) : () -> ()
    %mul3A_43 = arith.constant 640 : i32
    %mul3A_44 = arith.muli %arg1, %mul3A_43 : i32
    %add3A_45 = arith.constant 560 : i32
    %add3A_46 = arith.addi %mul3A_44, %add3A_45 : i32
    "tpu.region"() ({
      %run_scoped3A = tpu.sem_alloc : memref<!tpu.dma_semaphore, #tpu.memory_space<semaphore_mem>>
      %dma_start3A_97 = arith.constant 0 : i32
      %dma_start3A_98 = arith.constant 0 : i32
      %dma_start3A_99 = tpu.memref_slice %arg8[%dma_start3A_97, %dma_start3A_98] : memref<125x128xf32, #tpu.memory_space<vmem>> -> memref<80x128xf32, #tpu.memory_space<vmem>>
      %dma_start3A_100 = arith.constant 0 : i32
      %dma_start3A_101 = tpu.memref_slice %arg10[%add3A_46, %dma_start3A_100] : memref<10240x128xf32, #tpu.memory_space<vmem_shared>> -> memref<80x128xf32, #tpu.memory_space<vmem_shared>>
      %dma_start3A_102 = arith.constant 0 : i32
      %dma_start3A_103 = tpu.memref_slice %arg10[%add3A_46, %dma_start3A_102] : memref<10240x128xf32, #tpu.memory_space<vmem_shared>> -> memref<80x128xf32, #tpu.memory_space<vmem_shared>>
      %dma_start3A_104 = arith.constant 0 : i32
      %dma_start3A_105 = arith.constant 0 : i32
      %dma_start3A_106 = tpu.memref_slice %arg8[%dma_start3A_104, %dma_start3A_105] : memref<125x128xf32, #tpu.memory_space<vmem>> -> memref<80x128xf32, #tpu.memory_space<vmem>>
      tpu.enqueue_dma source(%dma_start3A_106 : memref<80x128xf32, #tpu.memory_space<vmem>>) target(%dma_start3A_103 : memref<80x128xf32, #tpu.memory_space<vmem_shared>>) target_semaphore(%run_scoped3A : memref<!tpu.dma_semaphore, #tpu.memory_space<semaphore_mem>>)
      %dma_wait3A_107 = arith.constant 0 : i32
      %dma_wait3A_108 = arith.constant 0 : i32
      %dma_wait3A_109 = tpu.memref_slice %arg8[%dma_wait3A_107, %dma_wait3A_108] : memref<125x128xf32, #tpu.memory_space<vmem>> -> memref<80x128xf32, #tpu.memory_space<vmem>>
      %dma_wait3A_110 = arith.constant 0 : i32
      %dma_wait3A_111 = tpu.memref_slice %arg10[%add3A_46, %dma_wait3A_110] : memref<10240x128xf32, #tpu.memory_space<vmem_shared>> -> memref<80x128xf32, #tpu.memory_space<vmem_shared>>
      %dma_wait3A_112 = arith.constant 0 : i32
      %dma_wait3A_113 = tpu.memref_slice %arg10[%add3A_46, %dma_wait3A_112] : memref<10240x128xf32, #tpu.memory_space<vmem_shared>> -> memref<80x128xf32, #tpu.memory_space<vmem_shared>>
      %dma_wait3A_114 = arith.constant 0 : i32
      %dma_wait3A_115 = arith.constant 0 : i32
      %dma_wait3A_116 = tpu.memref_slice %arg8[%dma_wait3A_114, %dma_wait3A_115] : memref<125x128xf32, #tpu.memory_space<vmem>> -> memref<80x128xf32, #tpu.memory_space<vmem>>
      tpu.wait_dma2 semaphore(%run_scoped3A : memref<!tpu.dma_semaphore, #tpu.memory_space<semaphore_mem>>) src(%dma_wait3A_116 : memref<80x128xf32, #tpu.memory_space<vmem>>) dst(%dma_wait3A_113 : memref<80x128xf32, #tpu.memory_space<vmem_shared>>)
      tpu.yield
    }) : () -> ()
    %dma_wait3A = arith.constant 0 : i32
    %dma_wait3A_47 = arith.constant 0 : i32
    %dma_wait3A_48 = arith.constant 0 : i32
    %dma_wait3A_49 = tpu.memref_slice %arg3[%dma_wait3A, %add3A, %dma_wait3A_47, %dma_wait3A_48] : memref<2x32x80x125xi32, #tpu.memory_space<hbm>> -> memref<1x1x80x125xi32, #tpu.memory_space<hbm>>
    %dma_wait3A_50 = tpu.memref_squeeze %dma_wait3A_49 : memref<1x1x80x125xi32, #tpu.memory_space<hbm>> -> memref<80x125xi32, #tpu.memory_space<hbm>>
    %dma_wait3A_51 = arith.constant 0 : i32
    %dma_wait3A_52 = arith.constant 0 : i32
    %dma_wait3A_53 = tpu.memref_slice %arg3[%dma_wait3A, %add3A, %dma_wait3A_51, %dma_wait3A_52] : memref<2x32x80x125xi32, #tpu.memory_space<hbm>> -> memref<1x1x80x125xi32, #tpu.memory_space<hbm>>
    %dma_wait3A_54 = tpu.memref_squeeze %dma_wait3A_53 : memref<1x1x80x125xi32, #tpu.memory_space<hbm>> -> memref<80x125xi32, #tpu.memory_space<hbm>>
    tpu.wait_dma2 semaphore(%arg11 : memref<!tpu.dma_semaphore, #tpu.memory_space<semaphore_mem>>) src(%dma_wait3A_54 : memref<80x125xi32, #tpu.memory_space<hbm>>) dst(%arg5 : memref<80x125xi32, #tpu.memory_space<vmem>>)
    %dma_start3A_55 = arith.constant 1 : i32
    %dma_start3A_56 = arith.constant 0 : i32
    %dma_start3A_57 = arith.constant 0 : i32
    %dma_start3A_58 = tpu.memref_slice %arg3[%dma_start3A_55, %add3A, %dma_start3A_56, %dma_start3A_57] : memref<2x32x80x125xi32, #tpu.memory_space<hbm>> -> memref<1x1x1x125xi32, #tpu.memory_space<hbm>>
    %dma_start3A_59 = tpu.memref_squeeze %dma_start3A_58 : memref<1x1x1x125xi32, #tpu.memory_space<hbm>> -> memref<125xi32, #tpu.memory_space<hbm>>
    %dma_start3A_60 = arith.constant 0 : i32
    %dma_start3A_61 = tpu.memref_slice %arg3[%dma_start3A_55, %add3A, %dma_start3A_56, %dma_start3A_60] : memref<2x32x80x125xi32, #tpu.memory_space<hbm>> -> memref<1x1x1x125xi32, #tpu.memory_space<hbm>>
    %dma_start3A_62 = tpu.memref_squeeze %dma_start3A_61 : memref<1x1x1x125xi32, #tpu.memory_space<hbm>> -> memref<125xi32, #tpu.memory_space<hbm>>
    tpu.enqueue_dma source(%dma_start3A_62 : memref<125xi32, #tpu.memory_space<hbm>>) target(%arg6 : memref<125xi32, #tpu.memory_space<vmem>>) target_semaphore(%arg12 : memref<!tpu.dma_semaphore, #tpu.memory_space<semaphore_mem>>)
    %dma_start3A_63 = arith.constant 0 : i32
    %dma_start3A_64 = arith.constant 0 : i32
    %dma_start3A_65 = tpu.memref_slice %arg5[%dma_start3A_63, %dma_start3A_64] : memref<80x125xi32, #tpu.memory_space<vmem>> -> memref<1x125xi32, #tpu.memory_space<vmem>>
    %dma_start3A_66 = tpu.memref_squeeze %dma_start3A_65 : memref<1x125xi32, #tpu.memory_space<vmem>> -> memref<125xi32, #tpu.memory_space<vmem>>
    %dma_start3A_67 = arith.constant 0 : i32
    %dma_start3A_68 = arith.constant 0 : i32
    %dma_start3A_69 = tpu.memref_slice %arg2[%dma_start3A_67, %dma_start3A_68] : memref<10000x128xf32, #tpu.memory_space<hbm>> -> memref<10000x128xf32, #tpu.memory_space<hbm>>
    tpu.enqueue_indirect_dma source(%dma_start3A_69 : memref<10000x128xf32, #tpu.memory_space<hbm>>) target(%arg8 : memref<125x128xf32, #tpu.memory_space<vmem>>) offsets(%dma_start3A_66 : memref<125xi32, #tpu.memory_space<vmem>>) semaphore(%arg14 : memref<!tpu.dma_semaphore, #tpu.memory_space<semaphore_mem>>)
    %dma_start3A_70 = arith.constant 1 : i32
    %dma_start3A_71 = arith.constant 1 : i32
    %dma_start3A_72 = arith.constant 0 : i32
    %dma_start3A_73 = tpu.memref_slice %arg3[%dma_start3A_70, %add3A, %dma_start3A_71, %dma_start3A_72] : memref<2x32x80x125xi32, #tpu.memory_space<hbm>> -> memref<1x1x1x125xi32, #tpu.memory_space<hbm>>
    %dma_start3A_74 = tpu.memref_squeeze %dma_start3A_73 : memref<1x1x1x125xi32, #tpu.memory_space<hbm>> -> memref<125xi32, #tpu.memory_space<hbm>>
    %dma_start3A_75 = arith.constant 0 : i32
    %dma_start3A_76 = tpu.memref_slice %arg3[%dma_start3A_70, %add3A, %dma_start3A_71, %dma_start3A_75] : memref<2x32x80x125xi32, #tpu.memory_space<hbm>> -> memref<1x1x1x125xi32, #tpu.memory_space<hbm>>
    %dma_start3A_77 = tpu.memref_squeeze %dma_start3A_76 : memref<1x1x1x125xi32, #tpu.memory_space<hbm>> -> memref<125xi32, #tpu.memory_space<hbm>>
    tpu.enqueue_dma source(%dma_start3A_77 : memref<125xi32, #tpu.memory_space<hbm>>) target(%arg7 : memref<125xi32, #tpu.memory_space<vmem>>) target_semaphore(%arg13 : memref<!tpu.dma_semaphore, #tpu.memory_space<semaphore_mem>>)
    %dma_start3A_78 = arith.constant 1 : i32
    %dma_start3A_79 = arith.constant 0 : i32
    %dma_start3A_80 = tpu.memref_slice %arg5[%dma_start3A_78, %dma_start3A_79] : memref<80x125xi32, #tpu.memory_space<vmem>> -> memref<1x125xi32, #tpu.memory_space<vmem>>
    %dma_start3A_81 = tpu.memref_squeeze %dma_start3A_80 : memref<1x125xi32, #tpu.memory_space<vmem>> -> memref<125xi32, #tpu.memory_space<vmem>>
    %dma_start3A_82 = arith.constant 0 : i32
    %dma_start3A_83 = arith.constant 0 : i32
    %dma_start3A_84 = tpu.memref_slice %arg2[%dma_start3A_82, %dma_start3A_83] : memref<10000x128xf32, #tpu.memory_space<hbm>> -> memref<10000x128xf32, #tpu.memory_space<hbm>>
    tpu.enqueue_indirect_dma source(%dma_start3A_84 : memref<10000x128xf32, #tpu.memory_space<hbm>>) target(%arg9 : memref<125x128xf32, #tpu.memory_space<vmem>>) offsets(%dma_start3A_81 : memref<125xi32, #tpu.memory_space<vmem>>) semaphore(%arg15 : memref<!tpu.dma_semaphore, #tpu.memory_space<semaphore_mem>>)
    %barrier3A = arith.constant 0 : index
    tpu.barrier barrier_id(%barrier3A)
    %scan3A_85 = arith.constant 0 : i32
    %scan3A_86 = arith.constant 0 : i32
    %scan3A_87 = arith.constant 40 : i32
    %scan3A_88 = arith.addi %scan3A_86, %scan3A_87 : i32
    %scan3A_89 = arith.constant 1 : i32
    %scan3A_90 = scf.for %scan3A_97 = %scan3A_86 to %scan3A_88 step %scan3A_89 iter_args(%scan3A_98 = %scan3A_85) -> (i32)  : i32 {
      %mul3A_99 = arith.constant 2 : i32
      %mul3A_100 = arith.muli %mul3A_99, %scan3A_97 : i32
      %dma_wait3A_101 = arith.constant 0 : i32
      %dma_wait3A_102 = arith.constant 0 : i32
      %dma_wait3A_103 = tpu.memref_slice %arg5[%dma_wait3A_101, %dma_wait3A_102] : memref<80x125xi32, #tpu.memory_space<vmem>> -> memref<1x125xi32, #tpu.memory_space<vmem>>
      %dma_wait3A_104 = tpu.memref_squeeze %dma_wait3A_103 : memref<1x125xi32, #tpu.memory_space<vmem>> -> memref<125xi32, #tpu.memory_space<vmem>>
      %dma_wait3A_105 = arith.constant 0 : i32
      %dma_wait3A_106 = arith.constant 0 : i32
      %dma_wait3A_107 = tpu.memref_slice %arg2[%dma_wait3A_105, %dma_wait3A_106] : memref<10000x128xf32, #tpu.memory_space<hbm>> -> memref<10000x128xf32, #tpu.memory_space<hbm>>
      tpu.wait_indirect_dma semaphore(%arg14 : memref<!tpu.dma_semaphore, #tpu.memory_space<semaphore_mem>>) src(%dma_wait3A_107 : memref<10000x128xf32, #tpu.memory_space<hbm>>) dst(%arg8 : memref<125x128xf32, #tpu.memory_space<vmem>>)
      %dma_wait3A_108 = arith.constant 1 : i32
      %dma_wait3A_109 = arith.constant 0 : i32
      %dma_wait3A_110 = arith.constant 0 : i32
      %dma_wait3A_111 = tpu.memref_slice %arg3[%dma_wait3A_108, %add3A, %dma_wait3A_109, %dma_wait3A_110] : memref<2x32x80x125xi32, #tpu.memory_space<hbm>> -> memref<1x1x1x125xi32, #tpu.memory_space<hbm>>
      %dma_wait3A_112 = tpu.memref_squeeze %dma_wait3A_111 : memref<1x1x1x125xi32, #tpu.memory_space<hbm>> -> memref<125xi32, #tpu.memory_space<hbm>>
      %dma_wait3A_113 = arith.constant 0 : i32
      %dma_wait3A_114 = tpu.memref_slice %arg3[%dma_wait3A_108, %add3A, %dma_wait3A_109, %dma_wait3A_113] : memref<2x32x80x125xi32, #tpu.memory_space<hbm>> -> memref<1x1x1x125xi32, #tpu.memory_space<hbm>>
      %dma_wait3A_115 = tpu.memref_squeeze %dma_wait3A_114 : memref<1x1x1x125xi32, #tpu.memory_space<hbm>> -> memref<125xi32, #tpu.memory_space<hbm>>
      tpu.wait_dma2 semaphore(%arg12 : memref<!tpu.dma_semaphore, #tpu.memory_space<semaphore_mem>>) src(%dma_wait3A_115 : memref<125xi32, #tpu.memory_space<hbm>>) dst(%arg6 : memref<125xi32, #tpu.memory_space<vmem>>)
      %dma_start3A_116 = arith.constant 0 : i32
      %dma_start3A_117 = arith.constant 0 : i32
      %dma_start3A_118 = tpu.memref_slice %arg10[%dma_start3A_116, %dma_start3A_117] : memref<10240x128xf32, #tpu.memory_space<vmem_shared>> -> memref<10240x128xf32, #tpu.memory_space<vmem_shared>>
      tpu.enqueue_indirect_dma source(%arg8 : memref<125x128xf32, #tpu.memory_space<vmem>>) target(%dma_start3A_118 : memref<10240x128xf32, #tpu.memory_space<vmem_shared>>) offsets(%arg6 : memref<125xi32, #tpu.memory_space<vmem>>) semaphore(%arg16 : memref<!tpu.dma_semaphore, #tpu.memory_space<semaphore_mem>>) {add = true}
      %dma_wait3A_119 = arith.constant 0 : i32
      %dma_wait3A_120 = arith.constant 0 : i32
      %dma_wait3A_121 = tpu.memref_slice %arg10[%dma_wait3A_119, %dma_wait3A_120] : memref<10240x128xf32, #tpu.memory_space<vmem_shared>> -> memref<10240x128xf32, #tpu.memory_space<vmem_shared>>
      tpu.wait_indirect_dma semaphore(%arg16 : memref<!tpu.dma_semaphore, #tpu.memory_space<semaphore_mem>>) src(%arg8 : memref<125x128xf32, #tpu.memory_space<vmem>>) dst(%dma_wait3A_121 : memref<10240x128xf32, #tpu.memory_space<vmem_shared>>)
      %lt3A = arith.constant 39 : i32
      %lt3A_122 = arith.cmpi slt, %scan3A_97, %lt3A : i32
      %convert_element_type3A = arith.extui %lt3A_122 : i1 to i32
      %cond3A = arith.constant 0 : i32
      %cond3A_123 = arith.cmpi ne, %convert_element_type3A, %cond3A : i32
      scf.if %cond3A_123 {
        %add3A_151 = arith.constant 2 : i32
        %add3A_152 = arith.addi %mul3A_100, %add3A_151 : i32
        %dma_start3A_153 = arith.constant 1 : i32
        %dma_start3A_154 = arith.constant 0 : i32
        %dma_start3A_155 = tpu.memref_slice %arg3[%dma_start3A_153, %add3A, %add3A_152, %dma_start3A_154] : memref<2x32x80x125xi32, #tpu.memory_space<hbm>> -> memref<1x1x1x125xi32, #tpu.memory_space<hbm>>
        %dma_start3A_156 = tpu.memref_squeeze %dma_start3A_155 : memref<1x1x1x125xi32, #tpu.memory_space<hbm>> -> memref<125xi32, #tpu.memory_space<hbm>>
        %dma_start3A_157 = arith.constant 0 : i32
        %dma_start3A_158 = tpu.memref_slice %arg3[%dma_start3A_153, %add3A, %add3A_152, %dma_start3A_157] : memref<2x32x80x125xi32, #tpu.memory_space<hbm>> -> memref<1x1x1x125xi32, #tpu.memory_space<hbm>>
        %dma_start3A_159 = tpu.memref_squeeze %dma_start3A_158 : memref<1x1x1x125xi32, #tpu.memory_space<hbm>> -> memref<125xi32, #tpu.memory_space<hbm>>
        tpu.enqueue_dma source(%dma_start3A_159 : memref<125xi32, #tpu.memory_space<hbm>>) target(%arg6 : memref<125xi32, #tpu.memory_space<vmem>>) target_semaphore(%arg12 : memref<!tpu.dma_semaphore, #tpu.memory_space<semaphore_mem>>)
        %add3A_160 = arith.constant 2 : i32
        %add3A_161 = arith.addi %mul3A_100, %add3A_160 : i32
        %dma_start3A_162 = arith.constant 0 : i32
        %dma_start3A_163 = tpu.memref_slice %arg5[%add3A_161, %dma_start3A_162] : memref<80x125xi32, #tpu.memory_space<vmem>> -> memref<1x125xi32, #tpu.memory_space<vmem>>
        %dma_start3A_164 = tpu.memref_squeeze %dma_start3A_163 : memref<1x125xi32, #tpu.memory_space<vmem>> -> memref<125xi32, #tpu.memory_space<vmem>>
        %dma_start3A_165 = arith.constant 0 : i32
        %dma_start3A_166 = arith.constant 0 : i32
        %dma_start3A_167 = tpu.memref_slice %arg2[%dma_start3A_165, %dma_start3A_166] : memref<10000x128xf32, #tpu.memory_space<hbm>> -> memref<10000x128xf32, #tpu.memory_space<hbm>>
        tpu.enqueue_indirect_dma source(%dma_start3A_167 : memref<10000x128xf32, #tpu.memory_space<hbm>>) target(%arg8 : memref<125x128xf32, #tpu.memory_space<vmem>>) offsets(%dma_start3A_164 : memref<125xi32, #tpu.memory_space<vmem>>) semaphore(%arg14 : memref<!tpu.dma_semaphore, #tpu.memory_space<semaphore_mem>>)
      } else {
      }
      %dma_wait3A_124 = arith.constant 1 : i32
      %dma_wait3A_125 = arith.constant 0 : i32
      %dma_wait3A_126 = tpu.memref_slice %arg5[%dma_wait3A_124, %dma_wait3A_125] : memref<80x125xi32, #tpu.memory_space<vmem>> -> memref<1x125xi32, #tpu.memory_space<vmem>>
      %dma_wait3A_127 = tpu.memref_squeeze %dma_wait3A_126 : memref<1x125xi32, #tpu.memory_space<vmem>> -> memref<125xi32, #tpu.memory_space<vmem>>
      %dma_wait3A_128 = arith.constant 0 : i32
      %dma_wait3A_129 = arith.constant 0 : i32
      %dma_wait3A_130 = tpu.memref_slice %arg2[%dma_wait3A_128, %dma_wait3A_129] : memref<10000x128xf32, #tpu.memory_space<hbm>> -> memref<10000x128xf32, #tpu.memory_space<hbm>>
      tpu.wait_indirect_dma semaphore(%arg15 : memref<!tpu.dma_semaphore, #tpu.memory_space<semaphore_mem>>) src(%dma_wait3A_130 : memref<10000x128xf32, #tpu.memory_space<hbm>>) dst(%arg9 : memref<125x128xf32, #tpu.memory_space<vmem>>)
      %dma_wait3A_131 = arith.constant 1 : i32
      %dma_wait3A_132 = arith.constant 1 : i32
      %dma_wait3A_133 = arith.constant 0 : i32
      %dma_wait3A_134 = tpu.memref_slice %arg3[%dma_wait3A_131, %add3A, %dma_wait3A_132, %dma_wait3A_133] : memref<2x32x80x125xi32, #tpu.memory_space<hbm>> -> memref<1x1x1x125xi32, #tpu.memory_space<hbm>>
      %dma_wait3A_135 = tpu.memref_squeeze %dma_wait3A_134 : memref<1x1x1x125xi32, #tpu.memory_space<hbm>> -> memref<125xi32, #tpu.memory_space<hbm>>
      %dma_wait3A_136 = arith.constant 0 : i32
      %dma_wait3A_137 = tpu.memref_slice %arg3[%dma_wait3A_131, %add3A, %dma_wait3A_132, %dma_wait3A_136] : memref<2x32x80x125xi32, #tpu.memory_space<hbm>> -> memref<1x1x1x125xi32, #tpu.memory_space<hbm>>
      %dma_wait3A_138 = tpu.memref_squeeze %dma_wait3A_137 : memref<1x1x1x125xi32, #tpu.memory_space<hbm>> -> memref<125xi32, #tpu.memory_space<hbm>>
      tpu.wait_dma2 semaphore(%arg13 : memref<!tpu.dma_semaphore, #tpu.memory_space<semaphore_mem>>) src(%dma_wait3A_138 : memref<125xi32, #tpu.memory_space<hbm>>) dst(%arg7 : memref<125xi32, #tpu.memory_space<vmem>>)
      %dma_start3A_139 = arith.constant 0 : i32
      %dma_start3A_140 = arith.constant 0 : i32
      %dma_start3A_141 = tpu.memref_slice %arg10[%dma_start3A_139, %dma_start3A_140] : memref<10240x128xf32, #tpu.memory_space<vmem_shared>> -> memref<10240x128xf32, #tpu.memory_space<vmem_shared>>
      tpu.enqueue_indirect_dma source(%arg9 : memref<125x128xf32, #tpu.memory_space<vmem>>) target(%dma_start3A_141 : memref<10240x128xf32, #tpu.memory_space<vmem_shared>>) offsets(%arg7 : memref<125xi32, #tpu.memory_space<vmem>>) semaphore(%arg16 : memref<!tpu.dma_semaphore, #tpu.memory_space<semaphore_mem>>) {add = true}
      %dma_wait3A_142 = arith.constant 0 : i32
      %dma_wait3A_143 = arith.constant 0 : i32
      %dma_wait3A_144 = tpu.memref_slice %arg10[%dma_wait3A_142, %dma_wait3A_143] : memref<10240x128xf32, #tpu.memory_space<vmem_shared>> -> memref<10240x128xf32, #tpu.memory_space<vmem_shared>>
      tpu.wait_indirect_dma semaphore(%arg16 : memref<!tpu.dma_semaphore, #tpu.memory_space<semaphore_mem>>) src(%arg9 : memref<125x128xf32, #tpu.memory_space<vmem>>) dst(%dma_wait3A_144 : memref<10240x128xf32, #tpu.memory_space<vmem_shared>>)
      %lt3A_145 = arith.constant 39 : i32
      %lt3A_146 = arith.cmpi slt, %scan3A_97, %lt3A_145 : i32
      %convert_element_type3A_147 = arith.extui %lt3A_146 : i1 to i32
      %cond3A_148 = arith.constant 0 : i32
      %cond3A_149 = arith.cmpi ne, %convert_element_type3A_147, %cond3A_148 : i32
      scf.if %cond3A_149 {
        %add3A_151 = arith.constant 3 : i32
        %add3A_152 = arith.addi %mul3A_100, %add3A_151 : i32
        %dma_start3A_153 = arith.constant 1 : i32
        %dma_start3A_154 = arith.constant 0 : i32
        %dma_start3A_155 = tpu.memref_slice %arg3[%dma_start3A_153, %add3A, %add3A_152, %dma_start3A_154] : memref<2x32x80x125xi32, #tpu.memory_space<hbm>> -> memref<1x1x1x125xi32, #tpu.memory_space<hbm>>
        %dma_start3A_156 = tpu.memref_squeeze %dma_start3A_155 : memref<1x1x1x125xi32, #tpu.memory_space<hbm>> -> memref<125xi32, #tpu.memory_space<hbm>>
        %dma_start3A_157 = arith.constant 0 : i32
        %dma_start3A_158 = tpu.memref_slice %arg3[%dma_start3A_153, %add3A, %add3A_152, %dma_start3A_157] : memref<2x32x80x125xi32, #tpu.memory_space<hbm>> -> memref<1x1x1x125xi32, #tpu.memory_space<hbm>>
        %dma_start3A_159 = tpu.memref_squeeze %dma_start3A_158 : memref<1x1x1x125xi32, #tpu.memory_space<hbm>> -> memref<125xi32, #tpu.memory_space<hbm>>
        tpu.enqueue_dma source(%dma_start3A_159 : memref<125xi32, #tpu.memory_space<hbm>>) target(%arg7 : memref<125xi32, #tpu.memory_space<vmem>>) target_semaphore(%arg13 : memref<!tpu.dma_semaphore, #tpu.memory_space<semaphore_mem>>)
        %add3A_160 = arith.constant 3 : i32
        %add3A_161 = arith.addi %mul3A_100, %add3A_160 : i32
        %dma_start3A_162 = arith.constant 0 : i32
        %dma_start3A_163 = tpu.memref_slice %arg5[%add3A_161, %dma_start3A_162] : memref<80x125xi32, #tpu.memory_space<vmem>> -> memref<1x125xi32, #tpu.memory_space<vmem>>
        %dma_start3A_164 = tpu.memref_squeeze %dma_start3A_163 : memref<1x125xi32, #tpu.memory_space<vmem>> -> memref<125xi32, #tpu.memory_space<vmem>>
        %dma_start3A_165 = arith.constant 0 : i32
        %dma_start3A_166 = arith.constant 0 : i32
        %dma_start3A_167 = tpu.memref_slice %arg2[%dma_start3A_165, %dma_start3A_166] : memref<10000x128xf32, #tpu.memory_space<hbm>> -> memref<10000x128xf32, #tpu.memory_space<hbm>>
        tpu.enqueue_indirect_dma source(%dma_start3A_167 : memref<10000x128xf32, #tpu.memory_space<hbm>>) target(%arg9 : memref<125x128xf32, #tpu.memory_space<vmem>>) offsets(%dma_start3A_164 : memref<125xi32, #tpu.memory_space<vmem>>) semaphore(%arg15 : memref<!tpu.dma_semaphore, #tpu.memory_space<semaphore_mem>>)
      } else {
      }
      %scan3A_150 = arith.constant 0 : i32
      scf.yield %scan3A_150 : i32
    }
    %scan3A_91 = arith.constant 40 : i32
    %barrier3A_92 = arith.constant 0 : index
    tpu.barrier barrier_id(%barrier3A_92)
    %mul3A_93 = arith.constant 640 : i32
    %mul3A_94 = arith.muli %arg1, %mul3A_93 : i32
    %mul3A_95 = arith.constant 640 : i32
    %mul3A_96 = arith.muli %arg1, %mul3A_95 : i32
    "tpu.region"() ({
      %run_scoped3A = tpu.sem_alloc : memref<!tpu.dma_semaphore, #tpu.memory_space<semaphore_mem>>
      %dma_start3A_97 = arith.constant 0 : i32
      %dma_start3A_98 = tpu.memref_slice %arg4[%arg0, %mul3A_96, %dma_start3A_97] : memref<2x10240x128xf32, #tpu.memory_space<hbm>> -> memref<1x640x128xf32, #tpu.memory_space<hbm>>
      %dma_start3A_99 = tpu.memref_squeeze %dma_start3A_98 : memref<1x640x128xf32, #tpu.memory_space<hbm>> -> memref<640x128xf32, #tpu.memory_space<hbm>>
      %dma_start3A_100 = arith.constant 0 : i32
      %dma_start3A_101 = tpu.memref_slice %arg10[%mul3A_94, %dma_start3A_100] : memref<10240x128xf32, #tpu.memory_space<vmem_shared>> -> memref<640x128xf32, #tpu.memory_space<vmem_shared>>
      tpu.enqueue_dma source(%dma_start3A_101 : memref<640x128xf32, #tpu.memory_space<vmem_shared>>) target(%dma_start3A_99 : memref<640x128xf32, #tpu.memory_space<hbm>>) target_semaphore(%run_scoped3A : memref<!tpu.dma_semaphore, #tpu.memory_space<semaphore_mem>>)
      %dma_wait3A_102 = arith.constant 0 : i32
      %dma_wait3A_103 = tpu.memref_slice %arg4[%arg0, %mul3A_96, %dma_wait3A_102] : memref<2x10240x128xf32, #tpu.memory_space<hbm>> -> memref<1x640x128xf32, #tpu.memory_space<hbm>>
      %dma_wait3A_104 = tpu.memref_squeeze %dma_wait3A_103 : memref<1x640x128xf32, #tpu.memory_space<hbm>> -> memref<640x128xf32, #tpu.memory_space<hbm>>
      %dma_wait3A_105 = arith.constant 0 : i32
      %dma_wait3A_106 = tpu.memref_slice %arg10[%mul3A_94, %dma_wait3A_105] : memref<10240x128xf32, #tpu.memory_space<vmem_shared>> -> memref<640x128xf32, #tpu.memory_space<vmem_shared>>
      tpu.wait_dma2 semaphore(%run_scoped3A : memref<!tpu.dma_semaphore, #tpu.memory_space<semaphore_mem>>) src(%dma_wait3A_106 : memref<640x128xf32, #tpu.memory_space<vmem_shared>>) dst(%dma_wait3A_104 : memref<640x128xf32, #tpu.memory_space<hbm>>)
      tpu.yield
    }) : () -> ()
    return
  }
}

module attributes {stable_mosaic.version = 14 : i64} {
  func.func @_mid_body(%arg0: i32, %arg1: memref<2x2000x128xf32, #tpu.memory_space<vmem>>, %arg2: memref<2000x4xf32, #tpu.memory_space<vmem>>, %arg3: memref<1x128xf32, #tpu.memory_space<vmem>>, %arg4: memref<128x128xf32, #tpu.memory_space<vmem>>, %arg5: memref<2000x128xf32, #tpu.memory_space<vmem>>) attributes {dimension_semantics = [#tpu.dimension_semantics<arbitrary>], iteration_bounds = array<i64: 5>, scalar_prefetch = 0 : i64, scratch_operands = 0 : i64, tpu.core_type = #tpu.core_type<tc>, window_params = [{transform_indices = @transform_0, window_bounds = array<i64: 2, 2000, 128>}, {transform_indices = @transform_1, window_bounds = array<i64: 2000, 4>}, {pipeline_mode = #tpu.pipeline_mode<synchronous>, transform_indices = @transform_2, window_bounds = array<i64: 1, 128>}, {pipeline_mode = #tpu.pipeline_mode<synchronous>, transform_indices = @transform_3, window_bounds = array<i64: 128, 128>}, {transform_indices = @transform_4, window_bounds = array<i64: 2000, 128>}]} {
    %get3A = arith.constant 0 : index
    %get3A_0 = arith.constant 0 : index
    %get3A_1 = vector.load %arg2[%get3A, %get3A_0] : memref<2000x4xf32, #tpu.memory_space<vmem>>, vector<2000x4xf32>
    %slice3A = vector.extract_strided_slice %get3A_1 {offsets = [0, 0], sizes = [2000, 1], strides = [1, 1]} : vector<2000x4xf32> to vector<2000x1xf32>
    %squeeze3A = vector.shape_cast %slice3A : vector<2000x1xf32> to vector<2000xf32>
    %slice3A_2 = vector.extract_strided_slice %get3A_1 {offsets = [0, 2], sizes = [2000, 1], strides = [1, 1]} : vector<2000x4xf32> to vector<2000x1xf32>
    %squeeze3A_3 = vector.shape_cast %slice3A_2 : vector<2000x1xf32> to vector<2000xf32>
    %add3A = arith.addf %squeeze3A, %squeeze3A_3 : vector<2000xf32>
    %max3A = arith.constant 1.000000e+00 : f32
    %max3A_4 = vector.broadcast %max3A : f32 to vector<2000xf32>
    %max3A_5 = arith.maximumf %add3A, %max3A_4 : vector<2000xf32>
    %rsqrt3A = math.rsqrt %max3A_5 : vector<2000xf32>
    %slice3A_6 = vector.extract_strided_slice %get3A_1 {offsets = [0, 1], sizes = [2000, 1], strides = [1, 1]} : vector<2000x4xf32> to vector<2000x1xf32>
    %squeeze3A_7 = vector.shape_cast %slice3A_6 : vector<2000x1xf32> to vector<2000xf32>
    %slice3A_8 = vector.extract_strided_slice %get3A_1 {offsets = [0, 3], sizes = [2000, 1], strides = [1, 1]} : vector<2000x4xf32> to vector<2000x1xf32>
    %squeeze3A_9 = vector.shape_cast %slice3A_8 : vector<2000x1xf32> to vector<2000xf32>
    %add3A_10 = arith.addf %squeeze3A_7, %squeeze3A_9 : vector<2000xf32>
    %max3A_11 = arith.constant 1.000000e+00 : f32
    %max3A_12 = vector.broadcast %max3A_11 : f32 to vector<2000xf32>
    %max3A_13 = arith.maximumf %add3A_10, %max3A_12 : vector<2000xf32>
    %rsqrt3A_14 = math.rsqrt %max3A_13 : vector<2000xf32>
    %get3A_15 = arith.constant 0 : index
    %get3A_16 = arith.constant 0 : index
    %get3A_17 = arith.constant 0 : index
    %get3A_18 = vector.load %arg1[%get3A_15, %get3A_16, %get3A_17] : memref<2x2000x128xf32, #tpu.memory_space<vmem>>, vector<1x2000x128xf32>
    %get3A_19 = vector.shape_cast %get3A_18 : vector<1x2000x128xf32> to vector<2000x128xf32>
    %get3A_20 = arith.constant 1 : index
    %get3A_21 = arith.constant 0 : index
    %get3A_22 = arith.constant 0 : index
    %get3A_23 = vector.load %arg1[%get3A_20, %get3A_21, %get3A_22] : memref<2x2000x128xf32, #tpu.memory_space<vmem>>, vector<1x2000x128xf32>
    %get3A_24 = vector.shape_cast %get3A_23 : vector<1x2000x128xf32> to vector<2000x128xf32>
    %add3A_25 = arith.addf %get3A_19, %get3A_24 : vector<2000x128xf32>
    %broadcast_in_dim3A = vector.shape_cast %rsqrt3A_14 : vector<2000xf32> to vector<2000x1xf32>
    %mul3A = vector.broadcast %broadcast_in_dim3A : vector<2000x1xf32> to vector<2000x128xf32>
    %mul3A_26 = arith.mulf %add3A_25, %mul3A : vector<2000x128xf32>
    %get3A_27 = arith.constant 0 : index
    %get3A_28 = arith.constant 0 : index
    %get3A_29 = vector.load %arg3[%get3A_27, %get3A_28] : memref<1x128xf32, #tpu.memory_space<vmem>>, vector<1x128xf32>
    %add3A_30 = vector.broadcast %get3A_29 : vector<1x128xf32> to vector<2000x128xf32>
    %add3A_31 = arith.addf %mul3A_26, %add3A_30 : vector<2000x128xf32>
    %max3A_32 = arith.constant 0.000000e+00 : f32
    %max3A_33 = vector.broadcast %max3A_32 : f32 to vector<2000x128xf32>
    %max3A_34 = arith.maximumf %add3A_31, %max3A_33 : vector<2000x128xf32>
    %broadcast_in_dim3A_35 = vector.shape_cast %rsqrt3A : vector<2000xf32> to vector<2000x1xf32>
    %mul3A_36 = vector.broadcast %broadcast_in_dim3A_35 : vector<2000x1xf32> to vector<2000x128xf32>
    %mul3A_37 = arith.mulf %max3A_34, %mul3A_36 : vector<2000x128xf32>
    %get3A_38 = arith.constant 0 : index
    %get3A_39 = arith.constant 0 : index
    %get3A_40 = vector.load %arg4[%get3A_38, %get3A_39] : memref<128x128xf32, #tpu.memory_space<vmem>>, vector<128x128xf32>
    %dot_general3A = arith.constant dense<0.000000e+00> : vector<2000x128xf32>
    %dot_general3A_41 = tpu.matmul %mul3A_37, %get3A_40, %dot_general3A {dimension_numbers = #tpu.dot_dimension_numbers<[1], [0], [0], [1], [0, 0, 1, 1], [], []>, transpose_lhs_hint = false} : vector<2000x128xf32>, vector<128x128xf32>, vector<2000x128xf32> -> vector<2000x128xf32>
    %swap3A = arith.constant 0 : index
    %swap3A_42 = arith.constant 0 : index
    %swap3A_43 = vector.load %arg5[%swap3A, %swap3A_42] : memref<2000x128xf32, #tpu.memory_space<vmem>>, vector<2000x128xf32>
    tpu.vector_store %arg5[%swap3A, %swap3A_42], %dot_general3A_41 {strides = array<i32>} : memref<2000x128xf32, #tpu.memory_space<vmem>>, vector<2000x128xf32>,
    return
  }
  func.func @transform_0(%arg0: i32) -> (i32, i32, i32) {
    %c0_i32 = arith.constant 0 : i32
    %c0_i32_0 = arith.constant 0 : i32
    %c0_i32_1 = arith.constant 0 : i32
    return %c0_i32, %arg0, %c0_i32_0 : i32, i32, i32
  }
  func.func @transform_1(%arg0: i32) -> (i32, i32) {
    %c0_i32 = arith.constant 0 : i32
    %c0_i32_0 = arith.constant 0 : i32
    return %arg0, %c0_i32 : i32, i32
  }
  func.func @transform_2(%arg0: i32) -> (i32, i32) {
    %c0_i32 = arith.constant 0 : i32
    %c0_i32_0 = arith.constant 0 : i32
    %c0_i32_1 = arith.constant 0 : i32
    return %c0_i32, %c0_i32_0 : i32, i32
  }
  func.func @transform_3(%arg0: i32) -> (i32, i32) {
    %c0_i32 = arith.constant 0 : i32
    %c0_i32_0 = arith.constant 0 : i32
    %c0_i32_1 = arith.constant 0 : i32
    return %c0_i32, %c0_i32_0 : i32, i32
  }
  func.func @transform_4(%arg0: i32) -> (i32, i32) {
    %c0_i32 = arith.constant 0 : i32
    %c0_i32_0 = arith.constant 0 : i32
    return %arg0, %c0_i32 : i32, i32
  }
}

module attributes {stable_mosaic.version = 14 : i64} {
  func.func @_prep_body(%arg0: i32, %arg1: memref<2000x128xf32, #tpu.memory_space<vmem>>, %arg2: memref<128x128xf32, #tpu.memory_space<vmem>>, %arg3: memref<2000x4xf32, #tpu.memory_space<vmem>>, %arg4: memref<2000x128xf32, #tpu.memory_space<vmem>>) attributes {dimension_semantics = [#tpu.dimension_semantics<arbitrary>], iteration_bounds = array<i64: 5>, scalar_prefetch = 0 : i64, scratch_operands = 0 : i64, tpu.core_type = #tpu.core_type<tc>, window_params = [{transform_indices = @transform_0, window_bounds = array<i64: 2000, 128>}, {pipeline_mode = #tpu.pipeline_mode<synchronous>, transform_indices = @transform_1, window_bounds = array<i64: 128, 128>}, {transform_indices = @transform_2, window_bounds = array<i64: 2000, 4>}, {transform_indices = @transform_3, window_bounds = array<i64: 2000, 128>}]} {
    %get3A = arith.constant 0 : index
    %get3A_0 = arith.constant 0 : index
    %get3A_1 = vector.load %arg3[%get3A, %get3A_0] : memref<2000x4xf32, #tpu.memory_space<vmem>>, vector<2000x4xf32>
    %slice3A = vector.extract_strided_slice %get3A_1 {offsets = [0, 0], sizes = [2000, 1], strides = [1, 1]} : vector<2000x4xf32> to vector<2000x1xf32>
    %squeeze3A = vector.shape_cast %slice3A : vector<2000x1xf32> to vector<2000xf32>
    %slice3A_2 = vector.extract_strided_slice %get3A_1 {offsets = [0, 2], sizes = [2000, 1], strides = [1, 1]} : vector<2000x4xf32> to vector<2000x1xf32>
    %squeeze3A_3 = vector.shape_cast %slice3A_2 : vector<2000x1xf32> to vector<2000xf32>
    %add3A = arith.addf %squeeze3A, %squeeze3A_3 : vector<2000xf32>
    %max3A = arith.constant 1.000000e+00 : f32
    %max3A_4 = vector.broadcast %max3A : f32 to vector<2000xf32>
    %max3A_5 = arith.maximumf %add3A, %max3A_4 : vector<2000xf32>
    %rsqrt3A = math.rsqrt %max3A_5 : vector<2000xf32>
    %get3A_6 = arith.constant 0 : index
    %get3A_7 = arith.constant 0 : index
    %get3A_8 = vector.load %arg1[%get3A_6, %get3A_7] : memref<2000x128xf32, #tpu.memory_space<vmem>>, vector<2000x128xf32>
    %broadcast_in_dim3A = vector.shape_cast %rsqrt3A : vector<2000xf32> to vector<2000x1xf32>
    %mul3A = vector.broadcast %broadcast_in_dim3A : vector<2000x1xf32> to vector<2000x128xf32>
    %mul3A_9 = arith.mulf %get3A_8, %mul3A : vector<2000x128xf32>
    %get3A_10 = arith.constant 0 : index
    %get3A_11 = arith.constant 0 : index
    %get3A_12 = vector.load %arg2[%get3A_10, %get3A_11] : memref<128x128xf32, #tpu.memory_space<vmem>>, vector<128x128xf32>
    %dot_general3A = arith.constant dense<0.000000e+00> : vector<2000x128xf32>
    %dot_general3A_13 = tpu.matmul %mul3A_9, %get3A_12, %dot_general3A {dimension_numbers = #tpu.dot_dimension_numbers<[1], [0], [0], [1], [0, 0, 1, 1], [], []>, transpose_lhs_hint = false} : vector<2000x128xf32>, vector<128x128xf32>, vector<2000x128xf32> -> vector<2000x128xf32>
    %swap3A = arith.constant 0 : index
    %swap3A_14 = arith.constant 0 : index
    %swap3A_15 = vector.load %arg4[%swap3A, %swap3A_14] : memref<2000x128xf32, #tpu.memory_space<vmem>>, vector<2000x128xf32>
    tpu.vector_store %arg4[%swap3A, %swap3A_14], %dot_general3A_13 {strides = array<i32>} : memref<2000x128xf32, #tpu.memory_space<vmem>>, vector<2000x128xf32>,
    return
  }
  func.func @transform_0(%arg0: i32) -> (i32, i32) {
    %c0_i32 = arith.constant 0 : i32
    %c0_i32_0 = arith.constant 0 : i32
    return %arg0, %c0_i32 : i32, i32
  }
  func.func @transform_1(%arg0: i32) -> (i32, i32) {
    %c0_i32 = arith.constant 0 : i32
    %c0_i32_0 = arith.constant 0 : i32
    %c0_i32_1 = arith.constant 0 : i32
    return %c0_i32, %c0_i32_0 : i32, i32
  }
  func.func @transform_2(%arg0: i32) -> (i32, i32) {
    %c0_i32 = arith.constant 0 : i32
    %c0_i32_0 = arith.constant 0 : i32
    return %arg0, %c0_i32 : i32, i32
  }
  func.func @transform_3(%arg0: i32) -> (i32, i32) {
    %c0_i32 = arith.constant 0 : i32
    %c0_i32_0 = arith.constant 0 : i32
    return %arg0, %c0_i32 : i32, i32
  }
}

module attributes {stable_mosaic.version = 14 : i64} {
  func.func @_final_body(%arg0: i32, %arg1: memref<2x2000x128xf32, #tpu.memory_space<vmem>>, %arg2: memref<2000x4xf32, #tpu.memory_space<vmem>>, %arg3: memref<1x128xf32, #tpu.memory_space<vmem>>, %arg4: memref<2000x128xf32, #tpu.memory_space<vmem>>) attributes {dimension_semantics = [#tpu.dimension_semantics<arbitrary>], iteration_bounds = array<i64: 5>, scalar_prefetch = 0 : i64, scratch_operands = 0 : i64, tpu.core_type = #tpu.core_type<tc>, window_params = [{transform_indices = @transform_0, window_bounds = array<i64: 2, 2000, 128>}, {transform_indices = @transform_1, window_bounds = array<i64: 2000, 4>}, {pipeline_mode = #tpu.pipeline_mode<synchronous>, transform_indices = @transform_2, window_bounds = array<i64: 1, 128>}, {transform_indices = @transform_3, window_bounds = array<i64: 2000, 128>}]} {
    %get3A = arith.constant 0 : index
    %get3A_0 = arith.constant 0 : index
    %get3A_1 = vector.load %arg2[%get3A, %get3A_0] : memref<2000x4xf32, #tpu.memory_space<vmem>>, vector<2000x4xf32>
    %slice3A = vector.extract_strided_slice %get3A_1 {offsets = [0, 1], sizes = [2000, 1], strides = [1, 1]} : vector<2000x4xf32> to vector<2000x1xf32>
    %squeeze3A = vector.shape_cast %slice3A : vector<2000x1xf32> to vector<2000xf32>
    %slice3A_2 = vector.extract_strided_slice %get3A_1 {offsets = [0, 3], sizes = [2000, 1], strides = [1, 1]} : vector<2000x4xf32> to vector<2000x1xf32>
    %squeeze3A_3 = vector.shape_cast %slice3A_2 : vector<2000x1xf32> to vector<2000xf32>
    %add3A = arith.addf %squeeze3A, %squeeze3A_3 : vector<2000xf32>
    %max3A = arith.constant 1.000000e+00 : f32
    %max3A_4 = vector.broadcast %max3A : f32 to vector<2000xf32>
    %max3A_5 = arith.maximumf %add3A, %max3A_4 : vector<2000xf32>
    %rsqrt3A = math.rsqrt %max3A_5 : vector<2000xf32>
    %get3A_6 = arith.constant 0 : index
    %get3A_7 = arith.constant 0 : index
    %get3A_8 = arith.constant 0 : index
    %get3A_9 = vector.load %arg1[%get3A_6, %get3A_7, %get3A_8] : memref<2x2000x128xf32, #tpu.memory_space<vmem>>, vector<1x2000x128xf32>
    %get3A_10 = vector.shape_cast %get3A_9 : vector<1x2000x128xf32> to vector<2000x128xf32>
    %get3A_11 = arith.constant 1 : index
    %get3A_12 = arith.constant 0 : index
    %get3A_13 = arith.constant 0 : index
    %get3A_14 = vector.load %arg1[%get3A_11, %get3A_12, %get3A_13] : memref<2x2000x128xf32, #tpu.memory_space<vmem>>, vector<1x2000x128xf32>
    %get3A_15 = vector.shape_cast %get3A_14 : vector<1x2000x128xf32> to vector<2000x128xf32>
    %add3A_16 = arith.addf %get3A_10, %get3A_15 : vector<2000x128xf32>
    %broadcast_in_dim3A = vector.shape_cast %rsqrt3A : vector<2000xf32> to vector<2000x1xf32>
    %mul3A = vector.broadcast %broadcast_in_dim3A : vector<2000x1xf32> to vector<2000x128xf32>
    %mul3A_17 = arith.mulf %add3A_16, %mul3A : vector<2000x128xf32>
    %get3A_18 = arith.constant 0 : index
    %get3A_19 = arith.constant 0 : index
    %get3A_20 = vector.load %arg3[%get3A_18, %get3A_19] : memref<1x128xf32, #tpu.memory_space<vmem>>, vector<1x128xf32>
    %add3A_21 = vector.broadcast %get3A_20 : vector<1x128xf32> to vector<2000x128xf32>
    %add3A_22 = arith.addf %mul3A_17, %add3A_21 : vector<2000x128xf32>
    %swap3A = arith.constant 0 : index
    %swap3A_23 = arith.constant 0 : index
    %swap3A_24 = vector.load %arg4[%swap3A, %swap3A_23] : memref<2000x128xf32, #tpu.memory_space<vmem>>, vector<2000x128xf32>
    tpu.vector_store %arg4[%swap3A, %swap3A_23], %add3A_22 {strides = array<i32>} : memref<2000x128xf32, #tpu.memory_space<vmem>>, vector<2000x128xf32>,
    return
  }
  func.func @transform_0(%arg0: i32) -> (i32, i32, i32) {
    %c0_i32 = arith.constant 0 : i32
    %c0_i32_0 = arith.constant 0 : i32
    %c0_i32_1 = arith.constant 0 : i32
    return %c0_i32, %arg0, %c0_i32_0 : i32, i32, i32
  }
  func.func @transform_1(%arg0: i32) -> (i32, i32) {
    %c0_i32 = arith.constant 0 : i32
    %c0_i32_0 = arith.constant 0 : i32
    return %arg0, %c0_i32 : i32, i32
  }
  func.func @transform_2(%arg0: i32) -> (i32, i32) {
    %c0_i32 = arith.constant 0 : i32
    %c0_i32_0 = arith.constant 0 : i32
    %c0_i32_1 = arith.constant 0 : i32
    return %c0_i32, %c0_i32_0 : i32, i32
  }
  func.func @transform_3(%arg0: i32) -> (i32, i32) {
    %c0_i32 = arith.constant 0 : i32
    %c0_i32_0 = arith.constant 0 : i32
    return %arg0, %c0_i32 : i32, i32
  }
}

</mosaic_0001>

<sc_bundles>
// kernel: kernel.11.cloned.1.call-start
scs
__scs_entry_jumppad:
0x0: {  	(pc) =	sbr.rel $0x88, $3  }
0x1: {  	(tag) =	ssettag $0x0;
	lr =	simm.s32 $0x1  }
0x2: {  	[smem:$0x3F9B] =	sst lr;
	_ =	strace $0xD0000000  }
0x3: {  	_ = 	snop  }
0x4: {  	_ = 	snop  }
0x5: {  	_ = 	snop  }
0x6: {  	_ = 	snop  }
0x7: {  	_ = 	snop  }
__scs_overlays_trampoline_lowered:
0x8: {  	[smem:$0x3FAA] =	sst s0  }
0x9: {  	[smem:$0x3FAB] =	sst s1  }
0xa: {  	[smem:$0x3FAC] =	sst s2  }
0xb: {  	[smem:$0x3FAD] =	sst s3  }
0xc: {  	[smem:$0x3FAE] =	sst s4  }
0xd: {  	[smem:$0x3FAF] =	sst s5  }
0xe: {  	[smem:$0x3FB0] =	sst s6  }
0xf: {  	[smem:$0x3FB1] =	sst s7  }
0x10: {  	[smem:$0x3FB2] =	sst s8  }
0x11: {  	[smem:$0x3FB3] =	sst s9;
	s0 =	simm.s32 @!p0 $0x0  }
0x12: {  	s1 =	sld [smem:$0x3F99];
	s0 =	simm.s32 @p0 $0x1  }
0x13: {  	[smem:$0x3FB4] =	sst s0;
	s0 =	simm.s32 @!p1 $0x0  }
0x14: {  	s2 =	sld [smem:$0x3F98];
	s0 =	simm.s32 @p1 $0x1  }
0x15: {  	[smem:$0x3FB5] =	sst s0;
	s0 =	simm.s32 @!p2 $0x0  }
0x16: {  	s3 =	sld [smem:$0x3FDB];
	s0 =	simm.s32 @p2 $0x1  }
0x17: {  	s4 =	simm.s32 $0x1BF5;
	[smem:$0x3FB7] =	sst s0  }
0x18: {  	s0 =	sld [smem:$0x3F9A];
	_ =	swait.ge [sflag:s4], $0x0  }
0x19: {  	s7 =	sld [smem:$0x3F9B]  }
0x1a: {  	s8 =	sadd.s32 $0xFFFFE003, lr  }
0x1b: {  	s9 =	sadd.s32 $0xFFFFFEF7, lr;
	s5 =	simm.s32 $0xFFFFFFFF;
	p2 =	slt.u32 s8, $0xFFFFF086  }
0x1c: {  	p1 =	slt.u32 s9, $0xF7A;
	s5 =	simm.s32 @!p2 $0x0  }
0x1d: {  	s5 =	simm.s32 @p1 $0x1;
	p0 =	seq.s32 s7, s2  }
0x1e: {  	s7 =	smul.u32 @!p0 $0xF7A, s2;
	p2 =	seq.s32 @!p0 s5, $0x0  }
0x1f: {  	s9 =	smul.u32 $0xF7A, s1;
	s8 =	simm.s32 @!p0 $0x1BF5;
	p2 =	por !p2, p0  }
0x20: {  	[sflag:s8] =	ssyncset.s32 @!p0 $0xFFFFF086;
	s6 =	sadd.s32 @!p0 s3, s7;
	s7 =	simm.s32 @!p0 $0x108  }
0x21: {  	s3 =	sadd.s32 s3, s9;
	s6 =	sadd.s32 @!p0 $0x88, s6;
	s7 =	simm.s32 @p2 $0x1082  }
0x22: {  	[simem:s7], [sflag:s8] =	dma.local @!p0 [hbm:s6], $0xF7A  }
0x23: {  	s9 =	sor.u32 $0xD0000000, s2;
	s6 =	simm.s32 $0x108;
	_ =	swait.ge @!p0 [sflag:s8], $0x0  }
0x24: {  	s3 =	sadd.s32 $0x88, s3;
	s6 =	simm.s32 @!p1 $0x1082;
	[sflag:s4] =	ssyncset.s32 $0xFFFFF086  }
0x25: {  	[simem:s6], [sflag:s4] =	dma.local [hbm:s3], $0xF7A  }
0x26: {  	[smem:$0x3F9B] =	sst s1;
	(tag) =	ssettag s2;
	_ =	strace s9  }
0x27: {  	s1 =	sld [smem:$0x3FAB]  }
0x28: {  	s2 =	sld [smem:$0x3FAC]  }
0x29: {  	s4 =	sld [smem:$0x3FAE]  }
0x2a: {  	p0 =	seq.s32 s5, $0x0;
	s5 =	sld [smem:$0x3FAF]  }
0x2b: {  	s6 =	sld [smem:$0x3FB0]  }
0x2c: {  	s7 =	sld [smem:$0x3FB1]  }
0x2d: {  	s3 =	simm.s32 $0x108;
	s8 =	sld [smem:$0x3FB2]  }
0x2e: {  	s3 =	simm.s32 @!p0 $0x1082;
	s9 =	sld [smem:$0x3FB3]  }
0x2f: {  	lr =	sadd.s32 s0, s3;
	s0 =	sld [smem:$0x3FAA]  }
0x30: {  	s3 =	sld [smem:$0x3FAD]  }
0x31: {  	[smem:$0x3FB6] =	sst s10  }
0x32: {  	s10 =	sld [smem:$0x3FB4];
	_ =	sdelay $0x3  }
0x33: {  	p0 =	seq.s32 s10, $0x1;
	s10 =	sld [smem:$0x3FB6];
	_ =	sdelay $0x3  }
0x34: {  	[smem:$0x3FB6] =	sst s10  }
0x35: {  	s10 =	sld [smem:$0x3FB5];
	_ =	sdelay $0x3  }
0x36: {  	p1 =	seq.s32 s10, $0x1;
	s10 =	sld [smem:$0x3FB6];
	_ =	sdelay $0x3  }
0x37: {  	[smem:$0x3FB6] =	sst s10  }
0x38: {  	s10 =	sld [smem:$0x3FB7]  }
0x39: {  	_ = 	snop;
	(pc) =	sbr.ind lr, $3  }
0x3a: {  	_ = 	snop  }
0x3b: {  	_ = 	snop  }
0x3c: {  	p2 =	seq.s32 s10, $0x1;
	s10 =	sld [smem:$0x3FB6]  }
0x3d: {  	_ =	shalt  }
0x3e: {  	_ =	shalt  }
0x3f: {  	_ =	shalt  }
0x40: {  	_ =	shalt  }
0x41: {  	_ =	shalt  }
0x42: {  	_ =	shalt  }
0x43: {  	_ =	shalt  }
0x44: {  	_ =	shalt  }
0x45: {  	_ =	shalt  }
0x46: {  	_ =	shalt  }
0x47: {  	_ =	shalt  }
0x48: {  	_ =	shalt  }
0x49: {  	_ =	shalt  }
0x4a: {  	_ =	shalt  }
0x4b: {  	_ =	shalt  }
0x4c: {  	_ =	shalt  }
0x4d: {  	_ =	shalt  }
0x4e: {  	_ =	shalt  }
0x4f: {  	_ =	shalt  }
0x50: {  	_ =	shalt  }
0x51: {  	_ =	shalt  }
0x52: {  	_ =	shalt  }
0x53: {  	_ =	shalt  }
0x54: {  	_ =	shalt  }
0x55: {  	_ =	shalt  }
0x56: {  	_ =	shalt  }
0x57: {  	_ =	shalt  }
0x58: {  	_ =	shalt  }
0x59: {  	_ =	shalt  }
0x5a: {  	_ =	shalt  }
0x5b: {  	_ =	shalt  }
0x5c: {  	_ =	shalt  }
0x5d: {  	_ =	shalt  }
0x5e: {  	_ =	shalt  }
0x5f: {  	_ =	shalt  }
0x60: {  	_ =	shalt  }
0x61: {  	_ =	shalt  }
0x62: {  	_ =	shalt  }
0x63: {  	_ =	shalt  }
0x64: {  	_ =	shalt  }
0x65: {  	_ =	shalt  }
0x66: {  	_ =	shalt  }
0x67: {  	_ =	shalt  }
0x68: {  	_ =	shalt  }
0x69: {  	_ =	shalt  }
0x6a: {  	_ =	shalt  }
0x6b: {  	_ =	shalt  }
0x6c: {  	_ =	shalt  }
0x6d: {  	_ =	shalt  }
0x6e: {  	_ =	shalt  }
0x6f: {  	_ =	shalt  }
0x70: {  	_ =	shalt  }
0x71: {  	_ =	shalt  }
0x72: {  	_ =	shalt  }
0x73: {  	_ =	shalt  }
0x74: {  	_ =	shalt  }
0x75: {  	_ =	shalt  }
0x76: {  	_ =	shalt  }
0x77: {  	_ =	shalt  }
0x78: {  	_ =	shalt  }
0x79: {  	_ =	shalt  }
0x7a: {  	_ =	shalt  }
0x7b: {  	_ =	shalt  }
0x7c: {  	_ =	shalt  }
0x7d: {  	_ =	shalt  }
0x7e: {  	_ =	shalt  }
0x7f: {  	_ =	shalt  }
0x80: {  	_ =	shalt  }
0x81: {  	_ =	shalt  }
0x82: {  	_ =	shalt  }
0x83: {  	_ =	shalt  }
0x84: {  	_ =	shalt  }
0x85: {  	_ =	shalt  }
0x86: {  	_ =	shalt  }
0x87: {  	_ =	shalt  }
.Lfunc_end0:
.L_simem_size_0:
called_computation.1_lowered:
.L_overlay_start_0:
0x88: {  	s2 =	sld [smem:$0x3FD9]  }
0x89: {  	s3 =	sld [smem:$0x3FFE];
	_ =	sdelay $0x1  }
0x8a: {  	s1 =	srdreg.scid  }
0x8b: {  	s0 =	sand.u32 $0x1, s1  }
0x8c: {  	s17 =	sshll.u32 s0, $0xA;
	s2 =	sadd.s32 s3, s2  }
0x8d: {  	s2 =	sadd.s32 s2, s17  }
0x8e: {  	[smem:$0x3FC2] =	sst s2  }
0x8f: {  	_ = 	snop  }
0x90: {  	s2 =	sld [smem:$0x3FD0];
	(tm) =	ssettm $0x1  }
0x91: {  	s18 =	sld [smem:$0x3FFB];
	_ =	sdelay $0x3  }
0x92: {  	_ =	strace s18  }
0x93: {  	s3 =	sld [smem:$0x3FFC];
	_ =	sdelay $0x3  }
0x94: {  	_ =	strace s3  }
0x95: {  	s3 =	sld [smem:$0x3FFD];
	_ =	sdelay $0x3  }
0x96: {  	_ =	strace s3  }
0x97: {  	_ =	strace $0x8FFFFFFF  }
0x98: {  	s19 =	sld [smem:$0x3FDB];
	_ =	sdelay $0x1  }
0x99: {  	s4 =	simm.s32 $_scs_section_size  }
0x9a: {  	s5 =	simm.s32 $_size__tile_overlayer_lowered;
	s6 =	simm.s32 $_tile_overlayer_lowered  }
0x9b: {  	s22 =	simm.s32 $0x1BFF;
	s21 =	sshll.u32 s6, $0x1;
	s3 =	sadd.s32 s4, s19  }
0x9c: {  	s7 =	simm.s32 $0x0;
	s20 =	sshll.u32 s5, $0x1;
	s5 =	sadd.s32 s21, s3  }
0x9d: {  	[timem:s7], [sflag:s22] =	dma.local [hbm:s5], s20  }
0x9e: {  	_ =	swait.ge [sflag:s22], s20  }
0x9f: {  	s4 =	ssub.s32 $0x0, s20;
	[sflag:s22] =	ssyncset.done $0x0  }
0xa0: {  	[sflag:s22] =	ssyncadd.s32 s4;
	_ =	sdelay $0x1  }
0xa1: {  	s23 =	simm.s32 $0x1B8B  }
0xa2: {  	_ =	swait.ge [sflag:s23], $0x1  }
0xa3: {  	[sflag:s23] =	ssyncset.done $0x0  }
0xa4: {  	s25 =	simm.s32 $0x1B8E;
	s24 =	sld [smem:$0x3FFE];
	[sflag:s23] =	ssyncadd.s32 $0xFFFFFFFF  }
0xa5: {  	s26 =	simm.s32 $execute0_lowered;
	[smem:$0x3FD2] =	sst s25  }
0xa6: {  	s5 =	sshll.u32 s26, $0x1;
	_ =	strace $0x80000049;
	[dreg:$0x1] =	wrdreg $0xFFFFFFFF  }
0xa7: {  	s28 =	simm.s32 $_size_execute0_lowered;
	s3 =	sadd.s32 s3, s5;
	[dreg:$0x0] =	wrdreg $0x0  }
0xa8: {  	s5 =	sshll.u32 s28, $0x1;
	[dreg:$0x2] =	wrdreg s3  }
0xa9: {  	[dreg:$0x3] =	wrdreg s5  }
0xaa: {  	[dreg:$0x4] =	wrdreg $0xC0  }
0xab: {  	_ =	task [dreg:s7], $0x5FFFF  }
0xac: {  	[dreg:$0x1] =	wrdreg $0xFFFFFFFF  }
0xad: {  	[dreg:$0x0] =	wrdreg $0x60  }
0xae: {  	[dreg:$0x2] =	wrdreg s2  }
0xaf: {  	[dreg:$0x3] =	wrdreg s24  }
0xb0: {  	[dreg:$0x4] =	wrdreg $0xA9000  }
0xb1: {  	[dreg:$0x5] =	wrdreg $0x9  }
0xb2: {  	_ =	task.clear_ibuf [dreg:s7], $0x6FFFF;
	_ =	strace $0x90000049  }
0xb3: {  	s29 =	simm.s32 $0x9;
	_ =	strace $0x8000004B  }
0xb4: {  	_ =	swait.ge [sflag:s29], $0x1  }
0xb5: {  	[sflag:s29] =	ssyncadd.s32 $0xFFFFFFFF  }
0xb6: {  	_ =	strace $0x9000004B  }
0xb7: {  	_ =	sfence  }
0xb8: {  	s30 =	sld [smem:$0x0];
	_ =	sdelay $0x2  }
0xb9: {  	s31 =	sshll.u32 s1, $0xD;
	s1 =	sshrl.u32 s1, $0x2  }
0xba: {  	s3 =	sand.u32 $0x4000, s31;
	s1 =	sadd.s32 s1, s30  }
0xbb: {  	s0 =	sor.u32 s3, s0;
	s1 =	sshll.u32 s1, $0x11  }
0xbc: {  	s0 =	sor.u32 s1, s0  }
0xbd: {  	s0 =	sadd.s32 $0x8F2B, s0  }
0xbe: {  	[sflag:s0] =	ssyncadd.remote.s32 $0x1  }
0xbf: {  	_ =	sfence.sel $0xFFFF  }
0xc0: {  	[dreg:$0x0] =	wrdreg $0xFFFFFFFF;
	(pc) =	sbr.abs _section_cstart, $3  }
0xc1: {  	[dreg:$0x1] =	wrdreg $0xFFFFFFFF  }
0xc2: {  	_ =	task.clear_ibuf [dreg:s7], $0x2FFFF;
	_ =	strace $0x9FFFFFFF  }
0xc3: {  	(tm) =	ssettm $0x7FFFFFFF  }
tec
execute0_lowered:
.L_overlay_start_1:
0x0: {  	(tag) =	ssettag $0x1  }
0x1: {  	s1 =	rddreg [dreg:$0x0];
	s0 =	srdreg.scid  }
0x2: {  	s2 =	rddreg [dreg:$0x1];
	s9 =	stileid.u32  }
0x3: {  	s3 =	rddreg [dreg:$0x2];
	s4 =	simm.s32 $0x0;
	s28 =	simm.s32 $0x6900  }
0x4: {  	s29 =	simm.s32 $0x4;
	s30 =	simm.s32 $0x2;
	s6 =	smul.u32 $0x14000, s9  }
0x5: {  	s31 =	simm.s32 $0x6;
	s0 =	sand.u32 $0x1, s0;
	s17 =	smul.u32 $0x50000, s9  }
0x6: {  	s7 =	sshll.u32 s9, $0x1;
	[smem:$0x7FF] =	sst s4;
	s5 =	smul.u32 $0x140000, s0  }
0x7: {  	s7 =	sor.u32 s0, s7;
	_ =	strace $0x8000004A;
	s0 =	ssub.s32 $0x2, s0  }
0x8: {  	s8 =	smul.u32 $0x2800, s7;
	s18 =	sshrl.u32 s0, $0x1;
	s7 =	sshrl.u32 s17, $0x2  }
0x9: {  	s5 =	sadd.s32 s6, s5;
	s0 =	ssub.s32 s0, s18;
	s7 =	sadd.s32 s7, s3  }
0xa: {  	s6 =	sshrl.u32 s5, $0x3;
	s5 =	sadd.s32 $0x2400, s2;
	s20 =	sadd.s32 $0x2800, s7  }
0xb: {  	s19 =	sshrl.u32 s8, $0x3;
	s21 =	sadd.s32 $0x5000, s7;
	[dreg:$0x4] =	wrdreg s20  }
0xc: {  	s22 =	sadd.s32 $0x7800, s7;
	s23 =	sadd.s32 $0xA000, s7;
	[dreg:$0x5] =	wrdreg s21  }
0xd: {  	s24 =	sadd.s32 $0xC800, s7;
	s13 =	sadd.s32 $0x50000, s8;
	[dreg:$0x6] =	wrdreg s22  }
0xe: {  	s25 =	sadd.s32 $0xF000, s7;
	s15 =	sadd.s32 $0x11800, s7;
	[dreg:$0x7] =	wrdreg s23  }
0xf: {  	s2 =	sadd.s32 s6, s2;
	s6 =	sadd.s32 s5, s19;
	[dreg:$0x8] =	wrdreg s24  }
0x10: {  	[dreg:$0x9] =	wrdreg s25;
	s26 =	sshrl.u32 s13, $0x3;
	s19 =	smax.u32 s0, $0x1  }
0x11: {  	s20 =	simm.s32 $0x2900;
	s21 =	simm.s32 $0x7;
	s22 =	simm.s32 $0x1  }
0x12: {  	s23 =	simm.s32 $0x2800;
	s24 =	simm.s32 $0x7D;
	s25 =	simm.s32 $0x2880  }
0x13: {  	s0 =	simm.s32 $0x3;
	s16 =	sadd.s32 s5, s26;
	s17 =	sadd.s32 $0xA010, s6  }
0x14: {  	v0 =	vimm.f32 $0.0e+00;
	s18 =	sadd.s32 $0x16400, s2;
	s2 =	simm.s32 $0x5;
	s26 =	simm.s32 $0x0  }
.LBB2_1:
0x15: {  	[tilespmem:s4], [sflag:$0x1] =	stream.linear.gather [hbm4b:s6+s4], $0x2800, $0x38;
	[tilespmem:$0x1E900] =	vst v63  }
0x16: {  	s8 =	simm.s32 $0x0;
	s9 =	simm.s32 $0x200  }
.LBB2_2:
0x17: {  	p0 =	sne.s32 s9, $0xF800;
	[tilespmem:s8+$0x2970] =	vst v0  }
0x18: {  	[tilespmem:s8+$0x2900] =	vst v0  }
0x19: {  	[tilespmem:s8+$0x2910] =	vst v0  }
.Ltmp0:
0x1a: {  	[tilespmem:s8+$0x2920] =	vst v0;
	(pc) =	sbr.rel @p0 .LBB2_2-.Ltmp0, $4  }
0x1b: {  	[tilespmem:s8+$0x2930] =	vst v0  }
0x1c: {  	[tilespmem:s8+$0x2940] =	vst v0  }
0x1d: {  	[tilespmem:s8+$0x2950] =	vst v0  }
0x1e: {  	[tilespmem:s8+$0x2960] =	vst v0;
	s8 =	sshra.s32 s9, $0x2;
	s9 =	sadd.s32 $0x200, s9  }
0x1f: {  	[tilespmem:s8+$0x2970] =	vst v0  }
0x20: {  	[tilespmem:s8+$0x2900] =	vst v0  }
0x21: {  	[tilespmem:s8+$0x2910] =	vst v0  }
0x22: {  	[tilespmem:s8+$0x2920] =	vst v0  }
0x23: {  	[tilespmem:s8+$0x2930] =	vst v0  }
0x24: {  	[tilespmem:s8+$0x2940] =	vst v0  }
0x25: {  	[tilespmem:s8+$0x2950] =	vst v0  }
0x26: {  	[tilespmem:s8+$0x2960] =	vst v0  }
0x27: {  	[spmem:s7] =	stream.linear.scatter [tilespmem:s20], [sflag:$0x7], $0x2800, $0x38;
	[tilespmem:$0x1E900] =	vst v63  }
0x28: {  	_ =	swait.ge [sflag:s21], $0x2800  }
0x29: {  	[sflag:s21] =	ssyncset.done $0x0  }
0x2a: {  	s14 =	rddreg [dreg:$0x4];
	[sflag:s21] =	ssyncadd.s32 $0xFFFFD800  }
0x2b: {  	[spmem:s14] =	stream.linear.scatter [tilespmem:s20], [sflag:$0x7], $0x2800, $0x38;
	[tilespmem:$0x1E900] =	vst v63  }
0x2c: {  	_ =	swait.ge [sflag:s21], $0x2800  }
0x2d: {  	[sflag:s21] =	ssyncset.done $0x0  }
0x2e: {  	s9 =	rddreg [dreg:$0x5];
	[sflag:s21] =	ssyncadd.s32 $0xFFFFD800  }
0x2f: {  	[spmem:s9] =	stream.linear.scatter [tilespmem:s20], [sflag:$0x7], $0x2800, $0x38;
	[tilespmem:$0x1E900] =	vst v63  }
0x30: {  	_ =	swait.ge [sflag:s21], $0x2800  }
0x31: {  	[sflag:s21] =	ssyncset.done $0x0  }
0x32: {  	s10 =	rddreg [dreg:$0x6];
	[sflag:s21] =	ssyncadd.s32 $0xFFFFD800  }
0x33: {  	[spmem:s10] =	stream.linear.scatter [tilespmem:s20], [sflag:$0x7], $0x2800, $0x38;
	[tilespmem:$0x1E900] =	vst v63  }
0x34: {  	_ =	swait.ge [sflag:s21], $0x2800  }
0x35: {  	[sflag:s21] =	ssyncset.done $0x0  }
0x36: {  	s11 =	rddreg [dreg:$0x7];
	[sflag:s21] =	ssyncadd.s32 $0xFFFFD800  }
0x37: {  	[spmem:s11] =	stream.linear.scatter [tilespmem:s20], [sflag:$0x7], $0x2800, $0x38;
	[tilespmem:$0x1E900] =	vst v63  }
0x38: {  	_ =	swait.ge [sflag:s21], $0x2800  }
0x39: {  	[sflag:s21] =	ssyncset.done $0x0  }
0x3a: {  	s12 =	rddreg [dreg:$0x8];
	[sflag:s21] =	ssyncadd.s32 $0xFFFFD800  }
0x3b: {  	[spmem:s12] =	stream.linear.scatter [tilespmem:s20], [sflag:$0x7], $0x2800, $0x38;
	[tilespmem:$0x1E900] =	vst v63  }
0x3c: {  	_ =	swait.ge [sflag:s21], $0x2800  }
0x3d: {  	[sflag:s21] =	ssyncset.done $0x0  }
0x3e: {  	s14 =	rddreg [dreg:$0x9];
	[sflag:s21] =	ssyncadd.s32 $0xFFFFD800  }
0x3f: {  	[spmem:s14] =	stream.linear.scatter [tilespmem:s20], [sflag:$0x7], $0x2800, $0x38;
	[tilespmem:$0x1E900] =	vst v63  }
0x40: {  	_ =	swait.ge [sflag:s21], $0x2800  }
0x41: {  	[sflag:s21] =	ssyncset.done $0x0  }
0x42: {  	[sflag:s21] =	ssyncadd.s32 $0xFFFFD800  }
0x43: {  	[spmem:s15] =	stream.linear.scatter [tilespmem:s20], [sflag:$0x7], $0x2800, $0x38;
	[tilespmem:$0x1E900] =	vst v63  }
0x44: {  	_ =	swait.ge [sflag:s21], $0x2800  }
0x45: {  	[sflag:s21] =	ssyncset.done $0x0  }
0x46: {  	[sflag:s21] =	ssyncadd.s32 $0xFFFFD800  }
0x47: {  	_ =	swait.ge [sflag:s22], $0x2800  }
0x48: {  	[sflag:s22] =	ssyncset.done $0x0  }
0x49: {  	[sflag:s22] =	ssyncadd.s32 $0xFFFFD800  }
0x4a: {  	[tilespmem:s23], [sflag:$0x2] =	stream.linear.gather [hbm4b:s16+s4], $0x80, $0x38;
	[tilespmem:$0x1E900] =	vst v63  }
0x4b: {  	_ = 	snop  }
0x4c: {  	[tilespmem:s20], [sflag:$0x4] =	stream.indirect.gather [hbm4b:s1+s24], $0x80, s4, s24, $0xb8;
	[tilespmem:$0x1E900] =	vst v63  }
0x4d: {  	_ = 	snop  }
0x4e: {  	[tilespmem:s25], [sflag:$0x3] =	stream.linear.gather [hbm4b:s17+s4], $0x80, $0x38;
	[tilespmem:$0x1E900] =	vst v63  }
0x4f: {  	s9 =	simm.s32 $0x80  }
0x50: {  	[tilespmem:s28], [sflag:$0x5] =	stream.indirect.gather [hbm4b:s1+s24], $0x80, s9, s24, $0xb8;
	[tilespmem:$0x1E900] =	vst v63  }
0x51: {  	[bflag:$0x0] =	sbarrier.arrive $0xFFFF  }
0x52: {  	_ =	swait.ge [sflag:s29], $0x3E80  }
0x53: {  	[sflag:s29] =	ssyncset.done $0x0  }
0x54: {  	[sflag:s29] =	ssyncadd.s32 $0xFFFFC180  }
0x55: {  	s10 =	simm.s32 $0x100;
	_ =	swait.ge [sflag:s30], $0x80  }
0x56: {  	s9 =	sand.u32 $0x7C00, s10;
	[sflag:s30] =	ssyncset.done $0x0  }
0x57: {  	s8 =	sand.u32 $0x300, s10;
	s9 =	sadd.s32 s13, s9;
	[sflag:s30] =	ssyncadd.s32 $0xFFFFFF80  }
0x58: {  	[spmem:s3] =	stream.indirect.scatter.add.f32 [tilespmem:s20], [sflag:$0x6], $0x80, s23, s24, $0xb8;
	[tilespmem:$0x1E900] =	vst v63  }
0x59: {  	s8 =	sor.u32 s8, s9;
	_ =	swait.ge [sflag:s31], $0x3E80  }
0x5a: {  	s8 =	sshrl.u32 s8, $0x3;
	[sflag:s31] =	ssyncset.done $0x0  }
0x5b: {  	s8 =	sadd.s32 s5, s8;
	[sflag:s31] =	ssyncadd.s32 $0xFFFFC180  }
0x5c: {  	[tilespmem:s23], [sflag:$0x2] =	stream.linear.gather [hbm4b:s8+s4], $0x80, $0x38;
	[tilespmem:$0x1E900] =	vst v63  }
0x5d: {  	s11 =	simm.s32 $0x100  }
0x5e: {  	[tilespmem:s20], [sflag:$0x4] =	stream.indirect.gather [hbm4b:s1+s24], $0x80, s11, s24, $0xb8;
	[tilespmem:$0x1E900] =	vst v63  }
0x5f: {  	_ =	swait.ge [sflag:s2], $0x3E80  }
0x60: {  	[sflag:s2] =	ssyncset.done $0x0  }
0x61: {  	[sflag:s2] =	ssyncadd.s32 $0xFFFFC180  }
0x62: {  	s12 =	simm.s32 $0x180;
	_ =	swait.ge [sflag:s0], $0x80  }
0x63: {  	s14 =	sand.u32 $0x7C00, s12;
	[sflag:s0] =	ssyncset.done $0x0  }
0x64: {  	s9 =	sadd.s32 s13, s14;
	s8 =	sand.u32 $0x380, s12;
	[sflag:s0] =	ssyncadd.s32 $0xFFFFFF80  }
0x65: {  	[spmem:s3] =	stream.indirect.scatter.add.f32 [tilespmem:s28], [sflag:$0x6], $0x80, s25, s24, $0xb8;
	[tilespmem:$0x1E900] =	vst v63  }
0x66: {  	s8 =	sor.u32 s8, s9;
	_ =	swait.ge [sflag:s31], $0x3E80  }
0x67: {  	s8 =	sshrl.u32 s8, $0x3;
	[sflag:s31] =	ssyncset.done $0x0  }
0x68: {  	s8 =	sadd.s32 s5, s8;
	[sflag:s31] =	ssyncadd.s32 $0xFFFFC180  }
0x69: {  	[tilespmem:s25], [sflag:$0x3] =	stream.linear.gather [hbm4b:s8+s4], $0x80, $0x38;
	[tilespmem:$0x1E900] =	vst v63  }
0x6a: {  	s10 =	simm.s32 $0x200;
	s9 =	simm.s32 $0x180;
	s8 =	simm.s32 $0x280  }
.LBB2_4:
0x6b: {  	s11 =	sadd.s32 $0x80, s10  }
0x6c: {  	p0 =	sne.s32 s8, $0x2780;
	s12 =	smov.u32 s8;
	s8 =	sadd.s32 $0x100, s8  }
0x6d: {  	[tilespmem:s28], [sflag:$0x5] =	stream.indirect.gather [hbm4b:s1+s24], $0x80, s9, s24, $0xb8;
	[tilespmem:$0x1E900] =	vst v63  }
0x6e: {  	s9 =	smov.u32 s11;
	_ =	swait.ge [sflag:s29], $0x3E80  }
0x6f: {  	[sflag:s29] =	ssyncset.done $0x0  }
0x70: {  	[sflag:s29] =	ssyncadd.s32 $0xFFFFC180  }
0x71: {  	_ =	swait.ge [sflag:s30], $0x80  }
0x72: {  	s11 =	sadd.s32 $0xFFFFFF80, s12;
	[sflag:s30] =	ssyncset.done $0x0  }
0x73: {  	s14 =	sand.u32 $0x7C00, s11;
	s11 =	sand.u32 $0x300, s11;
	[sflag:s30] =	ssyncadd.s32 $0xFFFFFF80  }
0x74: {  	[spmem:s3] =	stream.indirect.scatter.add.f32 [tilespmem:s20], [sflag:$0x6], $0x80, s23, s24, $0xb8;
	[tilespmem:$0x1E900] =	vst v63  }
0x75: {  	s14 =	sadd.s32 s13, s14;
	_ =	swait.ge [sflag:s31], $0x3E80  }
0x76: {  	s11 =	sor.u32 s11, s14;
	[sflag:s31] =	ssyncset.done $0x0  }
0x77: {  	s11 =	sshrl.u32 s11, $0x3;
	[sflag:s31] =	ssyncadd.s32 $0xFFFFC180  }
0x78: {  	s11 =	sadd.s32 s5, s11  }
0x79: {  	[tilespmem:s23], [sflag:$0x2] =	stream.linear.gather [hbm4b:s11+s4], $0x80, $0x38;
	[tilespmem:$0x1E900] =	vst v63  }
0x7a: {  	_ = 	snop  }
0x7b: {  	[tilespmem:s20], [sflag:$0x4] =	stream.indirect.gather [hbm4b:s1+s24], $0x80, s10, s24, $0xb8;
	[tilespmem:$0x1E900] =	vst v63  }
0x7c: {  	_ =	swait.ge [sflag:s2], $0x3E80  }
0x7d: {  	[sflag:s2] =	ssyncset.done $0x0  }
0x7e: {  	[sflag:s2] =	ssyncadd.s32 $0xFFFFC180  }
0x7f: {  	_ =	swait.ge [sflag:s0], $0x80  }
0x80: {  	s11 =	sand.u32 $0x7C00, s12;
	[sflag:s0] =	ssyncset.done $0x0  }
0x81: {  	s12 =	sand.u32 $0x380, s12;
	s11 =	sadd.s32 s13, s11;
	[sflag:s0] =	ssyncadd.s32 $0xFFFFFF80  }
0x82: {  	[spmem:s3] =	stream.indirect.scatter.add.f32 [tilespmem:s28], [sflag:$0x6], $0x80, s25, s24, $0xb8;
	[tilespmem:$0x1E900] =	vst v63  }
.Ltmp1:
0x83: {  	_ = 	snop;
	(pc) =	sbr.rel @p0 .LBB2_4-.Ltmp1, $4  }
0x84: {  	s11 =	sor.u32 s12, s11;
	_ =	swait.ge [sflag:s31], $0x3E80  }
0x85: {  	s11 =	sshrl.u32 s11, $0x3;
	[sflag:s31] =	ssyncset.done $0x0  }
0x86: {  	s10 =	sadd.s32 $0x100, s10;
	s11 =	sadd.s32 s5, s11;
	[sflag:s31] =	ssyncadd.s32 $0xFFFFC180  }
0x87: {  	[tilespmem:s25], [sflag:$0x3] =	stream.linear.gather [hbm4b:s11+s4], $0x80, $0x38;
	[tilespmem:$0x1E900] =	vst v63  }
0x88: {  	[tilespmem:s28], [sflag:$0x5] =	stream.indirect.gather [hbm4b:s1+s24], $0x80, s9, s24, $0xb8;
	[tilespmem:$0x1E900] =	vst v63  }
0x89: {  	_ =	swait.ge [sflag:s29], $0x3E80  }
0x8a: {  	[sflag:s29] =	ssyncset.done $0x0  }
0x8b: {  	[sflag:s29] =	ssyncadd.s32 $0xFFFFC180  }
0x8c: {  	_ =	swait.ge [sflag:s30], $0x80  }
0x8d: {  	[sflag:s30] =	ssyncset.done $0x0  }
0x8e: {  	[sflag:s30] =	ssyncadd.s32 $0xFFFFFF80  }
0x8f: {  	[spmem:s3] =	stream.indirect.scatter.add.f32 [tilespmem:s20], [sflag:$0x6], $0x80, s23, s24, $0xb8;
	[tilespmem:$0x1E900] =	vst v63  }
0x90: {  	_ =	swait.ge [sflag:s31], $0x3E80  }
0x91: {  	[sflag:s31] =	ssyncset.done $0x0  }
0x92: {  	[sflag:s31] =	ssyncadd.s32 $0xFFFFC180  }
0x93: {  	_ =	swait.ge [sflag:s2], $0x3E80  }
0x94: {  	[sflag:s2] =	ssyncset.done $0x0  }
0x95: {  	[sflag:s2] =	ssyncadd.s32 $0xFFFFC180  }
0x96: {  	_ =	swait.ge [sflag:s0], $0x80  }
0x97: {  	[sflag:s0] =	ssyncset.done $0x0  }
0x98: {  	[sflag:s0] =	ssyncadd.s32 $0xFFFFFF80  }
0x99: {  	[spmem:s3] =	stream.indirect.scatter.add.f32 [tilespmem:s28], [sflag:$0x6], $0x80, s25, s24, $0xb8;
	[tilespmem:$0x1E900] =	vst v63  }
0x9a: {  	s8 =	stileid.u32;
	_ =	swait.ge [sflag:s31], $0x3E80  }
0x9b: {  	s14 =	sshrl.u32 s7, $0x3;
	s26 =	sadd.s32 $0x1, s26;
	[sflag:s31] =	ssyncset.done $0x0  }
0x9c: {  	s8 =	sshll.u32 s8, $0x6;
	p0 =	sne.s32 s26, s19;
	[sflag:s31] =	ssyncadd.s32 $0xFFFFC180  }
.Ltmp2:
0x9d: {  	s8 =	sor.u32 $0x1C07, s8;
	[bflag:$0x0] =	sbarrier.arrive $0xFFFF;
	(pc) =	sbr.rel @p0 .LBB2_1-.Ltmp2, $4  }
0x9e: {  	[hbm:s18], [sflag:s8] =	dma.local [spmem:s14], $0x2800  }
0x9f: {  	_ =	swait.ge [sflag:s21], $0x2800  }
0xa0: {  	[sflag:s21] =	ssyncset.done $0x0  }
0xa1: {  	[sflag:s21] =	ssyncadd.s32 $0xFFFFD800  }
0xa2: {  	_ =	sfence.sel $0x180000  }
0xa3: {  	[bflag:$0x0] =	sbarrier.arrive $0xFFFF  }
0xa4: {  	_ =	strace $0x9000004A  }
0xa5: {  	s0 =	stileid.u32;
	[bflag:$0x2] =	sbarrier.arrive $0xFFFF  }
0xa6: {  	p0 =	sne.s32 s0, $0x0;
	s0 =	rddreg [dreg:$0x3]  }
0xa7: {  	s0 =	sadd.s32 @!p0 $0x100000, s0  }
0xa8: {  	[sflag:s0] =	ssyncadd.tile.s32 @!p0 $0x1;
	_ =	shalt  }
.Lfunc_end2:
_tile_overlayer_lowered:
.L_overlay_start_2:
0xa9: {  	(tag) =	ssettag $0x2  }
0xaa: {  	s0 =	rddreg [dreg:$0x0];
	s2 =	stileid.u32  }
0xab: {  	s1 =	rddreg [dreg:$0x1];
	p0 =	sne.s32 s2, $0x0  }
0xac: {  	s3 =	rddreg [dreg:$0x2];
	[bflag:$0x3] =	sbarrier.arrive $0xFFFF;
	s2 =	simm.s32 @!p0 $0x1C07  }
0xad: {  	[timem:s3], [sflag:s2] =	dma.local @!p0 [hbm:s0], s1  }
0xae: {  	s0 =	simm.s32 @!p0 $0x7  }
0xaf: {  	_ =	swait.ge @!p0 [sflag:s0], s1  }
0xb0: {  	s1 =	ssub.s32 @!p0 $0x0, s1;
	[sflag:s0] =	ssyncset.done @!p0 $0x0  }
0xb1: {  	[sflag:s0] =	ssyncadd.s32 @!p0 s1  }
0xb2: {  	[bflag:$0x3] =	sbarrier.arrive $0xFFFF  }
0xb3: {  	_ =	shalt  }

// kernel: kernel.14.cloned.1.call-start
scs
__scs_entry_jumppad:
0x0: {  	(pc) =	sbr.rel $0x88, $3  }
0x1: {  	(tag) =	ssettag $0x0;
	lr =	simm.s32 $0x1  }
0x2: {  	[smem:$0x3F9B] =	sst lr;
	_ =	strace $0xD0000000  }
0x3: {  	_ = 	snop  }
0x4: {  	_ = 	snop  }
0x5: {  	_ = 	snop  }
0x6: {  	_ = 	snop  }
0x7: {  	_ = 	snop  }
__scs_overlays_trampoline_lowered:
0x8: {  	[smem:$0x3FAA] =	sst s0  }
0x9: {  	[smem:$0x3FAB] =	sst s1  }
0xa: {  	[smem:$0x3FAC] =	sst s2  }
0xb: {  	[smem:$0x3FAD] =	sst s3  }
0xc: {  	[smem:$0x3FAE] =	sst s4  }
0xd: {  	[smem:$0x3FAF] =	sst s5  }
0xe: {  	[smem:$0x3FB0] =	sst s6  }
0xf: {  	[smem:$0x3FB1] =	sst s7  }
0x10: {  	[smem:$0x3FB2] =	sst s8  }
0x11: {  	[smem:$0x3FB3] =	sst s9;
	s0 =	simm.s32 @!p0 $0x0  }
0x12: {  	s1 =	sld [smem:$0x3F99];
	s0 =	simm.s32 @p0 $0x1  }
0x13: {  	[smem:$0x3FB4] =	sst s0;
	s0 =	simm.s32 @!p1 $0x0  }
0x14: {  	s2 =	sld [smem:$0x3F98];
	s0 =	simm.s32 @p1 $0x1  }
0x15: {  	[smem:$0x3FB5] =	sst s0;
	s0 =	simm.s32 @!p2 $0x0  }
0x16: {  	s3 =	sld [smem:$0x3FDB];
	s0 =	simm.s32 @p2 $0x1  }
0x17: {  	s4 =	simm.s32 $0x1BF5;
	[smem:$0x3FB7] =	sst s0  }
0x18: {  	s0 =	sld [smem:$0x3F9A];
	_ =	swait.ge [sflag:s4], $0x0  }
0x19: {  	s7 =	sld [smem:$0x3F9B]  }
0x1a: {  	s8 =	sadd.s32 $0xFFFFE003, lr  }
0x1b: {  	s9 =	sadd.s32 $0xFFFFFEF7, lr;
	s5 =	simm.s32 $0xFFFFFFFF;
	p2 =	slt.u32 s8, $0xFFFFF086  }
0x1c: {  	p1 =	slt.u32 s9, $0xF7A;
	s5 =	simm.s32 @!p2 $0x0  }
0x1d: {  	s5 =	simm.s32 @p1 $0x1;
	p0 =	seq.s32 s7, s2  }
0x1e: {  	s7 =	smul.u32 @!p0 $0xF7A, s2;
	p2 =	seq.s32 @!p0 s5, $0x0  }
0x1f: {  	s9 =	smul.u32 $0xF7A, s1;
	s8 =	simm.s32 @!p0 $0x1BF5;
	p2 =	por !p2, p0  }
0x20: {  	[sflag:s8] =	ssyncset.s32 @!p0 $0xFFFFF086;
	s6 =	sadd.s32 @!p0 s3, s7;
	s7 =	simm.s32 @!p0 $0x108  }
0x21: {  	s3 =	sadd.s32 s3, s9;
	s6 =	sadd.s32 @!p0 $0x88, s6;
	s7 =	simm.s32 @p2 $0x1082  }
0x22: {  	[simem:s7], [sflag:s8] =	dma.local @!p0 [hbm:s6], $0xF7A  }
0x23: {  	s9 =	sor.u32 $0xD0000000, s2;
	s6 =	simm.s32 $0x108;
	_ =	swait.ge @!p0 [sflag:s8], $0x0  }
0x24: {  	s3 =	sadd.s32 $0x88, s3;
	s6 =	simm.s32 @!p1 $0x1082;
	[sflag:s4] =	ssyncset.s32 $0xFFFFF086  }
0x25: {  	[simem:s6], [sflag:s4] =	dma.local [hbm:s3], $0xF7A  }
0x26: {  	[smem:$0x3F9B] =	sst s1;
	(tag) =	ssettag s2;
	_ =	strace s9  }
0x27: {  	s1 =	sld [smem:$0x3FAB]  }
0x28: {  	s2 =	sld [smem:$0x3FAC]  }
0x29: {  	s4 =	sld [smem:$0x3FAE]  }
0x2a: {  	p0 =	seq.s32 s5, $0x0;
	s5 =	sld [smem:$0x3FAF]  }
0x2b: {  	s6 =	sld [smem:$0x3FB0]  }
0x2c: {  	s7 =	sld [smem:$0x3FB1]  }
0x2d: {  	s3 =	simm.s32 $0x108;
	s8 =	sld [smem:$0x3FB2]  }
0x2e: {  	s3 =	simm.s32 @!p0 $0x1082;
	s9 =	sld [smem:$0x3FB3]  }
0x2f: {  	lr =	sadd.s32 s0, s3;
	s0 =	sld [smem:$0x3FAA]  }
0x30: {  	s3 =	sld [smem:$0x3FAD]  }
0x31: {  	[smem:$0x3FB6] =	sst s10  }
0x32: {  	s10 =	sld [smem:$0x3FB4];
	_ =	sdelay $0x3  }
0x33: {  	p0 =	seq.s32 s10, $0x1;
	s10 =	sld [smem:$0x3FB6];
	_ =	sdelay $0x3  }
0x34: {  	[smem:$0x3FB6] =	sst s10  }
0x35: {  	s10 =	sld [smem:$0x3FB5];
	_ =	sdelay $0x3  }
0x36: {  	p1 =	seq.s32 s10, $0x1;
	s10 =	sld [smem:$0x3FB6];
	_ =	sdelay $0x3  }
0x37: {  	[smem:$0x3FB6] =	sst s10  }
0x38: {  	s10 =	sld [smem:$0x3FB7]  }
0x39: {  	_ = 	snop;
	(pc) =	sbr.ind lr, $3  }
0x3a: {  	_ = 	snop  }
0x3b: {  	_ = 	snop  }
0x3c: {  	p2 =	seq.s32 s10, $0x1;
	s10 =	sld [smem:$0x3FB6]  }
0x3d: {  	_ =	shalt  }
0x3e: {  	_ =	shalt  }
0x3f: {  	_ =	shalt  }
0x40: {  	_ =	shalt  }
0x41: {  	_ =	shalt  }
0x42: {  	_ =	shalt  }
0x43: {  	_ =	shalt  }
0x44: {  	_ =	shalt  }
0x45: {  	_ =	shalt  }
0x46: {  	_ =	shalt  }
0x47: {  	_ =	shalt  }
0x48: {  	_ =	shalt  }
0x49: {  	_ =	shalt  }
0x4a: {  	_ =	shalt  }
0x4b: {  	_ =	shalt  }
0x4c: {  	_ =	shalt  }
0x4d: {  	_ =	shalt  }
0x4e: {  	_ =	shalt  }
0x4f: {  	_ =	shalt  }
0x50: {  	_ =	shalt  }
0x51: {  	_ =	shalt  }
0x52: {  	_ =	shalt  }
0x53: {  	_ =	shalt  }
0x54: {  	_ =	shalt  }
0x55: {  	_ =	shalt  }
0x56: {  	_ =	shalt  }
0x57: {  	_ =	shalt  }
0x58: {  	_ =	shalt  }
0x59: {  	_ =	shalt  }
0x5a: {  	_ =	shalt  }
0x5b: {  	_ =	shalt  }
0x5c: {  	_ =	shalt  }
0x5d: {  	_ =	shalt  }
0x5e: {  	_ =	shalt  }
0x5f: {  	_ =	shalt  }
0x60: {  	_ =	shalt  }
0x61: {  	_ =	shalt  }
0x62: {  	_ =	shalt  }
0x63: {  	_ =	shalt  }
0x64: {  	_ =	shalt  }
0x65: {  	_ =	shalt  }
0x66: {  	_ =	shalt  }
0x67: {  	_ =	shalt  }
0x68: {  	_ =	shalt  }
0x69: {  	_ =	shalt  }
0x6a: {  	_ =	shalt  }
0x6b: {  	_ =	shalt  }
0x6c: {  	_ =	shalt  }
0x6d: {  	_ =	shalt  }
0x6e: {  	_ =	shalt  }
0x6f: {  	_ =	shalt  }
0x70: {  	_ =	shalt  }
0x71: {  	_ =	shalt  }
0x72: {  	_ =	shalt  }
0x73: {  	_ =	shalt  }
0x74: {  	_ =	shalt  }
0x75: {  	_ =	shalt  }
0x76: {  	_ =	shalt  }
0x77: {  	_ =	shalt  }
0x78: {  	_ =	shalt  }
0x79: {  	_ =	shalt  }
0x7a: {  	_ =	shalt  }
0x7b: {  	_ =	shalt  }
0x7c: {  	_ =	shalt  }
0x7d: {  	_ =	shalt  }
0x7e: {  	_ =	shalt  }
0x7f: {  	_ =	shalt  }
0x80: {  	_ =	shalt  }
0x81: {  	_ =	shalt  }
0x82: {  	_ =	shalt  }
0x83: {  	_ =	shalt  }
0x84: {  	_ =	shalt  }
0x85: {  	_ =	shalt  }
0x86: {  	_ =	shalt  }
0x87: {  	_ =	shalt  }
.Lfunc_end0:
.L_simem_size_0:
called_computation.2_lowered:
.L_overlay_start_0:
0x88: {  	s2 =	sld [smem:$0x3FD9]  }
0x89: {  	s3 =	sld [smem:$0x3FFE];
	_ =	sdelay $0x1  }
0x8a: {  	s1 =	srdreg.scid  }
0x8b: {  	s0 =	sand.u32 $0x1, s1  }
0x8c: {  	s17 =	sshll.u32 s0, $0xA;
	s2 =	sadd.s32 s3, s2  }
0x8d: {  	s2 =	sadd.s32 s2, s17  }
0x8e: {  	[smem:$0x3FC2] =	sst s2  }
0x8f: {  	_ = 	snop  }
0x90: {  	s2 =	sld [smem:$0x3FD0];
	(tm) =	ssettm $0x1  }
0x91: {  	s18 =	sld [smem:$0x3FFB];
	_ =	sdelay $0x3  }
0x92: {  	_ =	strace s18  }
0x93: {  	s3 =	sld [smem:$0x3FFC];
	_ =	sdelay $0x3  }
0x94: {  	_ =	strace s3  }
0x95: {  	s3 =	sld [smem:$0x3FFD];
	_ =	sdelay $0x3  }
0x96: {  	_ =	strace s3  }
0x97: {  	_ =	strace $0x8FFFFFFF  }
0x98: {  	s19 =	sld [smem:$0x3FDB];
	_ =	sdelay $0x1  }
0x99: {  	s4 =	simm.s32 $_scs_section_size  }
0x9a: {  	s5 =	simm.s32 $_size__tile_overlayer_lowered;
	s6 =	simm.s32 $_tile_overlayer_lowered  }
0x9b: {  	s22 =	simm.s32 $0x1BFF;
	s21 =	sshll.u32 s6, $0x1;
	s3 =	sadd.s32 s4, s19  }
0x9c: {  	s7 =	simm.s32 $0x0;
	s20 =	sshll.u32 s5, $0x1;
	s5 =	sadd.s32 s21, s3  }
0x9d: {  	[timem:s7], [sflag:s22] =	dma.local [hbm:s5], s20  }
0x9e: {  	_ =	swait.ge [sflag:s22], s20  }
0x9f: {  	s4 =	ssub.s32 $0x0, s20;
	[sflag:s22] =	ssyncset.done $0x0  }
0xa0: {  	[sflag:s22] =	ssyncadd.s32 s4;
	_ =	sdelay $0x1  }
0xa1: {  	s23 =	simm.s32 $0x1B8B  }
0xa2: {  	_ =	swait.ge [sflag:s23], $0x1  }
0xa3: {  	[sflag:s23] =	ssyncset.done $0x0  }
0xa4: {  	s25 =	simm.s32 $0x1B8E;
	s24 =	sld [smem:$0x3FFE];
	[sflag:s23] =	ssyncadd.s32 $0xFFFFFFFF  }
0xa5: {  	s26 =	simm.s32 $execute0_lowered;
	[smem:$0x3FD2] =	sst s25  }
0xa6: {  	s5 =	sshll.u32 s26, $0x1;
	_ =	strace $0x8000004C;
	[dreg:$0x1] =	wrdreg $0xFFFFFFFF  }
0xa7: {  	s28 =	simm.s32 $_size_execute0_lowered;
	s3 =	sadd.s32 s3, s5;
	[dreg:$0x0] =	wrdreg $0x0  }
0xa8: {  	s5 =	sshll.u32 s28, $0x1;
	[dreg:$0x2] =	wrdreg s3  }
0xa9: {  	[dreg:$0x3] =	wrdreg s5  }
0xaa: {  	[dreg:$0x4] =	wrdreg $0xC0  }
0xab: {  	_ =	task [dreg:s7], $0x5FFFF  }
0xac: {  	[dreg:$0x1] =	wrdreg $0xFFFFFFFF  }
0xad: {  	[dreg:$0x0] =	wrdreg $0x60  }
0xae: {  	[dreg:$0x2] =	wrdreg s2  }
0xaf: {  	[dreg:$0x3] =	wrdreg s24  }
0xb0: {  	[dreg:$0x4] =	wrdreg $0xA9000  }
0xb1: {  	[dreg:$0x5] =	wrdreg $0x9  }
0xb2: {  	_ =	task.clear_ibuf [dreg:s7], $0x6FFFF;
	_ =	strace $0x9000004C  }
0xb3: {  	s29 =	simm.s32 $0x9;
	_ =	strace $0x8000004E  }
0xb4: {  	_ =	swait.ge [sflag:s29], $0x1  }
0xb5: {  	[sflag:s29] =	ssyncadd.s32 $0xFFFFFFFF  }
0xb6: {  	_ =	strace $0x9000004E  }
0xb7: {  	_ =	sfence  }
0xb8: {  	s30 =	sld [smem:$0x0];
	_ =	sdelay $0x2  }
0xb9: {  	s31 =	sshll.u32 s1, $0xD;
	s1 =	sshrl.u32 s1, $0x2  }
0xba: {  	s3 =	sand.u32 $0x4000, s31;
	s1 =	sadd.s32 s1, s30  }
0xbb: {  	s0 =	sor.u32 s3, s0;
	s1 =	sshll.u32 s1, $0x11  }
0xbc: {  	s0 =	sor.u32 s1, s0  }
0xbd: {  	s0 =	sadd.s32 $0x8F2B, s0  }
0xbe: {  	[sflag:s0] =	ssyncadd.remote.s32 $0x1  }
0xbf: {  	_ =	sfence.sel $0xFFFF  }
0xc0: {  	[dreg:$0x0] =	wrdreg $0xFFFFFFFF;
	(pc) =	sbr.abs _section_cstart, $3  }
0xc1: {  	[dreg:$0x1] =	wrdreg $0xFFFFFFFF  }
0xc2: {  	_ =	task.clear_ibuf [dreg:s7], $0x2FFFF;
	_ =	strace $0x9FFFFFFF  }
0xc3: {  	(tm) =	ssettm $0x7FFFFFFF  }
tec
execute0_lowered:
.L_overlay_start_1:
0x0: {  	(tag) =	ssettag $0x1  }
0x1: {  	s1 =	rddreg [dreg:$0x0];
	s0 =	srdreg.scid  }
0x2: {  	s2 =	rddreg [dreg:$0x1];
	s9 =	stileid.u32  }
0x3: {  	s3 =	rddreg [dreg:$0x2];
	s4 =	simm.s32 $0x0;
	s28 =	simm.s32 $0x6900  }
0x4: {  	s29 =	simm.s32 $0x4;
	s30 =	simm.s32 $0x2;
	s6 =	smul.u32 $0x14000, s9  }
0x5: {  	s31 =	simm.s32 $0x6;
	s0 =	sand.u32 $0x1, s0;
	s17 =	smul.u32 $0x50000, s9  }
0x6: {  	s7 =	sshll.u32 s9, $0x1;
	[smem:$0x7FF] =	sst s4;
	s5 =	smul.u32 $0x140000, s0  }
0x7: {  	s7 =	sor.u32 s0, s7;
	_ =	strace $0x8000004D;
	s0 =	ssub.s32 $0x2, s0  }
0x8: {  	s8 =	smul.u32 $0x2800, s7;
	s18 =	sshrl.u32 s0, $0x1;
	s7 =	sshrl.u32 s17, $0x2  }
0x9: {  	s5 =	sadd.s32 s6, s5;
	s0 =	ssub.s32 s0, s18;
	s7 =	sadd.s32 s7, s3  }
0xa: {  	s6 =	sshrl.u32 s5, $0x3;
	s5 =	sadd.s32 $0x2400, s2;
	s20 =	sadd.s32 $0x2800, s7  }
0xb: {  	s19 =	sshrl.u32 s8, $0x3;
	s21 =	sadd.s32 $0x5000, s7;
	[dreg:$0x4] =	wrdreg s20  }
0xc: {  	s22 =	sadd.s32 $0x7800, s7;
	s23 =	sadd.s32 $0xA000, s7;
	[dreg:$0x5] =	wrdreg s21  }
0xd: {  	s24 =	sadd.s32 $0xC800, s7;
	s13 =	sadd.s32 $0x50000, s8;
	[dreg:$0x6] =	wrdreg s22  }
0xe: {  	s25 =	sadd.s32 $0xF000, s7;
	s15 =	sadd.s32 $0x11800, s7;
	[dreg:$0x7] =	wrdreg s23  }
0xf: {  	s2 =	sadd.s32 s6, s2;
	s6 =	sadd.s32 s5, s19;
	[dreg:$0x8] =	wrdreg s24  }
0x10: {  	[dreg:$0x9] =	wrdreg s25;
	s26 =	sshrl.u32 s13, $0x3;
	s19 =	smax.u32 s0, $0x1  }
0x11: {  	s20 =	simm.s32 $0x2900;
	s21 =	simm.s32 $0x7;
	s22 =	simm.s32 $0x1  }
0x12: {  	s23 =	simm.s32 $0x2800;
	s24 =	simm.s32 $0x7D;
	s25 =	simm.s32 $0x2880  }
0x13: {  	s0 =	simm.s32 $0x3;
	s16 =	sadd.s32 s5, s26;
	s17 =	sadd.s32 $0xA010, s6  }
0x14: {  	v0 =	vimm.f32 $0.0e+00;
	s18 =	sadd.s32 $0x16400, s2;
	s2 =	simm.s32 $0x5;
	s26 =	simm.s32 $0x0  }
.LBB2_1:
0x15: {  	[tilespmem:s4], [sflag:$0x1] =	stream.linear.gather [hbm4b:s6+s4], $0x2800, $0x38;
	[tilespmem:$0x1E900] =	vst v63  }
0x16: {  	s8 =	simm.s32 $0x0;
	s9 =	simm.s32 $0x200  }
.LBB2_2:
0x17: {  	p0 =	sne.s32 s9, $0xF800;
	[tilespmem:s8+$0x2970] =	vst v0  }
0x18: {  	[tilespmem:s8+$0x2900] =	vst v0  }
0x19: {  	[tilespmem:s8+$0x2910] =	vst v0  }
.Ltmp0:
0x1a: {  	[tilespmem:s8+$0x2920] =	vst v0;
	(pc) =	sbr.rel @p0 .LBB2_2-.Ltmp0, $4  }
0x1b: {  	[tilespmem:s8+$0x2930] =	vst v0  }
0x1c: {  	[tilespmem:s8+$0x2940] =	vst v0  }
0x1d: {  	[tilespmem:s8+$0x2950] =	vst v0  }
0x1e: {  	[tilespmem:s8+$0x2960] =	vst v0;
	s8 =	sshra.s32 s9, $0x2;
	s9 =	sadd.s32 $0x200, s9  }
0x1f: {  	[tilespmem:s8+$0x2970] =	vst v0  }
0x20: {  	[tilespmem:s8+$0x2900] =	vst v0  }
0x21: {  	[tilespmem:s8+$0x2910] =	vst v0  }
0x22: {  	[tilespmem:s8+$0x2920] =	vst v0  }
0x23: {  	[tilespmem:s8+$0x2930] =	vst v0  }
0x24: {  	[tilespmem:s8+$0x2940] =	vst v0  }
0x25: {  	[tilespmem:s8+$0x2950] =	vst v0  }
0x26: {  	[tilespmem:s8+$0x2960] =	vst v0  }
0x27: {  	[spmem:s7] =	stream.linear.scatter [tilespmem:s20], [sflag:$0x7], $0x2800, $0x38;
	[tilespmem:$0x1E900] =	vst v63  }
0x28: {  	_ =	swait.ge [sflag:s21], $0x2800  }
0x29: {  	[sflag:s21] =	ssyncset.done $0x0  }
0x2a: {  	s14 =	rddreg [dreg:$0x4];
	[sflag:s21] =	ssyncadd.s32 $0xFFFFD800  }
0x2b: {  	[spmem:s14] =	stream.linear.scatter [tilespmem:s20], [sflag:$0x7], $0x2800, $0x38;
	[tilespmem:$0x1E900] =	vst v63  }
0x2c: {  	_ =	swait.ge [sflag:s21], $0x2800  }
0x2d: {  	[sflag:s21] =	ssyncset.done $0x0  }
0x2e: {  	s9 =	rddreg [dreg:$0x5];
	[sflag:s21] =	ssyncadd.s32 $0xFFFFD800  }
0x2f: {  	[spmem:s9] =	stream.linear.scatter [tilespmem:s20], [sflag:$0x7], $0x2800, $0x38;
	[tilespmem:$0x1E900] =	vst v63  }
0x30: {  	_ =	swait.ge [sflag:s21], $0x2800  }
0x31: {  	[sflag:s21] =	ssyncset.done $0x0  }
0x32: {  	s10 =	rddreg [dreg:$0x6];
	[sflag:s21] =	ssyncadd.s32 $0xFFFFD800  }
0x33: {  	[spmem:s10] =	stream.linear.scatter [tilespmem:s20], [sflag:$0x7], $0x2800, $0x38;
	[tilespmem:$0x1E900] =	vst v63  }
0x34: {  	_ =	swait.ge [sflag:s21], $0x2800  }
0x35: {  	[sflag:s21] =	ssyncset.done $0x0  }
0x36: {  	s11 =	rddreg [dreg:$0x7];
	[sflag:s21] =	ssyncadd.s32 $0xFFFFD800  }
0x37: {  	[spmem:s11] =	stream.linear.scatter [tilespmem:s20], [sflag:$0x7], $0x2800, $0x38;
	[tilespmem:$0x1E900] =	vst v63  }
0x38: {  	_ =	swait.ge [sflag:s21], $0x2800  }
0x39: {  	[sflag:s21] =	ssyncset.done $0x0  }
0x3a: {  	s12 =	rddreg [dreg:$0x8];
	[sflag:s21] =	ssyncadd.s32 $0xFFFFD800  }
0x3b: {  	[spmem:s12] =	stream.linear.scatter [tilespmem:s20], [sflag:$0x7], $0x2800, $0x38;
	[tilespmem:$0x1E900] =	vst v63  }
0x3c: {  	_ =	swait.ge [sflag:s21], $0x2800  }
0x3d: {  	[sflag:s21] =	ssyncset.done $0x0  }
0x3e: {  	s14 =	rddreg [dreg:$0x9];
	[sflag:s21] =	ssyncadd.s32 $0xFFFFD800  }
0x3f: {  	[spmem:s14] =	stream.linear.scatter [tilespmem:s20], [sflag:$0x7], $0x2800, $0x38;
	[tilespmem:$0x1E900] =	vst v63  }
0x40: {  	_ =	swait.ge [sflag:s21], $0x2800  }
0x41: {  	[sflag:s21] =	ssyncset.done $0x0  }
0x42: {  	[sflag:s21] =	ssyncadd.s32 $0xFFFFD800  }
0x43: {  	[spmem:s15] =	stream.linear.scatter [tilespmem:s20], [sflag:$0x7], $0x2800, $0x38;
	[tilespmem:$0x1E900] =	vst v63  }
0x44: {  	_ =	swait.ge [sflag:s21], $0x2800  }
0x45: {  	[sflag:s21] =	ssyncset.done $0x0  }
0x46: {  	[sflag:s21] =	ssyncadd.s32 $0xFFFFD800  }
0x47: {  	_ =	swait.ge [sflag:s22], $0x2800  }
0x48: {  	[sflag:s22] =	ssyncset.done $0x0  }
0x49: {  	[sflag:s22] =	ssyncadd.s32 $0xFFFFD800  }
0x4a: {  	[tilespmem:s23], [sflag:$0x2] =	stream.linear.gather [hbm4b:s16+s4], $0x80, $0x38;
	[tilespmem:$0x1E900] =	vst v63  }
0x4b: {  	_ = 	snop  }
0x4c: {  	[tilespmem:s20], [sflag:$0x4] =	stream.indirect.gather [hbm4b:s1+s24], $0x80, s4, s24, $0xb8;
	[tilespmem:$0x1E900] =	vst v63  }
0x4d: {  	_ = 	snop  }
0x4e: {  	[tilespmem:s25], [sflag:$0x3] =	stream.linear.gather [hbm4b:s17+s4], $0x80, $0x38;
	[tilespmem:$0x1E900] =	vst v63  }
0x4f: {  	s9 =	simm.s32 $0x80  }
0x50: {  	[tilespmem:s28], [sflag:$0x5] =	stream.indirect.gather [hbm4b:s1+s24], $0x80, s9, s24, $0xb8;
	[tilespmem:$0x1E900] =	vst v63  }
0x51: {  	[bflag:$0x0] =	sbarrier.arrive $0xFFFF  }
0x52: {  	_ =	swait.ge [sflag:s29], $0x3E80  }
0x53: {  	[sflag:s29] =	ssyncset.done $0x0  }
0x54: {  	[sflag:s29] =	ssyncadd.s32 $0xFFFFC180  }
0x55: {  	s10 =	simm.s32 $0x100;
	_ =	swait.ge [sflag:s30], $0x80  }
0x56: {  	s9 =	sand.u32 $0x7C00, s10;
	[sflag:s30] =	ssyncset.done $0x0  }
0x57: {  	s8 =	sand.u32 $0x300, s10;
	s9 =	sadd.s32 s13, s9;
	[sflag:s30] =	ssyncadd.s32 $0xFFFFFF80  }
0x58: {  	[spmem:s3] =	stream.indirect.scatter.add.f32 [tilespmem:s20], [sflag:$0x6], $0x80, s23, s24, $0xb8;
	[tilespmem:$0x1E900] =	vst v63  }
0x59: {  	s8 =	sor.u32 s8, s9;
	_ =	swait.ge [sflag:s31], $0x3E80  }
0x5a: {  	s8 =	sshrl.u32 s8, $0x3;
	[sflag:s31] =	ssyncset.done $0x0  }
0x5b: {  	s8 =	sadd.s32 s5, s8;
	[sflag:s31] =	ssyncadd.s32 $0xFFFFC180  }
0x5c: {  	[tilespmem:s23], [sflag:$0x2] =	stream.linear.gather [hbm4b:s8+s4], $0x80, $0x38;
	[tilespmem:$0x1E900] =	vst v63  }
0x5d: {  	s11 =	simm.s32 $0x100  }
0x5e: {  	[tilespmem:s20], [sflag:$0x4] =	stream.indirect.gather [hbm4b:s1+s24], $0x80, s11, s24, $0xb8;
	[tilespmem:$0x1E900] =	vst v63  }
0x5f: {  	_ =	swait.ge [sflag:s2], $0x3E80  }
0x60: {  	[sflag:s2] =	ssyncset.done $0x0  }
0x61: {  	[sflag:s2] =	ssyncadd.s32 $0xFFFFC180  }
0x62: {  	s12 =	simm.s32 $0x180;
	_ =	swait.ge [sflag:s0], $0x80  }
0x63: {  	s14 =	sand.u32 $0x7C00, s12;
	[sflag:s0] =	ssyncset.done $0x0  }
0x64: {  	s9 =	sadd.s32 s13, s14;
	s8 =	sand.u32 $0x380, s12;
	[sflag:s0] =	ssyncadd.s32 $0xFFFFFF80  }
0x65: {  	[spmem:s3] =	stream.indirect.scatter.add.f32 [tilespmem:s28], [sflag:$0x6], $0x80, s25, s24, $0xb8;
	[tilespmem:$0x1E900] =	vst v63  }
0x66: {  	s8 =	sor.u32 s8, s9;
	_ =	swait.ge [sflag:s31], $0x3E80  }
0x67: {  	s8 =	sshrl.u32 s8, $0x3;
	[sflag:s31] =	ssyncset.done $0x0  }
0x68: {  	s8 =	sadd.s32 s5, s8;
	[sflag:s31] =	ssyncadd.s32 $0xFFFFC180  }
0x69: {  	[tilespmem:s25], [sflag:$0x3] =	stream.linear.gather [hbm4b:s8+s4], $0x80, $0x38;
	[tilespmem:$0x1E900] =	vst v63  }
0x6a: {  	s10 =	simm.s32 $0x200;
	s9 =	simm.s32 $0x180;
	s8 =	simm.s32 $0x280  }
.LBB2_4:
0x6b: {  	s11 =	sadd.s32 $0x80, s10  }
0x6c: {  	p0 =	sne.s32 s8, $0x2780;
	s12 =	smov.u32 s8;
	s8 =	sadd.s32 $0x100, s8  }
0x6d: {  	[tilespmem:s28], [sflag:$0x5] =	stream.indirect.gather [hbm4b:s1+s24], $0x80, s9, s24, $0xb8;
	[tilespmem:$0x1E900] =	vst v63  }
0x6e: {  	s9 =	smov.u32 s11;
	_ =	swait.ge [sflag:s29], $0x3E80  }
0x6f: {  	[sflag:s29] =	ssyncset.done $0x0  }
0x70: {  	[sflag:s29] =	ssyncadd.s32 $0xFFFFC180  }
0x71: {  	_ =	swait.ge [sflag:s30], $0x80  }
0x72: {  	s11 =	sadd.s32 $0xFFFFFF80, s12;
	[sflag:s30] =	ssyncset.done $0x0  }
0x73: {  	s14 =	sand.u32 $0x7C00, s11;
	s11 =	sand.u32 $0x300, s11;
	[sflag:s30] =	ssyncadd.s32 $0xFFFFFF80  }
0x74: {  	[spmem:s3] =	stream.indirect.scatter.add.f32 [tilespmem:s20], [sflag:$0x6], $0x80, s23, s24, $0xb8;
	[tilespmem:$0x1E900] =	vst v63  }
0x75: {  	s14 =	sadd.s32 s13, s14;
	_ =	swait.ge [sflag:s31], $0x3E80  }
0x76: {  	s11 =	sor.u32 s11, s14;
	[sflag:s31] =	ssyncset.done $0x0  }
0x77: {  	s11 =	sshrl.u32 s11, $0x3;
	[sflag:s31] =	ssyncadd.s32 $0xFFFFC180  }
0x78: {  	s11 =	sadd.s32 s5, s11  }
0x79: {  	[tilespmem:s23], [sflag:$0x2] =	stream.linear.gather [hbm4b:s11+s4], $0x80, $0x38;
	[tilespmem:$0x1E900] =	vst v63  }
0x7a: {  	_ = 	snop  }
0x7b: {  	[tilespmem:s20], [sflag:$0x4] =	stream.indirect.gather [hbm4b:s1+s24], $0x80, s10, s24, $0xb8;
	[tilespmem:$0x1E900] =	vst v63  }
0x7c: {  	_ =	swait.ge [sflag:s2], $0x3E80  }
0x7d: {  	[sflag:s2] =	ssyncset.done $0x0  }
0x7e: {  	[sflag:s2] =	ssyncadd.s32 $0xFFFFC180  }
0x7f: {  	_ =	swait.ge [sflag:s0], $0x80  }
0x80: {  	s11 =	sand.u32 $0x7C00, s12;
	[sflag:s0] =	ssyncset.done $0x0  }
0x81: {  	s12 =	sand.u32 $0x380, s12;
	s11 =	sadd.s32 s13, s11;
	[sflag:s0] =	ssyncadd.s32 $0xFFFFFF80  }
0x82: {  	[spmem:s3] =	stream.indirect.scatter.add.f32 [tilespmem:s28], [sflag:$0x6], $0x80, s25, s24, $0xb8;
	[tilespmem:$0x1E900] =	vst v63  }
.Ltmp1:
0x83: {  	_ = 	snop;
	(pc) =	sbr.rel @p0 .LBB2_4-.Ltmp1, $4  }
0x84: {  	s11 =	sor.u32 s12, s11;
	_ =	swait.ge [sflag:s31], $0x3E80  }
0x85: {  	s11 =	sshrl.u32 s11, $0x3;
	[sflag:s31] =	ssyncset.done $0x0  }
0x86: {  	s10 =	sadd.s32 $0x100, s10;
	s11 =	sadd.s32 s5, s11;
	[sflag:s31] =	ssyncadd.s32 $0xFFFFC180  }
0x87: {  	[tilespmem:s25], [sflag:$0x3] =	stream.linear.gather [hbm4b:s11+s4], $0x80, $0x38;
	[tilespmem:$0x1E900] =	vst v63  }
0x88: {  	[tilespmem:s28], [sflag:$0x5] =	stream.indirect.gather [hbm4b:s1+s24], $0x80, s9, s24, $0xb8;
	[tilespmem:$0x1E900] =	vst v63  }
0x89: {  	_ =	swait.ge [sflag:s29], $0x3E80  }
0x8a: {  	[sflag:s29] =	ssyncset.done $0x0  }
0x8b: {  	[sflag:s29] =	ssyncadd.s32 $0xFFFFC180  }
0x8c: {  	_ =	swait.ge [sflag:s30], $0x80  }
0x8d: {  	[sflag:s30] =	ssyncset.done $0x0  }
0x8e: {  	[sflag:s30] =	ssyncadd.s32 $0xFFFFFF80  }
0x8f: {  	[spmem:s3] =	stream.indirect.scatter.add.f32 [tilespmem:s20], [sflag:$0x6], $0x80, s23, s24, $0xb8;
	[tilespmem:$0x1E900] =	vst v63  }
0x90: {  	_ =	swait.ge [sflag:s31], $0x3E80  }
0x91: {  	[sflag:s31] =	ssyncset.done $0x0  }
0x92: {  	[sflag:s31] =	ssyncadd.s32 $0xFFFFC180  }
0x93: {  	_ =	swait.ge [sflag:s2], $0x3E80  }
0x94: {  	[sflag:s2] =	ssyncset.done $0x0  }
0x95: {  	[sflag:s2] =	ssyncadd.s32 $0xFFFFC180  }
0x96: {  	_ =	swait.ge [sflag:s0], $0x80  }
0x97: {  	[sflag:s0] =	ssyncset.done $0x0  }
0x98: {  	[sflag:s0] =	ssyncadd.s32 $0xFFFFFF80  }
0x99: {  	[spmem:s3] =	stream.indirect.scatter.add.f32 [tilespmem:s28], [sflag:$0x6], $0x80, s25, s24, $0xb8;
	[tilespmem:$0x1E900] =	vst v63  }
0x9a: {  	s8 =	stileid.u32;
	_ =	swait.ge [sflag:s31], $0x3E80  }
0x9b: {  	s14 =	sshrl.u32 s7, $0x3;
	s26 =	sadd.s32 $0x1, s26;
	[sflag:s31] =	ssyncset.done $0x0  }
0x9c: {  	s8 =	sshll.u32 s8, $0x6;
	p0 =	sne.s32 s26, s19;
	[sflag:s31] =	ssyncadd.s32 $0xFFFFC180  }
.Ltmp2:
0x9d: {  	s8 =	sor.u32 $0x1C07, s8;
	[bflag:$0x0] =	sbarrier.arrive $0xFFFF;
	(pc) =	sbr.rel @p0 .LBB2_1-.Ltmp2, $4  }
0x9e: {  	[hbm:s18], [sflag:s8] =	dma.local [spmem:s14], $0x2800  }
0x9f: {  	_ =	swait.ge [sflag:s21], $0x2800  }
0xa0: {  	[sflag:s21] =	ssyncset.done $0x0  }
0xa1: {  	[sflag:s21] =	ssyncadd.s32 $0xFFFFD800  }
0xa2: {  	_ =	sfence.sel $0x180000  }
0xa3: {  	[bflag:$0x0] =	sbarrier.arrive $0xFFFF  }
0xa4: {  	_ =	strace $0x9000004D  }
0xa5: {  	s0 =	stileid.u32;
	[bflag:$0x2] =	sbarrier.arrive $0xFFFF  }
0xa6: {  	p0 =	sne.s32 s0, $0x0;
	s0 =	rddreg [dreg:$0x3]  }
0xa7: {  	s0 =	sadd.s32 @!p0 $0x100000, s0  }
0xa8: {  	[sflag:s0] =	ssyncadd.tile.s32 @!p0 $0x1;
	_ =	shalt  }
.Lfunc_end2:
_tile_overlayer_lowered:
.L_overlay_start_2:
0xa9: {  	(tag) =	ssettag $0x2  }
0xaa: {  	s0 =	rddreg [dreg:$0x0];
	s2 =	stileid.u32  }
0xab: {  	s1 =	rddreg [dreg:$0x1];
	p0 =	sne.s32 s2, $0x0  }
0xac: {  	s3 =	rddreg [dreg:$0x2];
	[bflag:$0x3] =	sbarrier.arrive $0xFFFF;
	s2 =	simm.s32 @!p0 $0x1C07  }
0xad: {  	[timem:s3], [sflag:s2] =	dma.local @!p0 [hbm:s0], s1  }
0xae: {  	s0 =	simm.s32 @!p0 $0x7  }
0xaf: {  	_ =	swait.ge @!p0 [sflag:s0], s1  }
0xb0: {  	s1 =	ssub.s32 @!p0 $0x0, s1;
	[sflag:s0] =	ssyncset.done @!p0 $0x0  }
0xb1: {  	[sflag:s0] =	ssyncadd.s32 @!p0 s1  }
0xb2: {  	[bflag:$0x3] =	sbarrier.arrive $0xFFFF  }
0xb3: {  	_ =	shalt  }

// kernel: kernel.8.cloned.1.call-start
scs
__scs_entry_jumppad:
0x0: {  	(pc) =	sbr.rel $0x88, $3  }
0x1: {  	(tag) =	ssettag $0x0;
	lr =	simm.s32 $0x1  }
0x2: {  	[smem:$0x3F9B] =	sst lr;
	_ =	strace $0xD0000000  }
0x3: {  	_ = 	snop  }
0x4: {  	_ = 	snop  }
0x5: {  	_ = 	snop  }
0x6: {  	_ = 	snop  }
0x7: {  	_ = 	snop  }
__scs_overlays_trampoline_lowered:
0x8: {  	[smem:$0x3FAA] =	sst s0  }
0x9: {  	[smem:$0x3FAB] =	sst s1  }
0xa: {  	[smem:$0x3FAC] =	sst s2  }
0xb: {  	[smem:$0x3FAD] =	sst s3  }
0xc: {  	[smem:$0x3FAE] =	sst s4  }
0xd: {  	[smem:$0x3FAF] =	sst s5  }
0xe: {  	[smem:$0x3FB0] =	sst s6  }
0xf: {  	[smem:$0x3FB1] =	sst s7  }
0x10: {  	[smem:$0x3FB2] =	sst s8  }
0x11: {  	[smem:$0x3FB3] =	sst s9;
	s0 =	simm.s32 @!p0 $0x0  }
0x12: {  	s1 =	sld [smem:$0x3F99];
	s0 =	simm.s32 @p0 $0x1  }
0x13: {  	[smem:$0x3FB4] =	sst s0;
	s0 =	simm.s32 @!p1 $0x0  }
0x14: {  	s2 =	sld [smem:$0x3F98];
	s0 =	simm.s32 @p1 $0x1  }
0x15: {  	[smem:$0x3FB5] =	sst s0;
	s0 =	simm.s32 @!p2 $0x0  }
0x16: {  	s3 =	sld [smem:$0x3FDB];
	s0 =	simm.s32 @p2 $0x1  }
0x17: {  	s4 =	simm.s32 $0x1BF5;
	[smem:$0x3FB7] =	sst s0  }
0x18: {  	s0 =	sld [smem:$0x3F9A];
	_ =	swait.ge [sflag:s4], $0x0  }
0x19: {  	s7 =	sld [smem:$0x3F9B]  }
0x1a: {  	s8 =	sadd.s32 $0xFFFFE003, lr  }
0x1b: {  	s9 =	sadd.s32 $0xFFFFFEF7, lr;
	s5 =	simm.s32 $0xFFFFFFFF;
	p2 =	slt.u32 s8, $0xFFFFF086  }
0x1c: {  	p1 =	slt.u32 s9, $0xF7A;
	s5 =	simm.s32 @!p2 $0x0  }
0x1d: {  	s5 =	simm.s32 @p1 $0x1;
	p0 =	seq.s32 s7, s2  }
0x1e: {  	s7 =	smul.u32 @!p0 $0xF7A, s2;
	p2 =	seq.s32 @!p0 s5, $0x0  }
0x1f: {  	s9 =	smul.u32 $0xF7A, s1;
	s8 =	simm.s32 @!p0 $0x1BF5;
	p2 =	por !p2, p0  }
0x20: {  	[sflag:s8] =	ssyncset.s32 @!p0 $0xFFFFF086;
	s6 =	sadd.s32 @!p0 s3, s7;
	s7 =	simm.s32 @!p0 $0x108  }
0x21: {  	s3 =	sadd.s32 s3, s9;
	s6 =	sadd.s32 @!p0 $0x88, s6;
	s7 =	simm.s32 @p2 $0x1082  }
0x22: {  	[simem:s7], [sflag:s8] =	dma.local @!p0 [hbm:s6], $0xF7A  }
0x23: {  	s9 =	sor.u32 $0xD0000000, s2;
	s6 =	simm.s32 $0x108;
	_ =	swait.ge @!p0 [sflag:s8], $0x0  }
0x24: {  	s3 =	sadd.s32 $0x88, s3;
	s6 =	simm.s32 @!p1 $0x1082;
	[sflag:s4] =	ssyncset.s32 $0xFFFFF086  }
0x25: {  	[simem:s6], [sflag:s4] =	dma.local [hbm:s3], $0xF7A  }
0x26: {  	[smem:$0x3F9B] =	sst s1;
	(tag) =	ssettag s2;
	_ =	strace s9  }
0x27: {  	s1 =	sld [smem:$0x3FAB]  }
0x28: {  	s2 =	sld [smem:$0x3FAC]  }
0x29: {  	s4 =	sld [smem:$0x3FAE]  }
0x2a: {  	p0 =	seq.s32 s5, $0x0;
	s5 =	sld [smem:$0x3FAF]  }
0x2b: {  	s6 =	sld [smem:$0x3FB0]  }
0x2c: {  	s7 =	sld [smem:$0x3FB1]  }
0x2d: {  	s3 =	simm.s32 $0x108;
	s8 =	sld [smem:$0x3FB2]  }
0x2e: {  	s3 =	simm.s32 @!p0 $0x1082;
	s9 =	sld [smem:$0x3FB3]  }
0x2f: {  	lr =	sadd.s32 s0, s3;
	s0 =	sld [smem:$0x3FAA]  }
0x30: {  	s3 =	sld [smem:$0x3FAD]  }
0x31: {  	[smem:$0x3FB6] =	sst s10  }
0x32: {  	s10 =	sld [smem:$0x3FB4];
	_ =	sdelay $0x3  }
0x33: {  	p0 =	seq.s32 s10, $0x1;
	s10 =	sld [smem:$0x3FB6];
	_ =	sdelay $0x3  }
0x34: {  	[smem:$0x3FB6] =	sst s10  }
0x35: {  	s10 =	sld [smem:$0x3FB5];
	_ =	sdelay $0x3  }
0x36: {  	p1 =	seq.s32 s10, $0x1;
	s10 =	sld [smem:$0x3FB6];
	_ =	sdelay $0x3  }
0x37: {  	[smem:$0x3FB6] =	sst s10  }
0x38: {  	s10 =	sld [smem:$0x3FB7]  }
0x39: {  	_ = 	snop;
	(pc) =	sbr.ind lr, $3  }
0x3a: {  	_ = 	snop  }
0x3b: {  	_ = 	snop  }
0x3c: {  	p2 =	seq.s32 s10, $0x1;
	s10 =	sld [smem:$0x3FB6]  }
0x3d: {  	_ =	shalt  }
0x3e: {  	_ =	shalt  }
0x3f: {  	_ =	shalt  }
0x40: {  	_ =	shalt  }
0x41: {  	_ =	shalt  }
0x42: {  	_ =	shalt  }
0x43: {  	_ =	shalt  }
0x44: {  	_ =	shalt  }
0x45: {  	_ =	shalt  }
0x46: {  	_ =	shalt  }
0x47: {  	_ =	shalt  }
0x48: {  	_ =	shalt  }
0x49: {  	_ =	shalt  }
0x4a: {  	_ =	shalt  }
0x4b: {  	_ =	shalt  }
0x4c: {  	_ =	shalt  }
0x4d: {  	_ =	shalt  }
0x4e: {  	_ =	shalt  }
0x4f: {  	_ =	shalt  }
0x50: {  	_ =	shalt  }
0x51: {  	_ =	shalt  }
0x52: {  	_ =	shalt  }
0x53: {  	_ =	shalt  }
0x54: {  	_ =	shalt  }
0x55: {  	_ =	shalt  }
0x56: {  	_ =	shalt  }
0x57: {  	_ =	shalt  }
0x58: {  	_ =	shalt  }
0x59: {  	_ =	shalt  }
0x5a: {  	_ =	shalt  }
0x5b: {  	_ =	shalt  }
0x5c: {  	_ =	shalt  }
0x5d: {  	_ =	shalt  }
0x5e: {  	_ =	shalt  }
0x5f: {  	_ =	shalt  }
0x60: {  	_ =	shalt  }
0x61: {  	_ =	shalt  }
0x62: {  	_ =	shalt  }
0x63: {  	_ =	shalt  }
0x64: {  	_ =	shalt  }
0x65: {  	_ =	shalt  }
0x66: {  	_ =	shalt  }
0x67: {  	_ =	shalt  }
0x68: {  	_ =	shalt  }
0x69: {  	_ =	shalt  }
0x6a: {  	_ =	shalt  }
0x6b: {  	_ =	shalt  }
0x6c: {  	_ =	shalt  }
0x6d: {  	_ =	shalt  }
0x6e: {  	_ =	shalt  }
0x6f: {  	_ =	shalt  }
0x70: {  	_ =	shalt  }
0x71: {  	_ =	shalt  }
0x72: {  	_ =	shalt  }
0x73: {  	_ =	shalt  }
0x74: {  	_ =	shalt  }
0x75: {  	_ =	shalt  }
0x76: {  	_ =	shalt  }
0x77: {  	_ =	shalt  }
0x78: {  	_ =	shalt  }
0x79: {  	_ =	shalt  }
0x7a: {  	_ =	shalt  }
0x7b: {  	_ =	shalt  }
0x7c: {  	_ =	shalt  }
0x7d: {  	_ =	shalt  }
0x7e: {  	_ =	shalt  }
0x7f: {  	_ =	shalt  }
0x80: {  	_ =	shalt  }
0x81: {  	_ =	shalt  }
0x82: {  	_ =	shalt  }
0x83: {  	_ =	shalt  }
0x84: {  	_ =	shalt  }
0x85: {  	_ =	shalt  }
0x86: {  	_ =	shalt  }
0x87: {  	_ =	shalt  }
.Lfunc_end0:
.L_simem_size_0:
called_computation_lowered:
.L_overlay_start_0:
0x88: {  	s2 =	sld [smem:$0x3FD9]  }
0x89: {  	s3 =	sld [smem:$0x3FFE];
	_ =	sdelay $0x1  }
0x8a: {  	s1 =	srdreg.scid  }
0x8b: {  	s0 =	sand.u32 $0x1, s1  }
0x8c: {  	s17 =	sshll.u32 s0, $0xA;
	s2 =	sadd.s32 s3, s2  }
0x8d: {  	s2 =	sadd.s32 s2, s17  }
0x8e: {  	[smem:$0x3FC2] =	sst s2  }
0x8f: {  	_ = 	snop  }
0x90: {  	s2 =	sld [smem:$0x3FD0];
	(tm) =	ssettm $0x1  }
0x91: {  	s18 =	sld [smem:$0x3FFB];
	_ =	sdelay $0x3  }
0x92: {  	_ =	strace s18  }
0x93: {  	s3 =	sld [smem:$0x3FFC];
	_ =	sdelay $0x3  }
0x94: {  	_ =	strace s3  }
0x95: {  	s3 =	sld [smem:$0x3FFD];
	_ =	sdelay $0x3  }
0x96: {  	_ =	strace s3  }
0x97: {  	_ =	strace $0x8FFFFFFF  }
0x98: {  	s19 =	sld [smem:$0x3FDB];
	_ =	sdelay $0x1  }
0x99: {  	s4 =	simm.s32 $_scs_section_size  }
0x9a: {  	s5 =	simm.s32 $_size__tile_overlayer_lowered;
	s6 =	simm.s32 $_tile_overlayer_lowered  }
0x9b: {  	s22 =	simm.s32 $0x1BFF;
	s21 =	sshll.u32 s6, $0x1;
	s3 =	sadd.s32 s4, s19  }
0x9c: {  	s7 =	simm.s32 $0x0;
	s20 =	sshll.u32 s5, $0x1;
	s5 =	sadd.s32 s21, s3  }
0x9d: {  	[timem:s7], [sflag:s22] =	dma.local [hbm:s5], s20  }
0x9e: {  	_ =	swait.ge [sflag:s22], s20  }
0x9f: {  	s4 =	ssub.s32 $0x0, s20;
	[sflag:s22] =	ssyncset.done $0x0  }
0xa0: {  	[sflag:s22] =	ssyncadd.s32 s4;
	_ =	sdelay $0x1  }
0xa1: {  	s23 =	simm.s32 $0x1B8B  }
0xa2: {  	_ =	swait.ge [sflag:s23], $0x1  }
0xa3: {  	[sflag:s23] =	ssyncset.done $0x0  }
0xa4: {  	s25 =	simm.s32 $0x1B8E;
	s24 =	sld [smem:$0x3FFE];
	[sflag:s23] =	ssyncadd.s32 $0xFFFFFFFF  }
0xa5: {  	s26 =	simm.s32 $execute0_lowered;
	[smem:$0x3FD2] =	sst s25  }
0xa6: {  	s5 =	sshll.u32 s26, $0x1;
	_ =	strace $0x80000046;
	[dreg:$0x1] =	wrdreg $0xFFFFFFFF  }
0xa7: {  	s28 =	simm.s32 $_size_execute0_lowered;
	s3 =	sadd.s32 s3, s5;
	[dreg:$0x0] =	wrdreg $0x0  }
0xa8: {  	s5 =	sshll.u32 s28, $0x1;
	[dreg:$0x2] =	wrdreg s3  }
0xa9: {  	[dreg:$0x3] =	wrdreg s5  }
0xaa: {  	[dreg:$0x4] =	wrdreg $0xC0  }
0xab: {  	_ =	task [dreg:s7], $0x5FFFF  }
0xac: {  	[dreg:$0x1] =	wrdreg $0xFFFFFFFF  }
0xad: {  	[dreg:$0x0] =	wrdreg $0x60  }
0xae: {  	[dreg:$0x2] =	wrdreg s24  }
0xaf: {  	[dreg:$0x3] =	wrdreg s2  }
0xb0: {  	[dreg:$0x4] =	wrdreg $0x53000  }
0xb1: {  	[dreg:$0x5] =	wrdreg $0x55800  }
0xb2: {  	[dreg:$0x6] =	wrdreg $0x9  }
0xb3: {  	_ =	task.clear_ibuf [dreg:s7], $0x7FFFF;
	_ =	strace $0x90000046  }
0xb4: {  	s29 =	simm.s32 $0x9;
	_ =	strace $0x80000048  }
0xb5: {  	_ =	swait.ge [sflag:s29], $0x1  }
0xb6: {  	[sflag:s29] =	ssyncadd.s32 $0xFFFFFFFF  }
0xb7: {  	_ =	strace $0x90000048  }
0xb8: {  	_ =	sfence  }
0xb9: {  	s30 =	sld [smem:$0x0];
	_ =	sdelay $0x2  }
0xba: {  	s31 =	sshll.u32 s1, $0xD;
	s1 =	sshrl.u32 s1, $0x2  }
0xbb: {  	s3 =	sand.u32 $0x4000, s31;
	s1 =	sadd.s32 s1, s30  }
0xbc: {  	s0 =	sor.u32 s3, s0;
	s1 =	sshll.u32 s1, $0x11  }
0xbd: {  	s0 =	sor.u32 s1, s0  }
0xbe: {  	s0 =	sadd.s32 $0x8F2B, s0  }
0xbf: {  	[sflag:s0] =	ssyncadd.remote.s32 $0x1  }
0xc0: {  	_ =	sfence.sel $0xFFFF  }
0xc1: {  	[dreg:$0x0] =	wrdreg $0xFFFFFFFF;
	(pc) =	sbr.abs _section_cstart, $3  }
0xc2: {  	[dreg:$0x1] =	wrdreg $0xFFFFFFFF  }
0xc3: {  	_ =	task.clear_ibuf [dreg:s7], $0x2FFFF;
	_ =	strace $0x9FFFFFFF  }
0xc4: {  	(tm) =	ssettm $0x7FFFFFFF  }
0xc5: {  	_ =	shalt  }
tec
execute0_lowered:
.L_overlay_start_1:
0x0: {  	(tag) =	ssettag $0x1  }
0x1: {  	s5 =	rddreg [dreg:$0x0]  }
0x2: {  	s7 =	rddreg [dreg:$0x1]  }
0x3: {  	s2 =	rddreg [dreg:$0x2];
	s1 =	srdreg.scid  }
0x4: {  	s0 =	stileid.u32;
	s3 =	rddreg [dreg:$0x3]  }
0x5: {  	s4 =	simm.s32 $0x0;
	s12 =	simm.s32 $0x2800;
	s13 =	simm.s32 $0x5080  }
0x6: {  	s14 =	simm.s32 $0x4;
	s15 =	simm.s32 $0x1;
	s16 =	simm.s32 $0x7D  }
0x7: {  	s17 =	simm.s32 $0x5000;
	s18 =	simm.s32 $0x2;
	s19 =	simm.s32 $0x3  }
0x8: {  	s22 =	simm.s32 $0x40;
	s23 =	simm.s32 $0x10;
	s24 =	simm.s32 $0x0  }
0x9: {  	s6 =	sand.u32 $0x1, s1;
	s1 =	rddreg [dreg:$0x4];
	s9 =	smul.u32 $0xA00, s0  }
0xa: {  	s8 =	sshll.u32 s0, $0x1;
	[smem:$0x7FF] =	sst s4;
	s30 =	smul.u32 $0x280, s0  }
0xb: {  	s20 =	sshll.u32 s0, $0x6;
	s8 =	sor.u32 s6, s8;
	_ =	strace $0x80000047  }
0xc: {  	s10 =	ssub.s32 $0x2, s6;
	s6 =	sshll.u32 s6, $0x8;
	s8 =	smul.u32 $0x2800, s8  }
0xd: {  	s20 =	sor.u32 $0x1C04, s20;
	s29 =	sshrl.u32 s10, $0x1;
	s6 =	sor.u32 s6, s9  }
0xe: {  	s9 =	sadd.s32 s30, s3;
	s31 =	sshrl.u32 s6, $0x3;
	s8 =	sshrl.u32 s8, $0x3  }
0xf: {  	s11 =	ssub.s32 s10, s29;
	s7 =	sadd.s32 s7, s31;
	s8 =	sadd.s32 s8, s5  }
0x10: {  	s5 =	sadd.s32 $0x2400, s8;
	s6 =	sadd.s32 $0xC400, s8;
	s8 =	sadd.s32 s30, s2  }
0x11: {  	v0 =	vimm.f32 $1.000000000e+00;
	v1 =	vimm.f32 $0.0e+00;
	s11 =	smax.u32 s11, $0x1;
	s10 =	sadd.s32 $0x10, s7;
	s21 =	sshrl.u32 s8, $0x3  }
.LBB2_1:
0x12: {  	[tilespmem:s4], [sflag:$0x1] =	stream.linear.gather [hbm4b:s5+s4], $0x2800, $0x38;
	[tilespmem:$0x5800] =	vst v63  }
0x13: {  	_ = 	snop  }
0x14: {  	[tilespmem:s12], [sflag:$0x1] =	stream.linear.gather [hbm4b:s6+s4], $0x2800, $0x38;
	[tilespmem:$0x5800] =	vst v63  }
0x15: {  	[tilespmem:$0x5000] =	vst v0  }
0x16: {  	[tilespmem:$0x5010] =	vst v0  }
0x17: {  	[tilespmem:$0x5020] =	vst v0  }
0x18: {  	[tilespmem:$0x5030] =	vst v0  }
0x19: {  	[tilespmem:$0x5040] =	vst v0  }
0x1a: {  	[tilespmem:$0x5050] =	vst v0  }
0x1b: {  	[tilespmem:$0x5060] =	vst v0  }
0x1c: {  	[tilespmem:$0x5070] =	vst v0  }
0x1d: {  	[tilespmem:$0x5080] =	vst v1  }
0x1e: {  	[tilespmem:$0x5090] =	vst v1  }
0x1f: {  	[tilespmem:$0x50A0] =	vst v1  }
0x20: {  	[tilespmem:$0x50B0] =	vst v1  }
0x21: {  	[tilespmem:$0x50C0] =	vst v1  }
0x22: {  	[tilespmem:$0x50D0] =	vst v1  }
0x23: {  	[tilespmem:$0x50E0] =	vst v1  }
0x24: {  	[tilespmem:$0x50F0] =	vst v1  }
0x25: {  	[tilespmem:$0x5100] =	vst v1  }
0x26: {  	[tilespmem:$0x5110] =	vst v1  }
0x27: {  	[tilespmem:$0x5120] =	vst v1  }
0x28: {  	[tilespmem:$0x5130] =	vst v1  }
0x29: {  	[tilespmem:$0x5140] =	vst v1  }
0x2a: {  	[tilespmem:$0x5150] =	vst v1  }
0x2b: {  	[tilespmem:$0x5160] =	vst v1  }
0x2c: {  	[tilespmem:$0x5170] =	vst v1  }
0x2d: {  	[tilespmem:$0x5180] =	vst v1  }
0x2e: {  	[tilespmem:$0x5190] =	vst v1  }
0x2f: {  	[tilespmem:$0x51A0] =	vst v1  }
0x30: {  	[tilespmem:$0x51B0] =	vst v1  }
0x31: {  	[tilespmem:$0x51C0] =	vst v1  }
0x32: {  	[tilespmem:$0x51D0] =	vst v1  }
0x33: {  	[tilespmem:$0x51E0] =	vst v1  }
0x34: {  	[tilespmem:$0x51F0] =	vst v1  }
0x35: {  	[tilespmem:$0x5200] =	vst v1  }
0x36: {  	[tilespmem:$0x5210] =	vst v1  }
0x37: {  	[tilespmem:$0x5220] =	vst v1  }
0x38: {  	[tilespmem:$0x5230] =	vst v1  }
0x39: {  	[tilespmem:$0x5240] =	vst v1  }
0x3a: {  	[tilespmem:$0x5250] =	vst v1  }
0x3b: {  	[tilespmem:$0x5260] =	vst v1  }
0x3c: {  	[tilespmem:$0x5270] =	vst v1  }
0x3d: {  	[tilespmem:$0x5280] =	vst v1  }
0x3e: {  	[tilespmem:$0x5290] =	vst v1  }
0x3f: {  	[tilespmem:$0x52A0] =	vst v1  }
0x40: {  	[tilespmem:$0x52B0] =	vst v1  }
0x41: {  	[tilespmem:$0x52C0] =	vst v1  }
0x42: {  	[tilespmem:$0x52D0] =	vst v1  }
0x43: {  	[tilespmem:$0x52E0] =	vst v1  }
0x44: {  	[tilespmem:$0x52F0] =	vst v1  }
0x45: {  	[spmem:s8] =	stream.linear.scatter [tilespmem:s13], [sflag:$0x4], $0x280, $0x38;
	[tilespmem:$0x5800] =	vst v63  }
0x46: {  	_ =	swait.ge [sflag:s14], $0x280  }
0x47: {  	[sflag:s14] =	ssyncset.done $0x0  }
0x48: {  	[sflag:s14] =	ssyncadd.s32 $0xFFFFFD80  }
0x49: {  	[spmem:s9] =	stream.linear.scatter [tilespmem:s13], [sflag:$0x4], $0x280, $0x38;
	[tilespmem:$0x5800] =	vst v63  }
0x4a: {  	_ =	swait.ge [sflag:s14], $0x280  }
0x4b: {  	[sflag:s14] =	ssyncset.done $0x0  }
0x4c: {  	[sflag:s14] =	ssyncadd.s32 $0xFFFFFD80  }
0x4d: {  	_ =	swait.ge [sflag:s15], $0x2800  }
0x4e: {  	[sflag:s15] =	ssyncset.done $0x0  }
0x4f: {  	[sflag:s15] =	ssyncadd.s32 $0xFFFFD800  }
0x50: {  	_ =	swait.ge [sflag:s15], $0x2800  }
0x51: {  	[sflag:s15] =	ssyncset.done $0x0  }
0x52: {  	[sflag:s15] =	ssyncadd.s32 $0xFFFFD800  }
0x53: {  	s25 =	simm.s32 $0x0;
	[bflag:$0x0] =	sbarrier.arrive $0xFFFF  }
0x54: {  	[spmem:s2] =	stream.indirect.scatter.add.f32 [tilespmem:s17], [sflag:$0x2], $0x1, s25, s16, $0xb8;
	[tilespmem:$0x5800] =	vst v63  }
0x55: {  	s26 =	simm.s32 $0x2800;
	s25 =	simm.s32 $0x200  }
.LBB2_2:
0x56: {  	[spmem:s3] =	stream.indirect.scatter.add.f32 [tilespmem:s17], [sflag:$0x3], $0x1, s26, s16, $0xb8;
	[tilespmem:$0x5800] =	vst v63  }
0x57: {  	s26 =	smov.u32 s25;
	p0 =	sne.s32 s25, $0x9E00  }
.Ltmp0:
0x58: {  	s25 =	sadd.s32 $0x200, s25;
	(pc) =	sbr.rel @p0 .LBB2_2-.Ltmp0, $4  }
0x59: {  	_ = 	snop  }
0x5a: {  	s26 =	sshra.s32 s26, $0x2  }
0x5b: {  	[spmem:s2] =	stream.indirect.scatter.add.f32 [tilespmem:s17], [sflag:$0x2], $0x1, s26, s16, $0xb8;
	[tilespmem:$0x5800] =	vst v63  }
0x5c: {  	s26 =	sadd.s32 $0x2800, s26  }
0x5d: {  	[spmem:s3] =	stream.indirect.scatter.add.f32 [tilespmem:s17], [sflag:$0x3], $0x1, s26, s16, $0xb8;
	[tilespmem:$0x5800] =	vst v63  }
0x5e: {  	_ =	swait.ge [sflag:s18], $0x7D  }
0x5f: {  	[sflag:s18] =	ssyncset.done $0x0  }
0x60: {  	[sflag:s18] =	ssyncadd.s32 $0xFFFFFF83  }
0x61: {  	_ =	swait.ge [sflag:s19], $0x7D  }
0x62: {  	s25 =	simm.s32 $0x4F;
	[sflag:s19] =	ssyncset.done $0x0  }
.LBB2_4:
0x63: {  	p0 =	sne.s32 s25, $0x1;
	s25 =	sadd.s32 $0xFFFFFFFF, s25;
	[sflag:s19] =	ssyncadd.s32 $0xFFFFFF83  }
.Ltmp1:
0x64: {  	_ =	swait.ge [sflag:s18], $0x7D;
	(pc) =	sbr.rel @p0 .LBB2_4-.Ltmp1, $4  }
0x65: {  	[sflag:s18] =	ssyncset.done $0x0  }
0x66: {  	[sflag:s18] =	ssyncadd.s32 $0xFFFFFF83  }
0x67: {  	_ =	swait.ge [sflag:s19], $0x7D  }
0x68: {  	[sflag:s19] =	ssyncset.done $0x0  }
0x69: {  	[sflag:s19] =	ssyncadd.s32 $0xFFFFFF83  }
0x6a: {  	[bflag:$0x0] =	sbarrier.arrive $0xFFFF  }
0x6b: {  	[hbm:s7@s22], [sflag:s20] =	dma.strided [spmem:s21@s23], $0x50, s15, $0x10   }
0x6c: {  	s24 =	sadd.s32 $0x1, s24;
	_ =	swait.ge [sflag:s14], $0x50  }
0x6d: {  	p0 =	sne.s32 s24, s11;
	[sflag:s14] =	ssyncset.done $0x0  }
.Ltmp2:
0x6e: {  	s25 =	sshrl.u32 s9, $0x3;
	[sflag:s14] =	ssyncadd.s32 $0xFFFFFFB0;
	(pc) =	sbr.rel @p0 .LBB2_1-.Ltmp2, $4  }
0x6f: {  	[hbm:s10@s22], [sflag:s20] =	dma.strided [spmem:s25@s23], $0x50, s15, $0x10   }
0x70: {  	_ =	swait.ge [sflag:s14], $0x50  }
0x71: {  	[sflag:s14] =	ssyncset.done $0x0  }
0x72: {  	[sflag:s14] =	ssyncadd.s32 $0xFFFFFFB0  }
0x73: {  	_ =	sfence.sel $0x180000  }
0x74: {  	[bflag:$0x0] =	sbarrier.arrive $0xFFFF  }
0x75: {  	p0 =	sne.s32 s0, $0x0;
	_ =	strace $0x90000047  }
0x76: {  	s0 =	sadd.s32 @!p0 $0x100000, s1;
	[bflag:$0x2] =	sbarrier.arrive $0xFFFF  }
0x77: {  	[sflag:s0] =	ssyncadd.tile.s32 @!p0 $0x1;
	_ =	shalt  }
.Lfunc_end2:
_tile_overlayer_lowered:
.L_overlay_start_2:
0x78: {  	(tag) =	ssettag $0x2  }
0x79: {  	s0 =	rddreg [dreg:$0x0];
	s2 =	stileid.u32  }
0x7a: {  	s1 =	rddreg [dreg:$0x1];
	p0 =	sne.s32 s2, $0x0  }
0x7b: {  	s3 =	rddreg [dreg:$0x2];
	[bflag:$0x3] =	sbarrier.arrive $0xFFFF;
	s2 =	simm.s32 @!p0 $0x1C04  }
0x7c: {  	[timem:s3], [sflag:s2] =	dma.local @!p0 [hbm:s0], s1  }
0x7d: {  	s0 =	simm.s32 @!p0 $0x4  }
0x7e: {  	_ =	swait.ge @!p0 [sflag:s0], s1  }
0x7f: {  	s1 =	ssub.s32 @!p0 $0x0, s1;
	[sflag:s0] =	ssyncset.done @!p0 $0x0  }
0x80: {  	[sflag:s0] =	ssyncadd.s32 @!p0 s1  }
0x81: {  	[bflag:$0x3] =	sbarrier.arrive $0xFFFF  }
0x82: {  	_ =	shalt  }

</sc_bundles>
